<compile_context>
chip_gen: v7x
topology: tpu7x:2x2x1
jax: 0.10.2.dev20260603
libtpu: 0.0.44.dev20260713+nightly
codegen_flags: <defaults>
</compile_context>

<pallas_src>
import functools

import jax
import jax.numpy as jnp
from jax import lax
from jax.experimental import pallas as pl
from jax.experimental.pallas import tpu as pltpu
from jax.experimental.pallas import tpu_sc as plsc

N = 10000
N_PAD = 10240
E = 320000
D = 128

NC = 2
NS = 16
NW = NC * NS

CHUNK = 128
E_PAD = NW * 80 * CHUNK
NCHUNK = E_PAD // CHUNK
CPT = NCHUNK // NW
CPT0 = 112
CPT1 = 160 - CPT0
ROWS_PER_TILE = N_PAD // NS

_MESH = plsc.VectorSubcoreMesh(core_axis_name="c", subcore_axis_name="s")
_SC_PARAMS = pltpu.CompilerParams(needs_layout_passes=False)


@functools.partial(
    pl.kernel,
    out_type=(
        jax.ShapeDtypeStruct((N_PAD,), jnp.float32),
        jax.ShapeDtypeStruct((N_PAD,), jnp.float32),
    ),
    mesh=_MESH,
    scratch_types=[
        pltpu.VMEM((CPT, CHUNK), jnp.int32),
        pltpu.VMEM((CHUNK,), jnp.float32),
        pltpu.VMEM((ROWS_PER_TILE,), jnp.float32),
        pltpu.VMEM_SHARED((N_PAD,), jnp.float32),
    ],
    compiler_params=_SC_PARAMS,
)
def _degree_kernel(col_hbm, d0_hbm, d1_hbm, col_v, ones_v, zeros_v, d_sh):
    cid = lax.axis_index("c")
    sid = lax.axis_index("s")
    wid = sid * NC + cid

    def fill_zeros(i, _):
        zeros_v[pl.ds(i * 16, 16)] = jnp.zeros((16,), jnp.float32)
        return 0

    lax.fori_loop(0, ROWS_PER_TILE // 16, fill_zeros, 0)
    for k in range(CHUNK // 16):
        ones_v[pl.ds(k * 16, 16)] = jnp.ones((16,), jnp.float32)

    pltpu.sync_copy(zeros_v, d_sh.at[pl.ds(sid * ROWS_PER_TILE, ROWS_PER_TILE)])
    plsc.subcore_barrier()

    pltpu.sync_copy(col_hbm.at[pl.ds(wid * CPT, CPT)], col_v)

    def body(j, _):
        pltpu.sync_copy(ones_v, d_sh.at[col_v.at[j]], add=True)
        return 0

    lax.fori_loop(0, CPT, body, 0)
    plsc.subcore_barrier()

    sl = pl.ds(sid * ROWS_PER_TILE, ROWS_PER_TILE)

    @pl.when(cid == 0)
    def _():
        pltpu.sync_copy(d_sh.at[sl], d0_hbm.at[sl])

    @pl.when(cid == 1)
    def _():
        pltpu.sync_copy(d_sh.at[sl], d1_hbm.at[sl])


def _rsqrt_body(d0_ref, d1_ref, r_ref):
    d = d0_ref[...] + d1_ref[...]
    r_ref[...] = jnp.where(d > 0.0, lax.rsqrt(d), 0.0)


def _rsqrt(d0, d1):
    return pl.pallas_call(
        _rsqrt_body,
        out_shape=jax.ShapeDtypeStruct((8, N_PAD // 8), jnp.float32),
    )(d0.reshape(8, N_PAD // 8), d1.reshape(8, N_PAD // 8))


@functools.partial(
    pl.kernel,
    out_type=jax.ShapeDtypeStruct((NC, N_PAD, D), jnp.float32),
    mesh=_MESH,
    scratch_types=[
        pltpu.VMEM((2, 1, CHUNK), jnp.int32),
        pltpu.VMEM((2, 1, CHUNK), jnp.float32),
        pltpu.VMEM((N_PAD,), jnp.float32),
        pltpu.VMEM((2, CHUNK), jnp.int32),
        pltpu.VMEM((2, CHUNK), jnp.int32),
        pltpu.VMEM((2, CHUNK), jnp.float32),
        pltpu.VMEM((2, CHUNK, D), jnp.float32),
        pltpu.VMEM_SHARED((N_PAD, D), jnp.float32),
        pltpu.SemaphoreType.DMA((2,)),
        pltpu.SemaphoreType.DMA((2,)),
    ],
    compiler_params=_SC_PARAMS,
)
def _spmm_kernel(pk_hbm, ev_hbm, r_hbm, x_hbm, agg_hbm,
                 pk_v, ev_v, r_v, col_c, row_c, vals_v, rows_v, agg_sh,
                 sem_g, sem_s):
    cid = lax.axis_index("c")
    sid = lax.axis_index("s")
    cptc = jnp.where(cid == 0, CPT0, CPT1)
    base = jnp.where(cid == 0, sid * CPT0, NS * CPT0 + sid * CPT1)

    def zero_rows(t, _):
        rows_v[0, t // 8, pl.ds((t % 8) * 16, 16)] = jnp.zeros(
            (16,), jnp.float32
        )
        return 0

    lax.fori_loop(0, CHUNK * 8, zero_rows, 0)
    for k in range(ROWS_PER_TILE // CHUNK):
        pltpu.sync_copy(
            rows_v.at[0],
            agg_sh.at[pl.ds(sid * ROWS_PER_TILE + k * CHUNK, CHUNK)],
        )
    plsc.subcore_barrier()

    pltpu.sync_copy(r_hbm, r_v)

    def stage_idx(j, b):
        pltpu.sync_copy(pk_hbm.at[base + j], pk_v.at[b])
        pltpu.sync_copy(ev_hbm.at[base + j], ev_v.at[b])
        for k in range(CHUNK // 16):
            sl = pl.ds(k * 16, 16)
            pk = pk_v[b, 0, sl]
            cvec = jnp.bitwise_and(pk, 16383)
            rvec = lax.shift_right_logical(pk, 14)
            col_c[b, sl] = cvec
            row_c[b, sl] = rvec
            rc = plsc.load_gather(r_v, [cvec])
            rr = plsc.load_gather(r_v, [rvec])
            vals_v[b, sl] = ev_v[b, 0, sl] * rc * rr

    stage_idx(0, 0)
    pltpu.async_copy(x_hbm.at[col_c.at[0]], rows_v.at[0], sem_g.at[0])

    def chunk_body(j, _):
        b = lax.rem(j, 2)
        bn = 1 - b

        @pl.when(jnp.logical_and(j >= 1, j < cptc - 1))
        def _():
            pltpu.make_async_copy(
                rows_v.at[bn], agg_sh.at[row_c.at[bn]], sem_s.at[bn]
            ).wait()

        @pl.when(j < cptc - 1)
        def _():
            stage_idx(j + 1, bn)
            pltpu.async_copy(
                x_hbm.at[col_c.at[bn]], rows_v.at[bn], sem_g.at[bn]
            )

        pltpu.make_async_copy(
            x_hbm.at[col_c.at[b]], rows_v.at[b], sem_g.at[b]
        ).wait()

        def edge_body(e2, _):
            for u in range(4):
                e = e2 * 4 + u
                vb = plsc.load_gather(
                    vals_v, [jnp.full((16,), b, jnp.int32),
                             jnp.full((16,), e, jnp.int32)]
                )
                for q in range(8):
                    s2 = pl.ds(q * 16, 16)
                    rows_v[b, e, s2] = rows_v[b, e, s2] * vb
            return 0

        lax.fori_loop(0, CHUNK // 4, edge_body, 0)

        pltpu.async_copy(
            rows_v.at[b], agg_sh.at[row_c.at[b]], sem_s.at[b], add=True
        )
        return 0

    lax.fori_loop(0, cptc, chunk_body, 0)
    for b in range(2):
        pltpu.make_async_copy(
            rows_v.at[b], agg_sh.at[row_c.at[b]], sem_s.at[b]
        ).wait()
    plsc.subcore_barrier()
    pltpu.sync_copy(
        agg_sh.at[pl.ds(sid * ROWS_PER_TILE, ROWS_PER_TILE)],
        agg_hbm.at[cid, pl.ds(sid * ROWS_PER_TILE, ROWS_PER_TILE)],
    )


def _mm_body(a0_ref, a1_ref, wt_ref, b_ref, o_ref):
    a = a0_ref[...] + a1_ref[...]
    o_ref[...] = (
        jnp.dot(a, wt_ref[...], preferred_element_type=jnp.float32) + b_ref[...]
    )


def _matmul(a0, a1, wt, bias2d):
    mb = 1024
    return pl.pallas_call(
        _mm_body,
        grid=(N_PAD // mb,),
        in_specs=[
            pl.BlockSpec((mb, D), lambda i: (i, 0)),
            pl.BlockSpec((mb, D), lambda i: (i, 0)),
            pl.BlockSpec((D, D), lambda i: (0, 0)),
            pl.BlockSpec((1, D), lambda i: (0, 0)),
        ],
        out_specs=pl.BlockSpec((mb, D), lambda i: (i, 0)),
        out_shape=jax.ShapeDtypeStruct((N_PAD, D), jnp.float32),
    )(a0, a1, wt, bias2d)


def kernel(x, edge_index, edge_values, x0, W_weight, W_bias):
    pad = E_PAD - E
    pad_idx = jnp.full((pad,), N, jnp.int32)
    row_p = jnp.concatenate([edge_index[0], pad_idx])
    col_p = jnp.concatenate([edge_index[1], pad_idx])
    col2d = col_p.reshape(NCHUNK, CHUNK)
    pk4 = (row_p * 16384 + col_p).reshape(NCHUNK, 1, CHUNK)
    ev4 = jnp.concatenate(
        [edge_values, jnp.zeros((pad,), jnp.float32)]
    ).reshape(NCHUNK, 1, CHUNK)
    x_p = jnp.concatenate([x, jnp.zeros((N_PAD - N, D), jnp.float32)])

    d0, d1 = _degree_kernel(col2d)
    r = _rsqrt(d0, d1).reshape(N_PAD)
    agg2 = _spmm_kernel(pk4, ev4, r, x_p)
    out = _matmul(agg2[0], agg2[1], W_weight.T, W_bias.reshape(1, D))
    return out[:N]

# --- scband reference (transcript-rebuilt; emitter-appended) ---
"""Pipeline reference for scband-graph-conv-layer-62569083568680 (READ-ONLY COPY).

The authoritative reference and input builder live on the scoring server;
editing this copy changes nothing except your own understanding.
"""

import jax, jax.numpy as jnp
import numpy as np

N = 10000
E = 320000
D_IN = 128
D_OUT = 128


def setup_inputs(seed: int = 0) -> dict:
    key = jax.random.key(seed)
    k1, k2, k3, k4, k5 = jax.random.split(key, 5)
    x = jax.random.normal(k1, (N, D_IN), dtype=jnp.float32)
    edge_index = jax.random.randint(k2, (2, E), 0, N, dtype=jnp.int32)
    edge_values = jax.random.uniform(k3, (E,), dtype=jnp.float32)
    x0 = jax.random.normal(k4, (N, D_IN), dtype=jnp.float32)
    # nn.Linear(in_channels, out_channels): weight [out, in], bias [out]
    bound = 1.0 / np.sqrt(D_IN)
    k5a, k5b = jax.random.split(k5)
    W_weight = jax.random.uniform(k5a, (D_OUT, D_IN), dtype=jnp.float32, minval=-bound, maxval=bound)
    W_bias = jax.random.uniform(k5b, (D_OUT,), dtype=jnp.float32, minval=-bound, maxval=bound)
    return {"x": x, "edge_index": edge_index, "edge_values": edge_values, "x0": x0, "W_weight": W_weight, "W_bias": W_bias}


def reference(x, edge_index, edge_values, x0, W_weight, W_bias):
    row = edge_index[0]
    col = edge_index[1]
    # normalize_adj (sparse branch): symmetric degree normalization
    d = jnp.zeros((N,), dtype=jnp.float32).at[col].add(1.0)  # degree(col, N)
    d_norm_in = 1.0 / jnp.sqrt(d[col])
    d_norm_out = 1.0 / jnp.sqrt(d[row])
    vals = edge_values * d_norm_in * d_norm_out
    vals = jnp.nan_to_num(vals, nan=0.0, posinf=0.0, neginf=0.0)
    # adj @ x: out[row] += vals * x[col]
    msg = vals[:, None] * jnp.take(x, col, axis=0)
    agg = jax.ops.segment_sum(msg, row, num_segments=N)
    # use_init=False, use_weight=True -> x = self.W(x)
    out = agg @ W_weight.T + W_bias
    return out

if __name__ == "__main__":
    import jax
    _d = setup_inputs()
    print(jax.jit(kernel)(*tuple(_d.values())))

</pallas_src>

<mosaic_0001>
#map = affine_map<(d0, d1) -> (0, 0)>
#map1 = affine_map<(d0, d1) -> (0)>
module attributes {stable_mosaic.version = 14 : i64} {
  func.func @_degree_kernel(%arg0: i32, %arg1: i32, %arg2: memref<2560x128xi32, #tpu.memory_space<hbm>>, %arg3: memref<10240xf32, #tpu.memory_space<hbm>>, %arg4: memref<10240xf32, #tpu.memory_space<hbm>>, %arg5: memref<80x128xi32, #tpu.memory_space<vmem>>, %arg6: memref<128xf32, #tpu.memory_space<vmem>>, %arg7: memref<640xf32, #tpu.memory_space<vmem>>, %arg8: memref<10240xf32, #tpu.memory_space<vmem_shared>>) attributes {dimension_semantics = [#tpu.dimension_semantics<core_parallel>, #tpu.dimension_semantics<subcore_parallel>], iteration_bounds = array<i64: 2, 16>, scalar_prefetch = 0 : i64, scratch_operands = 4 : i64, tpu.core_type = #tpu.core_type<sc_vector_subcore>, window_params = [{transform_indices = #map}, {transform_indices = #map1}, {transform_indices = #map1}]} {
    %mul3A = arith.constant 2 : i32
    %mul3A_0 = arith.muli %arg1, %mul3A : i32
    %add3A = arith.addi %mul3A_0, %arg0 : i32
    %scan3A = arith.constant 0 : i32
    %scan3A_1 = arith.constant 0 : i32
    %scan3A_2 = arith.constant 40 : i32
    %scan3A_3 = arith.addi %scan3A_1, %scan3A_2 : i32
    %scan3A_4 = arith.constant 1 : i32
    %scan3A_5 = scf.for %scan3A_58 = %scan3A_1 to %scan3A_3 step %scan3A_4 iter_args(%scan3A_59 = %scan3A) -> (i32)  : i32 {
      %broadcast_in_dim3A_60 = arith.constant 0.000000e+00 : f32
      %broadcast_in_dim3A_61 = vector.broadcast %broadcast_in_dim3A_60 : f32 to vector<16xf32>
      %mul3A_62 = arith.constant 16 : i32
      %mul3A_63 = arith.muli %scan3A_58, %mul3A_62 : i32
      %swap3A_64 = arith.index_cast %mul3A_63 : i32 to index
      %swap3A_65 = tpu.vector_load %arg7[%swap3A_64] {strides = array<i32>} : memref<640xf32, #tpu.memory_space<vmem>>, vector<16xf32>,
      tpu.vector_store %arg7[%swap3A_64], %broadcast_in_dim3A_61 {strides = array<i32>} : memref<640xf32, #tpu.memory_space<vmem>>, vector<16xf32>,
      %scan3A_66 = arith.constant 0 : i32
      scf.yield %scan3A_66 : i32
    }
    %scan3A_6 = arith.constant 40 : i32
    %broadcast_in_dim3A = arith.constant 1.000000e+00 : f32
    %broadcast_in_dim3A_7 = vector.broadcast %broadcast_in_dim3A : f32 to vector<16xf32>
    %swap3A = arith.constant 0 : index
    %swap3A_8 = tpu.vector_load %arg6[%swap3A] {strides = array<i32>} : memref<128xf32, #tpu.memory_space<vmem>>, vector<16xf32>,
    tpu.vector_store %arg6[%swap3A], %broadcast_in_dim3A_7 {strides = array<i32>} : memref<128xf32, #tpu.memory_space<vmem>>, vector<16xf32>,
    %broadcast_in_dim3A_9 = arith.constant 1.000000e+00 : f32
    %broadcast_in_dim3A_10 = vector.broadcast %broadcast_in_dim3A_9 : f32 to vector<16xf32>
    %swap3A_11 = arith.constant 16 : index
    %swap3A_12 = tpu.vector_load %arg6[%swap3A_11] {strides = array<i32>} : memref<128xf32, #tpu.memory_space<vmem>>, vector<16xf32>,
    tpu.vector_store %arg6[%swap3A_11], %broadcast_in_dim3A_10 {strides = array<i32>} : memref<128xf32, #tpu.memory_space<vmem>>, vector<16xf32>,
    %broadcast_in_dim3A_13 = arith.constant 1.000000e+00 : f32
    %broadcast_in_dim3A_14 = vector.broadcast %broadcast_in_dim3A_13 : f32 to vector<16xf32>
    %swap3A_15 = arith.constant 32 : index
    %swap3A_16 = tpu.vector_load %arg6[%swap3A_15] {strides = array<i32>} : memref<128xf32, #tpu.memory_space<vmem>>, vector<16xf32>,
    tpu.vector_store %arg6[%swap3A_15], %broadcast_in_dim3A_14 {strides = array<i32>} : memref<128xf32, #tpu.memory_space<vmem>>, vector<16xf32>,
    %broadcast_in_dim3A_17 = arith.constant 1.000000e+00 : f32
    %broadcast_in_dim3A_18 = vector.broadcast %broadcast_in_dim3A_17 : f32 to vector<16xf32>
    %swap3A_19 = arith.constant 48 : index
    %swap3A_20 = tpu.vector_load %arg6[%swap3A_19] {strides = array<i32>} : memref<128xf32, #tpu.memory_space<vmem>>, vector<16xf32>,
    tpu.vector_store %arg6[%swap3A_19], %broadcast_in_dim3A_18 {strides = array<i32>} : memref<128xf32, #tpu.memory_space<vmem>>, vector<16xf32>,
    %broadcast_in_dim3A_21 = arith.constant 1.000000e+00 : f32
    %broadcast_in_dim3A_22 = vector.broadcast %broadcast_in_dim3A_21 : f32 to vector<16xf32>
    %swap3A_23 = arith.constant 64 : index
    %swap3A_24 = tpu.vector_load %arg6[%swap3A_23] {strides = array<i32>} : memref<128xf32, #tpu.memory_space<vmem>>, vector<16xf32>,
    tpu.vector_store %arg6[%swap3A_23], %broadcast_in_dim3A_22 {strides = array<i32>} : memref<128xf32, #tpu.memory_space<vmem>>, vector<16xf32>,
    %broadcast_in_dim3A_25 = arith.constant 1.000000e+00 : f32
    %broadcast_in_dim3A_26 = vector.broadcast %broadcast_in_dim3A_25 : f32 to vector<16xf32>
    %swap3A_27 = arith.constant 80 : index
    %swap3A_28 = tpu.vector_load %arg6[%swap3A_27] {strides = array<i32>} : memref<128xf32, #tpu.memory_space<vmem>>, vector<16xf32>,
    tpu.vector_store %arg6[%swap3A_27], %broadcast_in_dim3A_26 {strides = array<i32>} : memref<128xf32, #tpu.memory_space<vmem>>, vector<16xf32>,
    %broadcast_in_dim3A_29 = arith.constant 1.000000e+00 : f32
    %broadcast_in_dim3A_30 = vector.broadcast %broadcast_in_dim3A_29 : f32 to vector<16xf32>
    %swap3A_31 = arith.constant 96 : index
    %swap3A_32 = tpu.vector_load %arg6[%swap3A_31] {strides = array<i32>} : memref<128xf32, #tpu.memory_space<vmem>>, vector<16xf32>,
    tpu.vector_store %arg6[%swap3A_31], %broadcast_in_dim3A_30 {strides = array<i32>} : memref<128xf32, #tpu.memory_space<vmem>>, vector<16xf32>,
    %broadcast_in_dim3A_33 = arith.constant 1.000000e+00 : f32
    %broadcast_in_dim3A_34 = vector.broadcast %broadcast_in_dim3A_33 : f32 to vector<16xf32>
    %swap3A_35 = arith.constant 112 : index
    %swap3A_36 = tpu.vector_load %arg6[%swap3A_35] {strides = array<i32>} : memref<128xf32, #tpu.memory_space<vmem>>, vector<16xf32>,
    tpu.vector_store %arg6[%swap3A_35], %broadcast_in_dim3A_34 {strides = array<i32>} : memref<128xf32, #tpu.memory_space<vmem>>, vector<16xf32>,
    %mul3A_37 = arith.constant 640 : i32
    %mul3A_38 = arith.muli %arg1, %mul3A_37 : i32
    "tpu.region"() ({
      %run_scoped3A = tpu.sem_alloc : memref<!tpu.dma_semaphore, #tpu.memory_space<semaphore_mem>>
      %dma_start3A = tpu.memref_slice %arg8[%mul3A_38] : memref<10240xf32, #tpu.memory_space<vmem_shared>> -> memref<640xf32, #tpu.memory_space<vmem_shared>>
      %dma_start3A_58 = tpu.memref_slice %arg8[%mul3A_38] : memref<10240xf32, #tpu.memory_space<vmem_shared>> -> memref<640xf32, #tpu.memory_space<vmem_shared>>
      tpu.enqueue_dma source(%arg7 : memref<640xf32, #tpu.memory_space<vmem>>) target(%dma_start3A_58 : memref<640xf32, #tpu.memory_space<vmem_shared>>) target_semaphore(%run_scoped3A : memref<!tpu.dma_semaphore, #tpu.memory_space<semaphore_mem>>)
      %dma_wait3A = tpu.memref_slice %arg8[%mul3A_38] : memref<10240xf32, #tpu.memory_space<vmem_shared>> -> memref<640xf32, #tpu.memory_space<vmem_shared>>
      %dma_wait3A_59 = tpu.memref_slice %arg8[%mul3A_38] : memref<10240xf32, #tpu.memory_space<vmem_shared>> -> memref<640xf32, #tpu.memory_space<vmem_shared>>
      tpu.wait_dma2 semaphore(%run_scoped3A : memref<!tpu.dma_semaphore, #tpu.memory_space<semaphore_mem>>) src(%arg7 : memref<640xf32, #tpu.memory_space<vmem>>) dst(%dma_wait3A_59 : memref<640xf32, #tpu.memory_space<vmem_shared>>)
      tpu.yield
    }) : () -> ()
    %barrier3A = arith.constant 0 : index
    tpu.barrier barrier_id(%barrier3A)
    %mul3A_39 = arith.constant 80 : i32
    %mul3A_40 = arith.muli %add3A, %mul3A_39 : i32
    "tpu.region"() ({
      %run_scoped3A = tpu.sem_alloc : memref<!tpu.dma_semaphore, #tpu.memory_space<semaphore_mem>>
      %dma_start3A = arith.constant 0 : i32
      %dma_start3A_58 = tpu.memref_slice %arg2[%mul3A_40, %dma_start3A] : memref<2560x128xi32, #tpu.memory_space<hbm>> -> memref<80x128xi32, #tpu.memory_space<hbm>>
      %dma_start3A_59 = arith.constant 0 : i32
      %dma_start3A_60 = tpu.memref_slice %arg2[%mul3A_40, %dma_start3A_59] : memref<2560x128xi32, #tpu.memory_space<hbm>> -> memref<80x128xi32, #tpu.memory_space<hbm>>
      tpu.enqueue_dma source(%dma_start3A_60 : memref<80x128xi32, #tpu.memory_space<hbm>>) target(%arg5 : memref<80x128xi32, #tpu.memory_space<vmem>>) target_semaphore(%run_scoped3A : memref<!tpu.dma_semaphore, #tpu.memory_space<semaphore_mem>>)
      %dma_wait3A = arith.constant 0 : i32
      %dma_wait3A_61 = tpu.memref_slice %arg2[%mul3A_40, %dma_wait3A] : memref<2560x128xi32, #tpu.memory_space<hbm>> -> memref<80x128xi32, #tpu.memory_space<hbm>>
      %dma_wait3A_62 = arith.constant 0 : i32
      %dma_wait3A_63 = tpu.memref_slice %arg2[%mul3A_40, %dma_wait3A_62] : memref<2560x128xi32, #tpu.memory_space<hbm>> -> memref<80x128xi32, #tpu.memory_space<hbm>>
      tpu.wait_dma2 semaphore(%run_scoped3A : memref<!tpu.dma_semaphore, #tpu.memory_space<semaphore_mem>>) src(%dma_wait3A_63 : memref<80x128xi32, #tpu.memory_space<hbm>>) dst(%arg5 : memref<80x128xi32, #tpu.memory_space<vmem>>)
      tpu.yield
    }) : () -> ()
    %scan3A_41 = arith.constant 0 : i32
    %scan3A_42 = arith.constant 0 : i32
    %scan3A_43 = arith.constant 80 : i32
    %scan3A_44 = arith.addi %scan3A_42, %scan3A_43 : i32
    %scan3A_45 = arith.constant 1 : i32
    %scan3A_46 = scf.for %scan3A_58 = %scan3A_42 to %scan3A_44 step %scan3A_45 iter_args(%scan3A_59 = %scan3A_41) -> (i32)  : i32 {
      "tpu.region"() ({
        %run_scoped3A = tpu.sem_alloc : memref<!tpu.dma_semaphore, #tpu.memory_space<semaphore_mem>>
        %dma_start3A = arith.constant 0 : i32
        %dma_start3A_61 = tpu.memref_slice %arg5[%scan3A_58, %dma_start3A] : memref<80x128xi32, #tpu.memory_space<vmem>> -> memref<1x128xi32, #tpu.memory_space<vmem>>
        %dma_start3A_62 = tpu.memref_squeeze %dma_start3A_61 : memref<1x128xi32, #tpu.memory_space<vmem>> -> memref<128xi32, #tpu.memory_space<vmem>>
        %dma_start3A_63 = arith.constant 0 : i32
        %dma_start3A_64 = tpu.memref_slice %arg8[%dma_start3A_63] : memref<10240xf32, #tpu.memory_space<vmem_shared>> -> memref<10240xf32, #tpu.memory_space<vmem_shared>>
        tpu.enqueue_indirect_dma source(%arg6 : memref<128xf32, #tpu.memory_space<vmem>>) target(%dma_start3A_64 : memref<10240xf32, #tpu.memory_space<vmem_shared>>) offsets(%dma_start3A_62 : memref<128xi32, #tpu.memory_space<vmem>>) semaphore(%run_scoped3A : memref<!tpu.dma_semaphore, #tpu.memory_space<semaphore_mem>>) {add = true}
        %dma_wait3A = arith.constant 0 : i32
        %dma_wait3A_65 = tpu.memref_slice %arg5[%scan3A_58, %dma_wait3A] : memref<80x128xi32, #tpu.memory_space<vmem>> -> memref<1x128xi32, #tpu.memory_space<vmem>>
        %dma_wait3A_66 = tpu.memref_squeeze %dma_wait3A_65 : memref<1x128xi32, #tpu.memory_space<vmem>> -> memref<128xi32, #tpu.memory_space<vmem>>
        %dma_wait3A_67 = arith.constant 0 : i32
        %dma_wait3A_68 = tpu.memref_slice %arg8[%dma_wait3A_67] : memref<10240xf32, #tpu.memory_space<vmem_shared>> -> memref<10240xf32, #tpu.memory_space<vmem_shared>>
        tpu.wait_indirect_dma semaphore(%run_scoped3A : memref<!tpu.dma_semaphore, #tpu.memory_space<semaphore_mem>>) src(%arg6 : memref<128xf32, #tpu.memory_space<vmem>>) dst(%dma_wait3A_68 : memref<10240xf32, #tpu.memory_space<vmem_shared>>)
        tpu.yield
      }) : () -> ()
      %scan3A_60 = arith.constant 0 : i32
      scf.yield %scan3A_60 : i32
    }
    %scan3A_47 = arith.constant 80 : i32
    %barrier3A_48 = arith.constant 0 : index
    tpu.barrier barrier_id(%barrier3A_48)
    %mul3A_49 = arith.constant 640 : i32
    %mul3A_50 = arith.muli %arg1, %mul3A_49 : i32
    %eq3A = arith.constant 0 : i32
    %eq3A_51 = arith.cmpi eq, %arg0, %eq3A : i32
    %convert_element_type3A = arith.extui %eq3A_51 : i1 to i32
    %cond3A = arith.constant 0 : i32
    %cond3A_52 = arith.cmpi ne, %convert_element_type3A, %cond3A : i32
    scf.if %cond3A_52 {
      "tpu.region"() ({
        %run_scoped3A = tpu.sem_alloc : memref<!tpu.dma_semaphore, #tpu.memory_space<semaphore_mem>>
        %dma_start3A = tpu.memref_slice %arg3[%mul3A_50] : memref<10240xf32, #tpu.memory_space<hbm>> -> memref<640xf32, #tpu.memory_space<hbm>>
        %dma_start3A_58 = tpu.memref_slice %arg8[%mul3A_50] : memref<10240xf32, #tpu.memory_space<vmem_shared>> -> memref<640xf32, #tpu.memory_space<vmem_shared>>
        tpu.enqueue_dma source(%dma_start3A_58 : memref<640xf32, #tpu.memory_space<vmem_shared>>) target(%dma_start3A : memref<640xf32, #tpu.memory_space<hbm>>) target_semaphore(%run_scoped3A : memref<!tpu.dma_semaphore, #tpu.memory_space<semaphore_mem>>)
        %dma_wait3A = tpu.memref_slice %arg3[%mul3A_50] : memref<10240xf32, #tpu.memory_space<hbm>> -> memref<640xf32, #tpu.memory_space<hbm>>
        %dma_wait3A_59 = tpu.memref_slice %arg8[%mul3A_50] : memref<10240xf32, #tpu.memory_space<vmem_shared>> -> memref<640xf32, #tpu.memory_space<vmem_shared>>
        tpu.wait_dma2 semaphore(%run_scoped3A : memref<!tpu.dma_semaphore, #tpu.memory_space<semaphore_mem>>) src(%dma_wait3A_59 : memref<640xf32, #tpu.memory_space<vmem_shared>>) dst(%dma_wait3A : memref<640xf32, #tpu.memory_space<hbm>>)
        tpu.yield
      }) : () -> ()
    } else {
    }
    %eq3A_53 = arith.constant 1 : i32
    %eq3A_54 = arith.cmpi eq, %arg0, %eq3A_53 : i32
    %convert_element_type3A_55 = arith.extui %eq3A_54 : i1 to i32
    %cond3A_56 = arith.constant 0 : i32
    %cond3A_57 = arith.cmpi ne, %convert_element_type3A_55, %cond3A_56 : i32
    scf.if %cond3A_57 {
      "tpu.region"() ({
        %run_scoped3A = tpu.sem_alloc : memref<!tpu.dma_semaphore, #tpu.memory_space<semaphore_mem>>
        %dma_start3A = tpu.memref_slice %arg4[%mul3A_50] : memref<10240xf32, #tpu.memory_space<hbm>> -> memref<640xf32, #tpu.memory_space<hbm>>
        %dma_start3A_58 = tpu.memref_slice %arg8[%mul3A_50] : memref<10240xf32, #tpu.memory_space<vmem_shared>> -> memref<640xf32, #tpu.memory_space<vmem_shared>>
        tpu.enqueue_dma source(%dma_start3A_58 : memref<640xf32, #tpu.memory_space<vmem_shared>>) target(%dma_start3A : memref<640xf32, #tpu.memory_space<hbm>>) target_semaphore(%run_scoped3A : memref<!tpu.dma_semaphore, #tpu.memory_space<semaphore_mem>>)
        %dma_wait3A = tpu.memref_slice %arg4[%mul3A_50] : memref<10240xf32, #tpu.memory_space<hbm>> -> memref<640xf32, #tpu.memory_space<hbm>>
        %dma_wait3A_59 = tpu.memref_slice %arg8[%mul3A_50] : memref<10240xf32, #tpu.memory_space<vmem_shared>> -> memref<640xf32, #tpu.memory_space<vmem_shared>>
        tpu.wait_dma2 semaphore(%run_scoped3A : memref<!tpu.dma_semaphore, #tpu.memory_space<semaphore_mem>>) src(%dma_wait3A_59 : memref<640xf32, #tpu.memory_space<vmem_shared>>) dst(%dma_wait3A : memref<640xf32, #tpu.memory_space<hbm>>)
        tpu.yield
      }) : () -> ()
    } else {
    }
    return
  }
}

#map = affine_map<(d0, d1) -> (0, 0, 0)>
#map1 = affine_map<(d0, d1) -> (0)>
#map2 = affine_map<(d0, d1) -> (0, 0)>
module attributes {stable_mosaic.version = 14 : i64} {
  func.func @_spmm_kernel(%arg0: i32, %arg1: i32, %arg2: memref<2560x1x128xi32, #tpu.memory_space<hbm>>, %arg3: memref<2560x1x128xf32, #tpu.memory_space<hbm>>, %arg4: memref<10240xf32, #tpu.memory_space<hbm>>, %arg5: memref<10240x128xf32, #tpu.memory_space<hbm>>, %arg6: memref<2x10240x128xf32, #tpu.memory_space<hbm>>, %arg7: memref<2x1x128xi32, #tpu.memory_space<vmem>>, %arg8: memref<2x1x128xf32, #tpu.memory_space<vmem>>, %arg9: memref<10240xf32, #tpu.memory_space<vmem>>, %arg10: memref<2x128xi32, #tpu.memory_space<vmem>>, %arg11: memref<2x128xi32, #tpu.memory_space<vmem>>, %arg12: memref<2x128xf32, #tpu.memory_space<vmem>>, %arg13: memref<2x128x128xf32, #tpu.memory_space<vmem>>, %arg14: memref<10240x128xf32, #tpu.memory_space<vmem_shared>>, %arg15: memref<2x!tpu.dma_semaphore, #tpu.memory_space<semaphore_mem>>, %arg16: memref<2x!tpu.dma_semaphore, #tpu.memory_space<semaphore_mem>>) attributes {dimension_semantics = [#tpu.dimension_semantics<core_parallel>, #tpu.dimension_semantics<subcore_parallel>], iteration_bounds = array<i64: 2, 16>, scalar_prefetch = 0 : i64, scratch_operands = 10 : i64, tpu.core_type = #tpu.core_type<sc_vector_subcore>, window_params = [{transform_indices = #map}, {transform_indices = #map}, {transform_indices = #map1}, {transform_indices = #map2}, {transform_indices = #map}]} {
    %eq3A = arith.constant 0 : i32
    %eq3A_0 = arith.cmpi eq, %arg0, %eq3A : i32
    %jit3A = arith.constant 112 : i32
    %jit3A_1 = arith.constant 48 : i32
    %select_n3A = arith.select %eq3A_0, %jit3A, %jit3A_1 : i32
    %eq3A_2 = arith.constant 0 : i32
    %eq3A_3 = arith.cmpi eq, %arg0, %eq3A_2 : i32
    %mul3A = arith.constant 112 : i32
    %mul3A_4 = arith.muli %arg1, %mul3A : i32
    %mul3A_5 = arith.constant 48 : i32
    %mul3A_6 = arith.muli %arg1, %mul3A_5 : i32
    %add3A = arith.constant 1792 : i32
    %add3A_7 = arith.addi %add3A, %mul3A_6 : i32
    %select_n3A_8 = arith.select %eq3A_3, %mul3A_4, %add3A_7 : i32
    %scan3A = arith.constant 0 : i32
    %scan3A_9 = arith.constant 0 : i32
    %scan3A_10 = arith.constant 1024 : i32
    %scan3A_11 = arith.addi %scan3A_9, %scan3A_10 : i32
    %scan3A_12 = arith.constant 1 : i32
    %scan3A_13 = scf.for %scan3A_371 = %scan3A_9 to %scan3A_11 step %scan3A_12 iter_args(%scan3A_372 = %scan3A) -> (i32)  : i32 {
      %broadcast_in_dim3A = arith.constant 0.000000e+00 : f32
      %broadcast_in_dim3A_373 = vector.broadcast %broadcast_in_dim3A : f32 to vector<16xf32>
      %jit3A_374 = arith.constant 8 : i32
      %div3A = arith.divsi %scan3A_371, %jit3A_374 : i32
      %sign3A = arith.constant 0 : i32
      %sign3A_375 = arith.cmpi sgt, %scan3A_371, %sign3A : i32
      %sign3A_376 = arith.extui %sign3A_375 : i1 to i32
      %sign3A_377 = arith.constant 0 : i32
      %sign3A_378 = arith.cmpi slt, %scan3A_371, %sign3A_377 : i32
      %sign3A_379 = arith.extui %sign3A_378 : i1 to i32
      %sign3A_380 = arith.subi %sign3A_376, %sign3A_379 : i32
      %sign3A_381 = arith.constant 0 : i32
      %sign3A_382 = arith.cmpi sgt, %jit3A_374, %sign3A_381 : i32
      %sign3A_383 = arith.extui %sign3A_382 : i1 to i32
      %sign3A_384 = arith.constant 0 : i32
      %sign3A_385 = arith.cmpi slt, %jit3A_374, %sign3A_384 : i32
      %sign3A_386 = arith.extui %sign3A_385 : i1 to i32
      %sign3A_387 = arith.subi %sign3A_383, %sign3A_386 : i32
      %ne3A = arith.cmpi ne, %sign3A_380, %sign3A_387 : i32
      %rem3A = arith.remsi %scan3A_371, %jit3A_374 : i32
      %ne3A_388 = arith.constant 0 : i32
      %ne3A_389 = arith.cmpi ne, %rem3A, %ne3A_388 : i32
      %and3A_390 = arith.andi %ne3A, %ne3A_389 : i1
      %sub3A = arith.constant 1 : i32
      %sub3A_391 = arith.subi %div3A, %sub3A : i32
      %select_n3A_392 = arith.select %and3A_390, %sub3A_391, %div3A : i32
      %jit3A_393 = arith.constant 8 : i32
      %eq3A_394 = arith.constant 0 : i32
      %eq3A_395 = arith.cmpi eq, %jit3A_393, %eq3A_394 : i32
      %jit3A_396 = arith.constant 1 : i32
      %select_n3A_397 = arith.select %eq3A_395, %jit3A_396, %jit3A_393 : i32
      %rem3A_398 = arith.remsi %scan3A_371, %select_n3A_397 : i32
      %ne3A_399 = arith.constant 0 : i32
      %ne3A_400 = arith.cmpi ne, %rem3A_398, %ne3A_399 : i32
      %lt3A = arith.constant 0 : i32
      %lt3A_401 = arith.cmpi slt, %rem3A_398, %lt3A : i32
      %lt3A_402 = arith.constant 0 : i32
      %lt3A_403 = arith.cmpi slt, %select_n3A_397, %lt3A_402 : i32
      %ne3A_404 = arith.xori %lt3A_401, %lt3A_403 : i1
      %and3A_405 = arith.andi %ne3A_404, %ne3A_400 : i1
      %add3A_406 = arith.addi %rem3A_398, %select_n3A_397 : i32
      %select_n3A_407 = arith.select %and3A_405, %add3A_406, %rem3A_398 : i32
      %mul3A_408 = arith.constant 16 : i32
      %mul3A_409 = arith.muli %select_n3A_407, %mul3A_408 : i32
      %swap3A_410 = arith.constant 0 : i32
      %swap3A_411 = arith.index_cast %swap3A_410 : i32 to index
      %swap3A_412 = arith.index_cast %select_n3A_392 : i32 to index
      %swap3A_413 = arith.index_cast %mul3A_409 : i32 to index
      %swap3A_414 = tpu.vector_load %arg13[%swap3A_411, %swap3A_412, %swap3A_413] {strides = array<i32>} : memref<2x128x128xf32, #tpu.memory_space<vmem>>, vector<16xf32>,
      tpu.vector_store %arg13[%swap3A_411, %swap3A_412, %swap3A_413], %broadcast_in_dim3A_373 {strides = array<i32>} : memref<2x128x128xf32, #tpu.memory_space<vmem>>, vector<16xf32>,
      %scan3A_415 = arith.constant 0 : i32
      scf.yield %scan3A_415 : i32
    }
    %scan3A_14 = arith.constant 1024 : i32
    %mul3A_15 = arith.constant 640 : i32
    %mul3A_16 = arith.muli %arg1, %mul3A_15 : i32
    %add3A_17 = arith.constant 0 : i32
    %add3A_18 = arith.addi %mul3A_16, %add3A_17 : i32
    %run_scoped3A = arith.constant 0 : i32
    "tpu.region"() ({
      %run_scoped3A_371 = tpu.sem_alloc : memref<!tpu.dma_semaphore, #tpu.memory_space<semaphore_mem>>
      %dma_start3A_372 = arith.constant 0 : i32
      %dma_start3A_373 = arith.constant 0 : i32
      %dma_start3A_374 = tpu.memref_slice %arg13[%run_scoped3A, %dma_start3A_372, %dma_start3A_373] : memref<2x128x128xf32, #tpu.memory_space<vmem>> -> memref<1x128x128xf32, #tpu.memory_space<vmem>>
      %dma_start3A_375 = tpu.memref_squeeze %dma_start3A_374 : memref<1x128x128xf32, #tpu.memory_space<vmem>> -> memref<128x128xf32, #tpu.memory_space<vmem>>
      %dma_start3A_376 = arith.constant 0 : i32
      %dma_start3A_377 = tpu.memref_slice %arg14[%add3A_18, %dma_start3A_376] : memref<10240x128xf32, #tpu.memory_space<vmem_shared>> -> memref<128x128xf32, #tpu.memory_space<vmem_shared>>
      %dma_start3A_378 = arith.constant 0 : i32
      %dma_start3A_379 = tpu.memref_slice %arg14[%add3A_18, %dma_start3A_378] : memref<10240x128xf32, #tpu.memory_space<vmem_shared>> -> memref<128x128xf32, #tpu.memory_space<vmem_shared>>
      %dma_start3A_380 = arith.constant 0 : i32
      %dma_start3A_381 = arith.constant 0 : i32
      %dma_start3A_382 = tpu.memref_slice %arg13[%run_scoped3A, %dma_start3A_380, %dma_start3A_381] : memref<2x128x128xf32, #tpu.memory_space<vmem>> -> memref<1x128x128xf32, #tpu.memory_space<vmem>>
      %dma_start3A_383 = tpu.memref_squeeze %dma_start3A_382 : memref<1x128x128xf32, #tpu.memory_space<vmem>> -> memref<128x128xf32, #tpu.memory_space<vmem>>
      tpu.enqueue_dma source(%dma_start3A_383 : memref<128x128xf32, #tpu.memory_space<vmem>>) target(%dma_start3A_379 : memref<128x128xf32, #tpu.memory_space<vmem_shared>>) target_semaphore(%run_scoped3A_371 : memref<!tpu.dma_semaphore, #tpu.memory_space<semaphore_mem>>)
      %dma_wait3A_384 = arith.constant 0 : i32
      %dma_wait3A_385 = arith.constant 0 : i32
      %dma_wait3A_386 = tpu.memref_slice %arg13[%run_scoped3A, %dma_wait3A_384, %dma_wait3A_385] : memref<2x128x128xf32, #tpu.memory_space<vmem>> -> memref<1x128x128xf32, #tpu.memory_space<vmem>>
      %dma_wait3A_387 = tpu.memref_squeeze %dma_wait3A_386 : memref<1x128x128xf32, #tpu.memory_space<vmem>> -> memref<128x128xf32, #tpu.memory_space<vmem>>
      %dma_wait3A_388 = arith.constant 0 : i32
      %dma_wait3A_389 = tpu.memref_slice %arg14[%add3A_18, %dma_wait3A_388] : memref<10240x128xf32, #tpu.memory_space<vmem_shared>> -> memref<128x128xf32, #tpu.memory_space<vmem_shared>>
      %dma_wait3A_390 = arith.constant 0 : i32
      %dma_wait3A_391 = tpu.memref_slice %arg14[%add3A_18, %dma_wait3A_390] : memref<10240x128xf32, #tpu.memory_space<vmem_shared>> -> memref<128x128xf32, #tpu.memory_space<vmem_shared>>
      %dma_wait3A_392 = arith.constant 0 : i32
      %dma_wait3A_393 = arith.constant 0 : i32
      %dma_wait3A_394 = tpu.memref_slice %arg13[%run_scoped3A, %dma_wait3A_392, %dma_wait3A_393] : memref<2x128x128xf32, #tpu.memory_space<vmem>> -> memref<1x128x128xf32, #tpu.memory_space<vmem>>
      %dma_wait3A_395 = tpu.memref_squeeze %dma_wait3A_394 : memref<1x128x128xf32, #tpu.memory_space<vmem>> -> memref<128x128xf32, #tpu.memory_space<vmem>>
      tpu.wait_dma2 semaphore(%run_scoped3A_371 : memref<!tpu.dma_semaphore, #tpu.memory_space<semaphore_mem>>) src(%dma_wait3A_395 : memref<128x128xf32, #tpu.memory_space<vmem>>) dst(%dma_wait3A_391 : memref<128x128xf32, #tpu.memory_space<vmem_shared>>)
      tpu.yield
    }) : () -> ()
    %mul3A_19 = arith.constant 640 : i32
    %mul3A_20 = arith.muli %arg1, %mul3A_19 : i32
    %add3A_21 = arith.constant 128 : i32
    %add3A_22 = arith.addi %mul3A_20, %add3A_21 : i32
    %run_scoped3A_23 = arith.constant 0 : i32
    "tpu.region"() ({
      %run_scoped3A_371 = tpu.sem_alloc : memref<!tpu.dma_semaphore, #tpu.memory_space<semaphore_mem>>
      %dma_start3A_372 = arith.constant 0 : i32
      %dma_start3A_373 = arith.constant 0 : i32
      %dma_start3A_374 = tpu.memref_slice %arg13[%run_scoped3A_23, %dma_start3A_372, %dma_start3A_373] : memref<2x128x128xf32, #tpu.memory_space<vmem>> -> memref<1x128x128xf32, #tpu.memory_space<vmem>>
      %dma_start3A_375 = tpu.memref_squeeze %dma_start3A_374 : memref<1x128x128xf32, #tpu.memory_space<vmem>> -> memref<128x128xf32, #tpu.memory_space<vmem>>
      %dma_start3A_376 = arith.constant 0 : i32
      %dma_start3A_377 = tpu.memref_slice %arg14[%add3A_22, %dma_start3A_376] : memref<10240x128xf32, #tpu.memory_space<vmem_shared>> -> memref<128x128xf32, #tpu.memory_space<vmem_shared>>
      %dma_start3A_378 = arith.constant 0 : i32
      %dma_start3A_379 = tpu.memref_slice %arg14[%add3A_22, %dma_start3A_378] : memref<10240x128xf32, #tpu.memory_space<vmem_shared>> -> memref<128x128xf32, #tpu.memory_space<vmem_shared>>
      %dma_start3A_380 = arith.constant 0 : i32
      %dma_start3A_381 = arith.constant 0 : i32
      %dma_start3A_382 = tpu.memref_slice %arg13[%run_scoped3A_23, %dma_start3A_380, %dma_start3A_381] : memref<2x128x128xf32, #tpu.memory_space<vmem>> -> memref<1x128x128xf32, #tpu.memory_space<vmem>>
      %dma_start3A_383 = tpu.memref_squeeze %dma_start3A_382 : memref<1x128x128xf32, #tpu.memory_space<vmem>> -> memref<128x128xf32, #tpu.memory_space<vmem>>
      tpu.enqueue_dma source(%dma_start3A_383 : memref<128x128xf32, #tpu.memory_space<vmem>>) target(%dma_start3A_379 : memref<128x128xf32, #tpu.memory_space<vmem_shared>>) target_semaphore(%run_scoped3A_371 : memref<!tpu.dma_semaphore, #tpu.memory_space<semaphore_mem>>)
      %dma_wait3A_384 = arith.constant 0 : i32
      %dma_wait3A_385 = arith.constant 0 : i32
      %dma_wait3A_386 = tpu.memref_slice %arg13[%run_scoped3A_23, %dma_wait3A_384, %dma_wait3A_385] : memref<2x128x128xf32, #tpu.memory_space<vmem>> -> memref<1x128x128xf32, #tpu.memory_space<vmem>>
      %dma_wait3A_387 = tpu.memref_squeeze %dma_wait3A_386 : memref<1x128x128xf32, #tpu.memory_space<vmem>> -> memref<128x128xf32, #tpu.memory_space<vmem>>
      %dma_wait3A_388 = arith.constant 0 : i32
      %dma_wait3A_389 = tpu.memref_slice %arg14[%add3A_22, %dma_wait3A_388] : memref<10240x128xf32, #tpu.memory_space<vmem_shared>> -> memref<128x128xf32, #tpu.memory_space<vmem_shared>>
      %dma_wait3A_390 = arith.constant 0 : i32
      %dma_wait3A_391 = tpu.memref_slice %arg14[%add3A_22, %dma_wait3A_390] : memref<10240x128xf32, #tpu.memory_space<vmem_shared>> -> memref<128x128xf32, #tpu.memory_space<vmem_shared>>
      %dma_wait3A_392 = arith.constant 0 : i32
      %dma_wait3A_393 = arith.constant 0 : i32
      %dma_wait3A_394 = tpu.memref_slice %arg13[%run_scoped3A_23, %dma_wait3A_392, %dma_wait3A_393] : memref<2x128x128xf32, #tpu.memory_space<vmem>> -> memref<1x128x128xf32, #tpu.memory_space<vmem>>
      %dma_wait3A_395 = tpu.memref_squeeze %dma_wait3A_394 : memref<1x128x128xf32, #tpu.memory_space<vmem>> -> memref<128x128xf32, #tpu.memory_space<vmem>>
      tpu.wait_dma2 semaphore(%run_scoped3A_371 : memref<!tpu.dma_semaphore, #tpu.memory_space<semaphore_mem>>) src(%dma_wait3A_395 : memref<128x128xf32, #tpu.memory_space<vmem>>) dst(%dma_wait3A_391 : memref<128x128xf32, #tpu.memory_space<vmem_shared>>)
      tpu.yield
    }) : () -> ()
    %mul3A_24 = arith.constant 640 : i32
    %mul3A_25 = arith.muli %arg1, %mul3A_24 : i32
    %add3A_26 = arith.constant 256 : i32
    %add3A_27 = arith.addi %mul3A_25, %add3A_26 : i32
    %run_scoped3A_28 = arith.constant 0 : i32
    "tpu.region"() ({
      %run_scoped3A_371 = tpu.sem_alloc : memref<!tpu.dma_semaphore, #tpu.memory_space<semaphore_mem>>
      %dma_start3A_372 = arith.constant 0 : i32
      %dma_start3A_373 = arith.constant 0 : i32
      %dma_start3A_374 = tpu.memref_slice %arg13[%run_scoped3A_28, %dma_start3A_372, %dma_start3A_373] : memref<2x128x128xf32, #tpu.memory_space<vmem>> -> memref<1x128x128xf32, #tpu.memory_space<vmem>>
      %dma_start3A_375 = tpu.memref_squeeze %dma_start3A_374 : memref<1x128x128xf32, #tpu.memory_space<vmem>> -> memref<128x128xf32, #tpu.memory_space<vmem>>
      %dma_start3A_376 = arith.constant 0 : i32
      %dma_start3A_377 = tpu.memref_slice %arg14[%add3A_27, %dma_start3A_376] : memref<10240x128xf32, #tpu.memory_space<vmem_shared>> -> memref<128x128xf32, #tpu.memory_space<vmem_shared>>
      %dma_start3A_378 = arith.constant 0 : i32
      %dma_start3A_379 = tpu.memref_slice %arg14[%add3A_27, %dma_start3A_378] : memref<10240x128xf32, #tpu.memory_space<vmem_shared>> -> memref<128x128xf32, #tpu.memory_space<vmem_shared>>
      %dma_start3A_380 = arith.constant 0 : i32
      %dma_start3A_381 = arith.constant 0 : i32
      %dma_start3A_382 = tpu.memref_slice %arg13[%run_scoped3A_28, %dma_start3A_380, %dma_start3A_381] : memref<2x128x128xf32, #tpu.memory_space<vmem>> -> memref<1x128x128xf32, #tpu.memory_space<vmem>>
      %dma_start3A_383 = tpu.memref_squeeze %dma_start3A_382 : memref<1x128x128xf32, #tpu.memory_space<vmem>> -> memref<128x128xf32, #tpu.memory_space<vmem>>
      tpu.enqueue_dma source(%dma_start3A_383 : memref<128x128xf32, #tpu.memory_space<vmem>>) target(%dma_start3A_379 : memref<128x128xf32, #tpu.memory_space<vmem_shared>>) target_semaphore(%run_scoped3A_371 : memref<!tpu.dma_semaphore, #tpu.memory_space<semaphore_mem>>)
      %dma_wait3A_384 = arith.constant 0 : i32
      %dma_wait3A_385 = arith.constant 0 : i32
      %dma_wait3A_386 = tpu.memref_slice %arg13[%run_scoped3A_28, %dma_wait3A_384, %dma_wait3A_385] : memref<2x128x128xf32, #tpu.memory_space<vmem>> -> memref<1x128x128xf32, #tpu.memory_space<vmem>>
      %dma_wait3A_387 = tpu.memref_squeeze %dma_wait3A_386 : memref<1x128x128xf32, #tpu.memory_space<vmem>> -> memref<128x128xf32, #tpu.memory_space<vmem>>
      %dma_wait3A_388 = arith.constant 0 : i32
      %dma_wait3A_389 = tpu.memref_slice %arg14[%add3A_27, %dma_wait3A_388] : memref<10240x128xf32, #tpu.memory_space<vmem_shared>> -> memref<128x128xf32, #tpu.memory_space<vmem_shared>>
      %dma_wait3A_390 = arith.constant 0 : i32
      %dma_wait3A_391 = tpu.memref_slice %arg14[%add3A_27, %dma_wait3A_390] : memref<10240x128xf32, #tpu.memory_space<vmem_shared>> -> memref<128x128xf32, #tpu.memory_space<vmem_shared>>
      %dma_wait3A_392 = arith.constant 0 : i32
      %dma_wait3A_393 = arith.constant 0 : i32
      %dma_wait3A_394 = tpu.memref_slice %arg13[%run_scoped3A_28, %dma_wait3A_392, %dma_wait3A_393] : memref<2x128x128xf32, #tpu.memory_space<vmem>> -> memref<1x128x128xf32, #tpu.memory_space<vmem>>
      %dma_wait3A_395 = tpu.memref_squeeze %dma_wait3A_394 : memref<1x128x128xf32, #tpu.memory_space<vmem>> -> memref<128x128xf32, #tpu.memory_space<vmem>>
      tpu.wait_dma2 semaphore(%run_scoped3A_371 : memref<!tpu.dma_semaphore, #tpu.memory_space<semaphore_mem>>) src(%dma_wait3A_395 : memref<128x128xf32, #tpu.memory_space<vmem>>) dst(%dma_wait3A_391 : memref<128x128xf32, #tpu.memory_space<vmem_shared>>)
      tpu.yield
    }) : () -> ()
    %mul3A_29 = arith.constant 640 : i32
    %mul3A_30 = arith.muli %arg1, %mul3A_29 : i32
    %add3A_31 = arith.constant 384 : i32
    %add3A_32 = arith.addi %mul3A_30, %add3A_31 : i32
    %run_scoped3A_33 = arith.constant 0 : i32
    "tpu.region"() ({
      %run_scoped3A_371 = tpu.sem_alloc : memref<!tpu.dma_semaphore, #tpu.memory_space<semaphore_mem>>
      %dma_start3A_372 = arith.constant 0 : i32
      %dma_start3A_373 = arith.constant 0 : i32
      %dma_start3A_374 = tpu.memref_slice %arg13[%run_scoped3A_33, %dma_start3A_372, %dma_start3A_373] : memref<2x128x128xf32, #tpu.memory_space<vmem>> -> memref<1x128x128xf32, #tpu.memory_space<vmem>>
      %dma_start3A_375 = tpu.memref_squeeze %dma_start3A_374 : memref<1x128x128xf32, #tpu.memory_space<vmem>> -> memref<128x128xf32, #tpu.memory_space<vmem>>
      %dma_start3A_376 = arith.constant 0 : i32
      %dma_start3A_377 = tpu.memref_slice %arg14[%add3A_32, %dma_start3A_376] : memref<10240x128xf32, #tpu.memory_space<vmem_shared>> -> memref<128x128xf32, #tpu.memory_space<vmem_shared>>
      %dma_start3A_378 = arith.constant 0 : i32
      %dma_start3A_379 = tpu.memref_slice %arg14[%add3A_32, %dma_start3A_378] : memref<10240x128xf32, #tpu.memory_space<vmem_shared>> -> memref<128x128xf32, #tpu.memory_space<vmem_shared>>
      %dma_start3A_380 = arith.constant 0 : i32
      %dma_start3A_381 = arith.constant 0 : i32
      %dma_start3A_382 = tpu.memref_slice %arg13[%run_scoped3A_33, %dma_start3A_380, %dma_start3A_381] : memref<2x128x128xf32, #tpu.memory_space<vmem>> -> memref<1x128x128xf32, #tpu.memory_space<vmem>>
      %dma_start3A_383 = tpu.memref_squeeze %dma_start3A_382 : memref<1x128x128xf32, #tpu.memory_space<vmem>> -> memref<128x128xf32, #tpu.memory_space<vmem>>
      tpu.enqueue_dma source(%dma_start3A_383 : memref<128x128xf32, #tpu.memory_space<vmem>>) target(%dma_start3A_379 : memref<128x128xf32, #tpu.memory_space<vmem_shared>>) target_semaphore(%run_scoped3A_371 : memref<!tpu.dma_semaphore, #tpu.memory_space<semaphore_mem>>)
      %dma_wait3A_384 = arith.constant 0 : i32
      %dma_wait3A_385 = arith.constant 0 : i32
      %dma_wait3A_386 = tpu.memref_slice %arg13[%run_scoped3A_33, %dma_wait3A_384, %dma_wait3A_385] : memref<2x128x128xf32, #tpu.memory_space<vmem>> -> memref<1x128x128xf32, #tpu.memory_space<vmem>>
      %dma_wait3A_387 = tpu.memref_squeeze %dma_wait3A_386 : memref<1x128x128xf32, #tpu.memory_space<vmem>> -> memref<128x128xf32, #tpu.memory_space<vmem>>
      %dma_wait3A_388 = arith.constant 0 : i32
      %dma_wait3A_389 = tpu.memref_slice %arg14[%add3A_32, %dma_wait3A_388] : memref<10240x128xf32, #tpu.memory_space<vmem_shared>> -> memref<128x128xf32, #tpu.memory_space<vmem_shared>>
      %dma_wait3A_390 = arith.constant 0 : i32
      %dma_wait3A_391 = tpu.memref_slice %arg14[%add3A_32, %dma_wait3A_390] : memref<10240x128xf32, #tpu.memory_space<vmem_shared>> -> memref<128x128xf32, #tpu.memory_space<vmem_shared>>
      %dma_wait3A_392 = arith.constant 0 : i32
      %dma_wait3A_393 = arith.constant 0 : i32
      %dma_wait3A_394 = tpu.memref_slice %arg13[%run_scoped3A_33, %dma_wait3A_392, %dma_wait3A_393] : memref<2x128x128xf32, #tpu.memory_space<vmem>> -> memref<1x128x128xf32, #tpu.memory_space<vmem>>
      %dma_wait3A_395 = tpu.memref_squeeze %dma_wait3A_394 : memref<1x128x128xf32, #tpu.memory_space<vmem>> -> memref<128x128xf32, #tpu.memory_space<vmem>>
      tpu.wait_dma2 semaphore(%run_scoped3A_371 : memref<!tpu.dma_semaphore, #tpu.memory_space<semaphore_mem>>) src(%dma_wait3A_395 : memref<128x128xf32, #tpu.memory_space<vmem>>) dst(%dma_wait3A_391 : memref<128x128xf32, #tpu.memory_space<vmem_shared>>)
      tpu.yield
    }) : () -> ()
    %mul3A_34 = arith.constant 640 : i32
    %mul3A_35 = arith.muli %arg1, %mul3A_34 : i32
    %add3A_36 = arith.constant 512 : i32
    %add3A_37 = arith.addi %mul3A_35, %add3A_36 : i32
    %run_scoped3A_38 = arith.constant 0 : i32
    "tpu.region"() ({
      %run_scoped3A_371 = tpu.sem_alloc : memref<!tpu.dma_semaphore, #tpu.memory_space<semaphore_mem>>
      %dma_start3A_372 = arith.constant 0 : i32
      %dma_start3A_373 = arith.constant 0 : i32
      %dma_start3A_374 = tpu.memref_slice %arg13[%run_scoped3A_38, %dma_start3A_372, %dma_start3A_373] : memref<2x128x128xf32, #tpu.memory_space<vmem>> -> memref<1x128x128xf32, #tpu.memory_space<vmem>>
      %dma_start3A_375 = tpu.memref_squeeze %dma_start3A_374 : memref<1x128x128xf32, #tpu.memory_space<vmem>> -> memref<128x128xf32, #tpu.memory_space<vmem>>
      %dma_start3A_376 = arith.constant 0 : i32
      %dma_start3A_377 = tpu.memref_slice %arg14[%add3A_37, %dma_start3A_376] : memref<10240x128xf32, #tpu.memory_space<vmem_shared>> -> memref<128x128xf32, #tpu.memory_space<vmem_shared>>
      %dma_start3A_378 = arith.constant 0 : i32
      %dma_start3A_379 = tpu.memref_slice %arg14[%add3A_37, %dma_start3A_378] : memref<10240x128xf32, #tpu.memory_space<vmem_shared>> -> memref<128x128xf32, #tpu.memory_space<vmem_shared>>
      %dma_start3A_380 = arith.constant 0 : i32
      %dma_start3A_381 = arith.constant 0 : i32
      %dma_start3A_382 = tpu.memref_slice %arg13[%run_scoped3A_38, %dma_start3A_380, %dma_start3A_381] : memref<2x128x128xf32, #tpu.memory_space<vmem>> -> memref<1x128x128xf32, #tpu.memory_space<vmem>>
      %dma_start3A_383 = tpu.memref_squeeze %dma_start3A_382 : memref<1x128x128xf32, #tpu.memory_space<vmem>> -> memref<128x128xf32, #tpu.memory_space<vmem>>
      tpu.enqueue_dma source(%dma_start3A_383 : memref<128x128xf32, #tpu.memory_space<vmem>>) target(%dma_start3A_379 : memref<128x128xf32, #tpu.memory_space<vmem_shared>>) target_semaphore(%run_scoped3A_371 : memref<!tpu.dma_semaphore, #tpu.memory_space<semaphore_mem>>)
      %dma_wait3A_384 = arith.constant 0 : i32
      %dma_wait3A_385 = arith.constant 0 : i32
      %dma_wait3A_386 = tpu.memref_slice %arg13[%run_scoped3A_38, %dma_wait3A_384, %dma_wait3A_385] : memref<2x128x128xf32, #tpu.memory_space<vmem>> -> memref<1x128x128xf32, #tpu.memory_space<vmem>>
      %dma_wait3A_387 = tpu.memref_squeeze %dma_wait3A_386 : memref<1x128x128xf32, #tpu.memory_space<vmem>> -> memref<128x128xf32, #tpu.memory_space<vmem>>
      %dma_wait3A_388 = arith.constant 0 : i32
      %dma_wait3A_389 = tpu.memref_slice %arg14[%add3A_37, %dma_wait3A_388] : memref<10240x128xf32, #tpu.memory_space<vmem_shared>> -> memref<128x128xf32, #tpu.memory_space<vmem_shared>>
      %dma_wait3A_390 = arith.constant 0 : i32
      %dma_wait3A_391 = tpu.memref_slice %arg14[%add3A_37, %dma_wait3A_390] : memref<10240x128xf32, #tpu.memory_space<vmem_shared>> -> memref<128x128xf32, #tpu.memory_space<vmem_shared>>
      %dma_wait3A_392 = arith.constant 0 : i32
      %dma_wait3A_393 = arith.constant 0 : i32
      %dma_wait3A_394 = tpu.memref_slice %arg13[%run_scoped3A_38, %dma_wait3A_392, %dma_wait3A_393] : memref<2x128x128xf32, #tpu.memory_space<vmem>> -> memref<1x128x128xf32, #tpu.memory_space<vmem>>
      %dma_wait3A_395 = tpu.memref_squeeze %dma_wait3A_394 : memref<1x128x128xf32, #tpu.memory_space<vmem>> -> memref<128x128xf32, #tpu.memory_space<vmem>>
      tpu.wait_dma2 semaphore(%run_scoped3A_371 : memref<!tpu.dma_semaphore, #tpu.memory_space<semaphore_mem>>) src(%dma_wait3A_395 : memref<128x128xf32, #tpu.memory_space<vmem>>) dst(%dma_wait3A_391 : memref<128x128xf32, #tpu.memory_space<vmem_shared>>)
      tpu.yield
    }) : () -> ()
    %barrier3A = arith.constant 0 : index
    tpu.barrier barrier_id(%barrier3A)
    "tpu.region"() ({
      %run_scoped3A_371 = tpu.sem_alloc : memref<!tpu.dma_semaphore, #tpu.memory_space<semaphore_mem>>
      tpu.enqueue_dma source(%arg4 : memref<10240xf32, #tpu.memory_space<hbm>>) target(%arg9 : memref<10240xf32, #tpu.memory_space<vmem>>) target_semaphore(%run_scoped3A_371 : memref<!tpu.dma_semaphore, #tpu.memory_space<semaphore_mem>>)
      tpu.wait_dma2 semaphore(%run_scoped3A_371 : memref<!tpu.dma_semaphore, #tpu.memory_space<semaphore_mem>>) src(%arg4 : memref<10240xf32, #tpu.memory_space<hbm>>) dst(%arg9 : memref<10240xf32, #tpu.memory_space<vmem>>)
      tpu.yield
    }) : () -> ()
    %add3A_39 = arith.constant 0 : i32
    %add3A_40 = arith.addi %select_n3A_8, %add3A_39 : i32
    %run_scoped3A_41 = arith.constant 0 : i32
    "tpu.region"() ({
      %run_scoped3A_371 = tpu.sem_alloc : memref<!tpu.dma_semaphore, #tpu.memory_space<semaphore_mem>>
      %dma_start3A_372 = arith.constant 0 : i32
      %dma_start3A_373 = arith.constant 0 : i32
      %dma_start3A_374 = tpu.memref_slice %arg7[%run_scoped3A_41, %dma_start3A_372, %dma_start3A_373] : memref<2x1x128xi32, #tpu.memory_space<vmem>> -> memref<1x1x128xi32, #tpu.memory_space<vmem>>
      %dma_start3A_375 = tpu.memref_squeeze %dma_start3A_374 : memref<1x1x128xi32, #tpu.memory_space<vmem>> -> memref<1x128xi32, #tpu.memory_space<vmem>>
      %dma_start3A_376 = arith.constant 0 : i32
      %dma_start3A_377 = arith.constant 0 : i32
      %dma_start3A_378 = tpu.memref_slice %arg2[%add3A_40, %dma_start3A_376, %dma_start3A_377] : memref<2560x1x128xi32, #tpu.memory_space<hbm>> -> memref<1x1x128xi32, #tpu.memory_space<hbm>>
      %dma_start3A_379 = tpu.memref_squeeze %dma_start3A_378 : memref<1x1x128xi32, #tpu.memory_space<hbm>> -> memref<1x128xi32, #tpu.memory_space<hbm>>
      %dma_start3A_380 = arith.constant 0 : i32
      %dma_start3A_381 = arith.constant 0 : i32
      %dma_start3A_382 = tpu.memref_slice %arg7[%run_scoped3A_41, %dma_start3A_380, %dma_start3A_381] : memref<2x1x128xi32, #tpu.memory_space<vmem>> -> memref<1x1x128xi32, #tpu.memory_space<vmem>>
      %dma_start3A_383 = tpu.memref_squeeze %dma_start3A_382 : memref<1x1x128xi32, #tpu.memory_space<vmem>> -> memref<1x128xi32, #tpu.memory_space<vmem>>
      %dma_start3A_384 = arith.constant 0 : i32
      %dma_start3A_385 = arith.constant 0 : i32
      %dma_start3A_386 = tpu.memref_slice %arg2[%add3A_40, %dma_start3A_384, %dma_start3A_385] : memref<2560x1x128xi32, #tpu.memory_space<hbm>> -> memref<1x1x128xi32, #tpu.memory_space<hbm>>
      %dma_start3A_387 = tpu.memref_squeeze %dma_start3A_386 : memref<1x1x128xi32, #tpu.memory_space<hbm>> -> memref<1x128xi32, #tpu.memory_space<hbm>>
      tpu.enqueue_dma source(%dma_start3A_387 : memref<1x128xi32, #tpu.memory_space<hbm>>) target(%dma_start3A_383 : memref<1x128xi32, #tpu.memory_space<vmem>>) target_semaphore(%run_scoped3A_371 : memref<!tpu.dma_semaphore, #tpu.memory_space<semaphore_mem>>)
      %dma_wait3A_388 = arith.constant 0 : i32
      %dma_wait3A_389 = arith.constant 0 : i32
      %dma_wait3A_390 = tpu.memref_slice %arg7[%run_scoped3A_41, %dma_wait3A_388, %dma_wait3A_389] : memref<2x1x128xi32, #tpu.memory_space<vmem>> -> memref<1x1x128xi32, #tpu.memory_space<vmem>>
      %dma_wait3A_391 = tpu.memref_squeeze %dma_wait3A_390 : memref<1x1x128xi32, #tpu.memory_space<vmem>> -> memref<1x128xi32, #tpu.memory_space<vmem>>
      %dma_wait3A_392 = arith.constant 0 : i32
      %dma_wait3A_393 = arith.constant 0 : i32
      %dma_wait3A_394 = tpu.memref_slice %arg2[%add3A_40, %dma_wait3A_392, %dma_wait3A_393] : memref<2560x1x128xi32, #tpu.memory_space<hbm>> -> memref<1x1x128xi32, #tpu.memory_space<hbm>>
      %dma_wait3A_395 = tpu.memref_squeeze %dma_wait3A_394 : memref<1x1x128xi32, #tpu.memory_space<hbm>> -> memref<1x128xi32, #tpu.memory_space<hbm>>
      %dma_wait3A_396 = arith.constant 0 : i32
      %dma_wait3A_397 = arith.constant 0 : i32
      %dma_wait3A_398 = tpu.memref_slice %arg7[%run_scoped3A_41, %dma_wait3A_396, %dma_wait3A_397] : memref<2x1x128xi32, #tpu.memory_space<vmem>> -> memref<1x1x128xi32, #tpu.memory_space<vmem>>
      %dma_wait3A_399 = tpu.memref_squeeze %dma_wait3A_398 : memref<1x1x128xi32, #tpu.memory_space<vmem>> -> memref<1x128xi32, #tpu.memory_space<vmem>>
      %dma_wait3A_400 = arith.constant 0 : i32
      %dma_wait3A_401 = arith.constant 0 : i32
      %dma_wait3A_402 = tpu.memref_slice %arg2[%add3A_40, %dma_wait3A_400, %dma_wait3A_401] : memref<2560x1x128xi32, #tpu.memory_space<hbm>> -> memref<1x1x128xi32, #tpu.memory_space<hbm>>
      %dma_wait3A_403 = tpu.memref_squeeze %dma_wait3A_402 : memref<1x1x128xi32, #tpu.memory_space<hbm>> -> memref<1x128xi32, #tpu.memory_space<hbm>>
      tpu.wait_dma2 semaphore(%run_scoped3A_371 : memref<!tpu.dma_semaphore, #tpu.memory_space<semaphore_mem>>) src(%dma_wait3A_403 : memref<1x128xi32, #tpu.memory_space<hbm>>) dst(%dma_wait3A_399 : memref<1x128xi32, #tpu.memory_space<vmem>>)
      tpu.yield
    }) : () -> ()
    %add3A_42 = arith.constant 0 : i32
    %add3A_43 = arith.addi %select_n3A_8, %add3A_42 : i32
    %run_scoped3A_44 = arith.constant 0 : i32
    "tpu.region"() ({
      %run_scoped3A_371 = tpu.sem_alloc : memref<!tpu.dma_semaphore, #tpu.memory_space<semaphore_mem>>
      %dma_start3A_372 = arith.constant 0 : i32
      %dma_start3A_373 = arith.constant 0 : i32
      %dma_start3A_374 = tpu.memref_slice %arg8[%run_scoped3A_44, %dma_start3A_372, %dma_start3A_373] : memref<2x1x128xf32, #tpu.memory_space<vmem>> -> memref<1x1x128xf32, #tpu.memory_space<vmem>>
      %dma_start3A_375 = tpu.memref_squeeze %dma_start3A_374 : memref<1x1x128xf32, #tpu.memory_space<vmem>> -> memref<1x128xf32, #tpu.memory_space<vmem>>
      %dma_start3A_376 = arith.constant 0 : i32
      %dma_start3A_377 = arith.constant 0 : i32
      %dma_start3A_378 = tpu.memref_slice %arg3[%add3A_43, %dma_start3A_376, %dma_start3A_377] : memref<2560x1x128xf32, #tpu.memory_space<hbm>> -> memref<1x1x128xf32, #tpu.memory_space<hbm>>
      %dma_start3A_379 = tpu.memref_squeeze %dma_start3A_378 : memref<1x1x128xf32, #tpu.memory_space<hbm>> -> memref<1x128xf32, #tpu.memory_space<hbm>>
      %dma_start3A_380 = arith.constant 0 : i32
      %dma_start3A_381 = arith.constant 0 : i32
      %dma_start3A_382 = tpu.memref_slice %arg8[%run_scoped3A_44, %dma_start3A_380, %dma_start3A_381] : memref<2x1x128xf32, #tpu.memory_space<vmem>> -> memref<1x1x128xf32, #tpu.memory_space<vmem>>
      %dma_start3A_383 = tpu.memref_squeeze %dma_start3A_382 : memref<1x1x128xf32, #tpu.memory_space<vmem>> -> memref<1x128xf32, #tpu.memory_space<vmem>>
      %dma_start3A_384 = arith.constant 0 : i32
      %dma_start3A_385 = arith.constant 0 : i32
      %dma_start3A_386 = tpu.memref_slice %arg3[%add3A_43, %dma_start3A_384, %dma_start3A_385] : memref<2560x1x128xf32, #tpu.memory_space<hbm>> -> memref<1x1x128xf32, #tpu.memory_space<hbm>>
      %dma_start3A_387 = tpu.memref_squeeze %dma_start3A_386 : memref<1x1x128xf32, #tpu.memory_space<hbm>> -> memref<1x128xf32, #tpu.memory_space<hbm>>
      tpu.enqueue_dma source(%dma_start3A_387 : memref<1x128xf32, #tpu.memory_space<hbm>>) target(%dma_start3A_383 : memref<1x128xf32, #tpu.memory_space<vmem>>) target_semaphore(%run_scoped3A_371 : memref<!tpu.dma_semaphore, #tpu.memory_space<semaphore_mem>>)
      %dma_wait3A_388 = arith.constant 0 : i32
      %dma_wait3A_389 = arith.constant 0 : i32
      %dma_wait3A_390 = tpu.memref_slice %arg8[%run_scoped3A_44, %dma_wait3A_388, %dma_wait3A_389] : memref<2x1x128xf32, #tpu.memory_space<vmem>> -> memref<1x1x128xf32, #tpu.memory_space<vmem>>
      %dma_wait3A_391 = tpu.memref_squeeze %dma_wait3A_390 : memref<1x1x128xf32, #tpu.memory_space<vmem>> -> memref<1x128xf32, #tpu.memory_space<vmem>>
      %dma_wait3A_392 = arith.constant 0 : i32
      %dma_wait3A_393 = arith.constant 0 : i32
      %dma_wait3A_394 = tpu.memref_slice %arg3[%add3A_43, %dma_wait3A_392, %dma_wait3A_393] : memref<2560x1x128xf32, #tpu.memory_space<hbm>> -> memref<1x1x128xf32, #tpu.memory_space<hbm>>
      %dma_wait3A_395 = tpu.memref_squeeze %dma_wait3A_394 : memref<1x1x128xf32, #tpu.memory_space<hbm>> -> memref<1x128xf32, #tpu.memory_space<hbm>>
      %dma_wait3A_396 = arith.constant 0 : i32
      %dma_wait3A_397 = arith.constant 0 : i32
      %dma_wait3A_398 = tpu.memref_slice %arg8[%run_scoped3A_44, %dma_wait3A_396, %dma_wait3A_397] : memref<2x1x128xf32, #tpu.memory_space<vmem>> -> memref<1x1x128xf32, #tpu.memory_space<vmem>>
      %dma_wait3A_399 = tpu.memref_squeeze %dma_wait3A_398 : memref<1x1x128xf32, #tpu.memory_space<vmem>> -> memref<1x128xf32, #tpu.memory_space<vmem>>
      %dma_wait3A_400 = arith.constant 0 : i32
      %dma_wait3A_401 = arith.constant 0 : i32
      %dma_wait3A_402 = tpu.memref_slice %arg3[%add3A_43, %dma_wait3A_400, %dma_wait3A_401] : memref<2560x1x128xf32, #tpu.memory_space<hbm>> -> memref<1x1x128xf32, #tpu.memory_space<hbm>>
      %dma_wait3A_403 = tpu.memref_squeeze %dma_wait3A_402 : memref<1x1x128xf32, #tpu.memory_space<hbm>> -> memref<1x128xf32, #tpu.memory_space<hbm>>
      tpu.wait_dma2 semaphore(%run_scoped3A_371 : memref<!tpu.dma_semaphore, #tpu.memory_space<semaphore_mem>>) src(%dma_wait3A_403 : memref<1x128xf32, #tpu.memory_space<hbm>>) dst(%dma_wait3A_399 : memref<1x128xf32, #tpu.memory_space<vmem>>)
      tpu.yield
    }) : () -> ()
    %get3A = arith.constant 0 : i32
    %get3A_45 = arith.constant 0 : i32
    %get3A_46 = arith.index_cast %get3A : i32 to index
    %get3A_47 = arith.index_cast %get3A_45 : i32 to index
    %get3A_48 = arith.constant 0 : index
    %get3A_49 = tpu.vector_load %arg7[%get3A_46, %get3A_47, %get3A_48] {strides = array<i32>} : memref<2x1x128xi32, #tpu.memory_space<vmem>>, vector<16xi32>,
    %and3A = arith.constant 16383 : i32
    %and3A_50 = vector.broadcast %and3A : i32 to vector<16xi32>
    %and3A_51 = arith.andi %get3A_49, %and3A_50 : vector<16xi32>
    %shift_right_logical3A = arith.constant 14 : i32
    %shift_right_logical3A_52 = vector.broadcast %shift_right_logical3A : i32 to vector<16xi32>
    %shift_right_logical3A_53 = arith.shrui %get3A_49, %shift_right_logical3A_52 : vector<16xi32>
    %swap3A = arith.constant 0 : i32
    %swap3A_54 = arith.index_cast %swap3A : i32 to index
    %swap3A_55 = arith.constant 0 : index
    %swap3A_56 = tpu.vector_load %arg10[%swap3A_54, %swap3A_55] {strides = array<i32>} : memref<2x128xi32, #tpu.memory_space<vmem>>, vector<16xi32>,
    tpu.vector_store %arg10[%swap3A_54, %swap3A_55], %and3A_51 {strides = array<i32>} : memref<2x128xi32, #tpu.memory_space<vmem>>, vector<16xi32>,
    %swap3A_57 = arith.constant 0 : i32
    %swap3A_58 = arith.index_cast %swap3A_57 : i32 to index
    %swap3A_59 = arith.constant 0 : index
    %swap3A_60 = tpu.vector_load %arg11[%swap3A_58, %swap3A_59] {strides = array<i32>} : memref<2x128xi32, #tpu.memory_space<vmem>>, vector<16xi32>,
    tpu.vector_store %arg11[%swap3A_58, %swap3A_59], %shift_right_logical3A_53 {strides = array<i32>} : memref<2x128xi32, #tpu.memory_space<vmem>>, vector<16xi32>,
    %gather3A = tpu.vector_load_idx %arg9[%and3A_51] : memref<10240xf32, #tpu.memory_space<vmem>>[vector<16xi32>], vector<16xf32>,
    %gather3A_61 = tpu.vector_load_idx %arg9[%shift_right_logical3A_53] : memref<10240xf32, #tpu.memory_space<vmem>>[vector<16xi32>], vector<16xf32>,
    %get3A_62 = arith.constant 0 : i32
    %get3A_63 = arith.constant 0 : i32
    %get3A_64 = arith.index_cast %get3A_62 : i32 to index
    %get3A_65 = arith.index_cast %get3A_63 : i32 to index
    %get3A_66 = arith.constant 0 : index
    %get3A_67 = tpu.vector_load %arg8[%get3A_64, %get3A_65, %get3A_66] {strides = array<i32>} : memref<2x1x128xf32, #tpu.memory_space<vmem>>, vector<16xf32>,
    %mul3A_68 = arith.mulf %get3A_67, %gather3A : vector<16xf32>
    %mul3A_69 = arith.mulf %mul3A_68, %gather3A_61 : vector<16xf32>
    %swap3A_70 = arith.constant 0 : i32
    %swap3A_71 = arith.index_cast %swap3A_70 : i32 to index
    %swap3A_72 = arith.constant 0 : index
    %swap3A_73 = tpu.vector_load %arg12[%swap3A_71, %swap3A_72] {strides = array<i32>} : memref<2x128xf32, #tpu.memory_space<vmem>>, vector<16xf32>,
    tpu.vector_store %arg12[%swap3A_71, %swap3A_72], %mul3A_69 {strides = array<i32>} : memref<2x128xf32, #tpu.memory_space<vmem>>, vector<16xf32>,
    %get3A_74 = arith.constant 0 : i32
    %get3A_75 = arith.constant 0 : i32
    %get3A_76 = arith.index_cast %get3A_74 : i32 to index
    %get3A_77 = arith.index_cast %get3A_75 : i32 to index
    %get3A_78 = arith.constant 16 : index
    %get3A_79 = tpu.vector_load %arg7[%get3A_76, %get3A_77, %get3A_78] {strides = array<i32>} : memref<2x1x128xi32, #tpu.memory_space<vmem>>, vector<16xi32>,
    %and3A_80 = arith.constant 16383 : i32
    %and3A_81 = vector.broadcast %and3A_80 : i32 to vector<16xi32>
    %and3A_82 = arith.andi %get3A_79, %and3A_81 : vector<16xi32>
    %shift_right_logical3A_83 = arith.constant 14 : i32
    %shift_right_logical3A_84 = vector.broadcast %shift_right_logical3A_83 : i32 to vector<16xi32>
    %shift_right_logical3A_85 = arith.shrui %get3A_79, %shift_right_logical3A_84 : vector<16xi32>
    %swap3A_86 = arith.constant 0 : i32
    %swap3A_87 = arith.index_cast %swap3A_86 : i32 to index
    %swap3A_88 = arith.constant 16 : index
    %swap3A_89 = tpu.vector_load %arg10[%swap3A_87, %swap3A_88] {strides = array<i32>} : memref<2x128xi32, #tpu.memory_space<vmem>>, vector<16xi32>,
    tpu.vector_store %arg10[%swap3A_87, %swap3A_88], %and3A_82 {strides = array<i32>} : memref<2x128xi32, #tpu.memory_space<vmem>>, vector<16xi32>,
    %swap3A_90 = arith.constant 0 : i32
    %swap3A_91 = arith.index_cast %swap3A_90 : i32 to index
    %swap3A_92 = arith.constant 16 : index
    %swap3A_93 = tpu.vector_load %arg11[%swap3A_91, %swap3A_92] {strides = array<i32>} : memref<2x128xi32, #tpu.memory_space<vmem>>, vector<16xi32>,
    tpu.vector_store %arg11[%swap3A_91, %swap3A_92], %shift_right_logical3A_85 {strides = array<i32>} : memref<2x128xi32, #tpu.memory_space<vmem>>, vector<16xi32>,
    %gather3A_94 = tpu.vector_load_idx %arg9[%and3A_82] : memref<10240xf32, #tpu.memory_space<vmem>>[vector<16xi32>], vector<16xf32>,
    %gather3A_95 = tpu.vector_load_idx %arg9[%shift_right_logical3A_85] : memref<10240xf32, #tpu.memory_space<vmem>>[vector<16xi32>], vector<16xf32>,
    %get3A_96 = arith.constant 0 : i32
    %get3A_97 = arith.constant 0 : i32
    %get3A_98 = arith.index_cast %get3A_96 : i32 to index
    %get3A_99 = arith.index_cast %get3A_97 : i32 to index
    %get3A_100 = arith.constant 16 : index
    %get3A_101 = tpu.vector_load %arg8[%get3A_98, %get3A_99, %get3A_100] {strides = array<i32>} : memref<2x1x128xf32, #tpu.memory_space<vmem>>, vector<16xf32>,
    %mul3A_102 = arith.mulf %get3A_101, %gather3A_94 : vector<16xf32>
    %mul3A_103 = arith.mulf %mul3A_102, %gather3A_95 : vector<16xf32>
    %swap3A_104 = arith.constant 0 : i32
    %swap3A_105 = arith.index_cast %swap3A_104 : i32 to index
    %swap3A_106 = arith.constant 16 : index
    %swap3A_107 = tpu.vector_load %arg12[%swap3A_105, %swap3A_106] {strides = array<i32>} : memref<2x128xf32, #tpu.memory_space<vmem>>, vector<16xf32>,
    tpu.vector_store %arg12[%swap3A_105, %swap3A_106], %mul3A_103 {strides = array<i32>} : memref<2x128xf32, #tpu.memory_space<vmem>>, vector<16xf32>,
    %get3A_108 = arith.constant 0 : i32
    %get3A_109 = arith.constant 0 : i32
    %get3A_110 = arith.index_cast %get3A_108 : i32 to index
    %get3A_111 = arith.index_cast %get3A_109 : i32 to index
    %get3A_112 = arith.constant 32 : index
    %get3A_113 = tpu.vector_load %arg7[%get3A_110, %get3A_111, %get3A_112] {strides = array<i32>} : memref<2x1x128xi32, #tpu.memory_space<vmem>>, vector<16xi32>,
    %and3A_114 = arith.constant 16383 : i32
    %and3A_115 = vector.broadcast %and3A_114 : i32 to vector<16xi32>
    %and3A_116 = arith.andi %get3A_113, %and3A_115 : vector<16xi32>
    %shift_right_logical3A_117 = arith.constant 14 : i32
    %shift_right_logical3A_118 = vector.broadcast %shift_right_logical3A_117 : i32 to vector<16xi32>
    %shift_right_logical3A_119 = arith.shrui %get3A_113, %shift_right_logical3A_118 : vector<16xi32>
    %swap3A_120 = arith.constant 0 : i32
    %swap3A_121 = arith.index_cast %swap3A_120 : i32 to index
    %swap3A_122 = arith.constant 32 : index
    %swap3A_123 = tpu.vector_load %arg10[%swap3A_121, %swap3A_122] {strides = array<i32>} : memref<2x128xi32, #tpu.memory_space<vmem>>, vector<16xi32>,
    tpu.vector_store %arg10[%swap3A_121, %swap3A_122], %and3A_116 {strides = array<i32>} : memref<2x128xi32, #tpu.memory_space<vmem>>, vector<16xi32>,
    %swap3A_124 = arith.constant 0 : i32
    %swap3A_125 = arith.index_cast %swap3A_124 : i32 to index
    %swap3A_126 = arith.constant 32 : index
    %swap3A_127 = tpu.vector_load %arg11[%swap3A_125, %swap3A_126] {strides = array<i32>} : memref<2x128xi32, #tpu.memory_space<vmem>>, vector<16xi32>,
    tpu.vector_store %arg11[%swap3A_125, %swap3A_126], %shift_right_logical3A_119 {strides = array<i32>} : memref<2x128xi32, #tpu.memory_space<vmem>>, vector<16xi32>,
    %gather3A_128 = tpu.vector_load_idx %arg9[%and3A_116] : memref<10240xf32, #tpu.memory_space<vmem>>[vector<16xi32>], vector<16xf32>,
    %gather3A_129 = tpu.vector_load_idx %arg9[%shift_right_logical3A_119] : memref<10240xf32, #tpu.memory_space<vmem>>[vector<16xi32>], vector<16xf32>,
    %get3A_130 = arith.constant 0 : i32
    %get3A_131 = arith.constant 0 : i32
    %get3A_132 = arith.index_cast %get3A_130 : i32 to index
    %get3A_133 = arith.index_cast %get3A_131 : i32 to index
    %get3A_134 = arith.constant 32 : index
    %get3A_135 = tpu.vector_load %arg8[%get3A_132, %get3A_133, %get3A_134] {strides = array<i32>} : memref<2x1x128xf32, #tpu.memory_space<vmem>>, vector<16xf32>,
    %mul3A_136 = arith.mulf %get3A_135, %gather3A_128 : vector<16xf32>
    %mul3A_137 = arith.mulf %mul3A_136, %gather3A_129 : vector<16xf32>
    %swap3A_138 = arith.constant 0 : i32
    %swap3A_139 = arith.index_cast %swap3A_138 : i32 to index
    %swap3A_140 = arith.constant 32 : index
    %swap3A_141 = tpu.vector_load %arg12[%swap3A_139, %swap3A_140] {strides = array<i32>} : memref<2x128xf32, #tpu.memory_space<vmem>>, vector<16xf32>,
    tpu.vector_store %arg12[%swap3A_139, %swap3A_140], %mul3A_137 {strides = array<i32>} : memref<2x128xf32, #tpu.memory_space<vmem>>, vector<16xf32>,
    %get3A_142 = arith.constant 0 : i32
    %get3A_143 = arith.constant 0 : i32
    %get3A_144 = arith.index_cast %get3A_142 : i32 to index
    %get3A_145 = arith.index_cast %get3A_143 : i32 to index
    %get3A_146 = arith.constant 48 : index
    %get3A_147 = tpu.vector_load %arg7[%get3A_144, %get3A_145, %get3A_146] {strides = array<i32>} : memref<2x1x128xi32, #tpu.memory_space<vmem>>, vector<16xi32>,
    %and3A_148 = arith.constant 16383 : i32
    %and3A_149 = vector.broadcast %and3A_148 : i32 to vector<16xi32>
    %and3A_150 = arith.andi %get3A_147, %and3A_149 : vector<16xi32>
    %shift_right_logical3A_151 = arith.constant 14 : i32
    %shift_right_logical3A_152 = vector.broadcast %shift_right_logical3A_151 : i32 to vector<16xi32>
    %shift_right_logical3A_153 = arith.shrui %get3A_147, %shift_right_logical3A_152 : vector<16xi32>
    %swap3A_154 = arith.constant 0 : i32
    %swap3A_155 = arith.index_cast %swap3A_154 : i32 to index
    %swap3A_156 = arith.constant 48 : index
    %swap3A_157 = tpu.vector_load %arg10[%swap3A_155, %swap3A_156] {strides = array<i32>} : memref<2x128xi32, #tpu.memory_space<vmem>>, vector<16xi32>,
    tpu.vector_store %arg10[%swap3A_155, %swap3A_156], %and3A_150 {strides = array<i32>} : memref<2x128xi32, #tpu.memory_space<vmem>>, vector<16xi32>,
    %swap3A_158 = arith.constant 0 : i32
    %swap3A_159 = arith.index_cast %swap3A_158 : i32 to index
    %swap3A_160 = arith.constant 48 : index
    %swap3A_161 = tpu.vector_load %arg11[%swap3A_159, %swap3A_160] {strides = array<i32>} : memref<2x128xi32, #tpu.memory_space<vmem>>, vector<16xi32>,
    tpu.vector_store %arg11[%swap3A_159, %swap3A_160], %shift_right_logical3A_153 {strides = array<i32>} : memref<2x128xi32, #tpu.memory_space<vmem>>, vector<16xi32>,
    %gather3A_162 = tpu.vector_load_idx %arg9[%and3A_150] : memref<10240xf32, #tpu.memory_space<vmem>>[vector<16xi32>], vector<16xf32>,
    %gather3A_163 = tpu.vector_load_idx %arg9[%shift_right_logical3A_153] : memref<10240xf32, #tpu.memory_space<vmem>>[vector<16xi32>], vector<16xf32>,
    %get3A_164 = arith.constant 0 : i32
    %get3A_165 = arith.constant 0 : i32
    %get3A_166 = arith.index_cast %get3A_164 : i32 to index
    %get3A_167 = arith.index_cast %get3A_165 : i32 to index
    %get3A_168 = arith.constant 48 : index
    %get3A_169 = tpu.vector_load %arg8[%get3A_166, %get3A_167, %get3A_168] {strides = array<i32>} : memref<2x1x128xf32, #tpu.memory_space<vmem>>, vector<16xf32>,
    %mul3A_170 = arith.mulf %get3A_169, %gather3A_162 : vector<16xf32>
    %mul3A_171 = arith.mulf %mul3A_170, %gather3A_163 : vector<16xf32>
    %swap3A_172 = arith.constant 0 : i32
    %swap3A_173 = arith.index_cast %swap3A_172 : i32 to index
    %swap3A_174 = arith.constant 48 : index
    %swap3A_175 = tpu.vector_load %arg12[%swap3A_173, %swap3A_174] {strides = array<i32>} : memref<2x128xf32, #tpu.memory_space<vmem>>, vector<16xf32>,
    tpu.vector_store %arg12[%swap3A_173, %swap3A_174], %mul3A_171 {strides = array<i32>} : memref<2x128xf32, #tpu.memory_space<vmem>>, vector<16xf32>,
    %get3A_176 = arith.constant 0 : i32
    %get3A_177 = arith.constant 0 : i32
    %get3A_178 = arith.index_cast %get3A_176 : i32 to index
    %get3A_179 = arith.index_cast %get3A_177 : i32 to index
    %get3A_180 = arith.constant 64 : index
    %get3A_181 = tpu.vector_load %arg7[%get3A_178, %get3A_179, %get3A_180] {strides = array<i32>} : memref<2x1x128xi32, #tpu.memory_space<vmem>>, vector<16xi32>,
    %and3A_182 = arith.constant 16383 : i32
    %and3A_183 = vector.broadcast %and3A_182 : i32 to vector<16xi32>
    %and3A_184 = arith.andi %get3A_181, %and3A_183 : vector<16xi32>
    %shift_right_logical3A_185 = arith.constant 14 : i32
    %shift_right_logical3A_186 = vector.broadcast %shift_right_logical3A_185 : i32 to vector<16xi32>
    %shift_right_logical3A_187 = arith.shrui %get3A_181, %shift_right_logical3A_186 : vector<16xi32>
    %swap3A_188 = arith.constant 0 : i32
    %swap3A_189 = arith.index_cast %swap3A_188 : i32 to index
    %swap3A_190 = arith.constant 64 : index
    %swap3A_191 = tpu.vector_load %arg10[%swap3A_189, %swap3A_190] {strides = array<i32>} : memref<2x128xi32, #tpu.memory_space<vmem>>, vector<16xi32>,
    tpu.vector_store %arg10[%swap3A_189, %swap3A_190], %and3A_184 {strides = array<i32>} : memref<2x128xi32, #tpu.memory_space<vmem>>, vector<16xi32>,
    %swap3A_192 = arith.constant 0 : i32
    %swap3A_193 = arith.index_cast %swap3A_192 : i32 to index
    %swap3A_194 = arith.constant 64 : index
    %swap3A_195 = tpu.vector_load %arg11[%swap3A_193, %swap3A_194] {strides = array<i32>} : memref<2x128xi32, #tpu.memory_space<vmem>>, vector<16xi32>,
    tpu.vector_store %arg11[%swap3A_193, %swap3A_194], %shift_right_logical3A_187 {strides = array<i32>} : memref<2x128xi32, #tpu.memory_space<vmem>>, vector<16xi32>,
    %gather3A_196 = tpu.vector_load_idx %arg9[%and3A_184] : memref<10240xf32, #tpu.memory_space<vmem>>[vector<16xi32>], vector<16xf32>,
    %gather3A_197 = tpu.vector_load_idx %arg9[%shift_right_logical3A_187] : memref<10240xf32, #tpu.memory_space<vmem>>[vector<16xi32>], vector<16xf32>,
    %get3A_198 = arith.constant 0 : i32
    %get3A_199 = arith.constant 0 : i32
    %get3A_200 = arith.index_cast %get3A_198 : i32 to index
    %get3A_201 = arith.index_cast %get3A_199 : i32 to index
    %get3A_202 = arith.constant 64 : index
    %get3A_203 = tpu.vector_load %arg8[%get3A_200, %get3A_201, %get3A_202] {strides = array<i32>} : memref<2x1x128xf32, #tpu.memory_space<vmem>>, vector<16xf32>,
    %mul3A_204 = arith.mulf %get3A_203, %gather3A_196 : vector<16xf32>
    %mul3A_205 = arith.mulf %mul3A_204, %gather3A_197 : vector<16xf32>
    %swap3A_206 = arith.constant 0 : i32
    %swap3A_207 = arith.index_cast %swap3A_206 : i32 to index
    %swap3A_208 = arith.constant 64 : index
    %swap3A_209 = tpu.vector_load %arg12[%swap3A_207, %swap3A_208] {strides = array<i32>} : memref<2x128xf32, #tpu.memory_space<vmem>>, vector<16xf32>,
    tpu.vector_store %arg12[%swap3A_207, %swap3A_208], %mul3A_205 {strides = array<i32>} : memref<2x128xf32, #tpu.memory_space<vmem>>, vector<16xf32>,
    %get3A_210 = arith.constant 0 : i32
    %get3A_211 = arith.constant 0 : i32
    %get3A_212 = arith.index_cast %get3A_210 : i32 to index
    %get3A_213 = arith.index_cast %get3A_211 : i32 to index
    %get3A_214 = arith.constant 80 : index
    %get3A_215 = tpu.vector_load %arg7[%get3A_212, %get3A_213, %get3A_214] {strides = array<i32>} : memref<2x1x128xi32, #tpu.memory_space<vmem>>, vector<16xi32>,
    %and3A_216 = arith.constant 16383 : i32
    %and3A_217 = vector.broadcast %and3A_216 : i32 to vector<16xi32>
    %and3A_218 = arith.andi %get3A_215, %and3A_217 : vector<16xi32>
    %shift_right_logical3A_219 = arith.constant 14 : i32
    %shift_right_logical3A_220 = vector.broadcast %shift_right_logical3A_219 : i32 to vector<16xi32>
    %shift_right_logical3A_221 = arith.shrui %get3A_215, %shift_right_logical3A_220 : vector<16xi32>
    %swap3A_222 = arith.constant 0 : i32
    %swap3A_223 = arith.index_cast %swap3A_222 : i32 to index
    %swap3A_224 = arith.constant 80 : index
    %swap3A_225 = tpu.vector_load %arg10[%swap3A_223, %swap3A_224] {strides = array<i32>} : memref<2x128xi32, #tpu.memory_space<vmem>>, vector<16xi32>,
    tpu.vector_store %arg10[%swap3A_223, %swap3A_224], %and3A_218 {strides = array<i32>} : memref<2x128xi32, #tpu.memory_space<vmem>>, vector<16xi32>,
    %swap3A_226 = arith.constant 0 : i32
    %swap3A_227 = arith.index_cast %swap3A_226 : i32 to index
    %swap3A_228 = arith.constant 80 : index
    %swap3A_229 = tpu.vector_load %arg11[%swap3A_227, %swap3A_228] {strides = array<i32>} : memref<2x128xi32, #tpu.memory_space<vmem>>, vector<16xi32>,
    tpu.vector_store %arg11[%swap3A_227, %swap3A_228], %shift_right_logical3A_221 {strides = array<i32>} : memref<2x128xi32, #tpu.memory_space<vmem>>, vector<16xi32>,
    %gather3A_230 = tpu.vector_load_idx %arg9[%and3A_218] : memref<10240xf32, #tpu.memory_space<vmem>>[vector<16xi32>], vector<16xf32>,
    %gather3A_231 = tpu.vector_load_idx %arg9[%shift_right_logical3A_221] : memref<10240xf32, #tpu.memory_space<vmem>>[vector<16xi32>], vector<16xf32>,
    %get3A_232 = arith.constant 0 : i32
    %get3A_233 = arith.constant 0 : i32
    %get3A_234 = arith.index_cast %get3A_232 : i32 to index
    %get3A_235 = arith.index_cast %get3A_233 : i32 to index
    %get3A_236 = arith.constant 80 : index
    %get3A_237 = tpu.vector_load %arg8[%get3A_234, %get3A_235, %get3A_236] {strides = array<i32>} : memref<2x1x128xf32, #tpu.memory_space<vmem>>, vector<16xf32>,
    %mul3A_238 = arith.mulf %get3A_237, %gather3A_230 : vector<16xf32>
    %mul3A_239 = arith.mulf %mul3A_238, %gather3A_231 : vector<16xf32>
    %swap3A_240 = arith.constant 0 : i32
    %swap3A_241 = arith.index_cast %swap3A_240 : i32 to index
    %swap3A_242 = arith.constant 80 : index
    %swap3A_243 = tpu.vector_load %arg12[%swap3A_241, %swap3A_242] {strides = array<i32>} : memref<2x128xf32, #tpu.memory_space<vmem>>, vector<16xf32>,
    tpu.vector_store %arg12[%swap3A_241, %swap3A_242], %mul3A_239 {strides = array<i32>} : memref<2x128xf32, #tpu.memory_space<vmem>>, vector<16xf32>,
    %get3A_244 = arith.constant 0 : i32
    %get3A_245 = arith.constant 0 : i32
    %get3A_246 = arith.index_cast %get3A_244 : i32 to index
    %get3A_247 = arith.index_cast %get3A_245 : i32 to index
    %get3A_248 = arith.constant 96 : index
    %get3A_249 = tpu.vector_load %arg7[%get3A_246, %get3A_247, %get3A_248] {strides = array<i32>} : memref<2x1x128xi32, #tpu.memory_space<vmem>>, vector<16xi32>,
    %and3A_250 = arith.constant 16383 : i32
    %and3A_251 = vector.broadcast %and3A_250 : i32 to vector<16xi32>
    %and3A_252 = arith.andi %get3A_249, %and3A_251 : vector<16xi32>
    %shift_right_logical3A_253 = arith.constant 14 : i32
    %shift_right_logical3A_254 = vector.broadcast %shift_right_logical3A_253 : i32 to vector<16xi32>
    %shift_right_logical3A_255 = arith.shrui %get3A_249, %shift_right_logical3A_254 : vector<16xi32>
    %swap3A_256 = arith.constant 0 : i32
    %swap3A_257 = arith.index_cast %swap3A_256 : i32 to index
    %swap3A_258 = arith.constant 96 : index
    %swap3A_259 = tpu.vector_load %arg10[%swap3A_257, %swap3A_258] {strides = array<i32>} : memref<2x128xi32, #tpu.memory_space<vmem>>, vector<16xi32>,
    tpu.vector_store %arg10[%swap3A_257, %swap3A_258], %and3A_252 {strides = array<i32>} : memref<2x128xi32, #tpu.memory_space<vmem>>, vector<16xi32>,
    %swap3A_260 = arith.constant 0 : i32
    %swap3A_261 = arith.index_cast %swap3A_260 : i32 to index
    %swap3A_262 = arith.constant 96 : index
    %swap3A_263 = tpu.vector_load %arg11[%swap3A_261, %swap3A_262] {strides = array<i32>} : memref<2x128xi32, #tpu.memory_space<vmem>>, vector<16xi32>,
    tpu.vector_store %arg11[%swap3A_261, %swap3A_262], %shift_right_logical3A_255 {strides = array<i32>} : memref<2x128xi32, #tpu.memory_space<vmem>>, vector<16xi32>,
    %gather3A_264 = tpu.vector_load_idx %arg9[%and3A_252] : memref<10240xf32, #tpu.memory_space<vmem>>[vector<16xi32>], vector<16xf32>,
    %gather3A_265 = tpu.vector_load_idx %arg9[%shift_right_logical3A_255] : memref<10240xf32, #tpu.memory_space<vmem>>[vector<16xi32>], vector<16xf32>,
    %get3A_266 = arith.constant 0 : i32
    %get3A_267 = arith.constant 0 : i32
    %get3A_268 = arith.index_cast %get3A_266 : i32 to index
    %get3A_269 = arith.index_cast %get3A_267 : i32 to index
    %get3A_270 = arith.constant 96 : index
    %get3A_271 = tpu.vector_load %arg8[%get3A_268, %get3A_269, %get3A_270] {strides = array<i32>} : memref<2x1x128xf32, #tpu.memory_space<vmem>>, vector<16xf32>,
    %mul3A_272 = arith.mulf %get3A_271, %gather3A_264 : vector<16xf32>
    %mul3A_273 = arith.mulf %mul3A_272, %gather3A_265 : vector<16xf32>
    %swap3A_274 = arith.constant 0 : i32
    %swap3A_275 = arith.index_cast %swap3A_274 : i32 to index
    %swap3A_276 = arith.constant 96 : index
    %swap3A_277 = tpu.vector_load %arg12[%swap3A_275, %swap3A_276] {strides = array<i32>} : memref<2x128xf32, #tpu.memory_space<vmem>>, vector<16xf32>,
    tpu.vector_store %arg12[%swap3A_275, %swap3A_276], %mul3A_273 {strides = array<i32>} : memref<2x128xf32, #tpu.memory_space<vmem>>, vector<16xf32>,
    %get3A_278 = arith.constant 0 : i32
    %get3A_279 = arith.constant 0 : i32
    %get3A_280 = arith.index_cast %get3A_278 : i32 to index
    %get3A_281 = arith.index_cast %get3A_279 : i32 to index
    %get3A_282 = arith.constant 112 : index
    %get3A_283 = tpu.vector_load %arg7[%get3A_280, %get3A_281, %get3A_282] {strides = array<i32>} : memref<2x1x128xi32, #tpu.memory_space<vmem>>, vector<16xi32>,
    %and3A_284 = arith.constant 16383 : i32
    %and3A_285 = vector.broadcast %and3A_284 : i32 to vector<16xi32>
    %and3A_286 = arith.andi %get3A_283, %and3A_285 : vector<16xi32>
    %shift_right_logical3A_287 = arith.constant 14 : i32
    %shift_right_logical3A_288 = vector.broadcast %shift_right_logical3A_287 : i32 to vector<16xi32>
    %shift_right_logical3A_289 = arith.shrui %get3A_283, %shift_right_logical3A_288 : vector<16xi32>
    %swap3A_290 = arith.constant 0 : i32
    %swap3A_291 = arith.index_cast %swap3A_290 : i32 to index
    %swap3A_292 = arith.constant 112 : index
    %swap3A_293 = tpu.vector_load %arg10[%swap3A_291, %swap3A_292] {strides = array<i32>} : memref<2x128xi32, #tpu.memory_space<vmem>>, vector<16xi32>,
    tpu.vector_store %arg10[%swap3A_291, %swap3A_292], %and3A_286 {strides = array<i32>} : memref<2x128xi32, #tpu.memory_space<vmem>>, vector<16xi32>,
    %swap3A_294 = arith.constant 0 : i32
    %swap3A_295 = arith.index_cast %swap3A_294 : i32 to index
    %swap3A_296 = arith.constant 112 : index
    %swap3A_297 = tpu.vector_load %arg11[%swap3A_295, %swap3A_296] {strides = array<i32>} : memref<2x128xi32, #tpu.memory_space<vmem>>, vector<16xi32>,
    tpu.vector_store %arg11[%swap3A_295, %swap3A_296], %shift_right_logical3A_289 {strides = array<i32>} : memref<2x128xi32, #tpu.memory_space<vmem>>, vector<16xi32>,
    %gather3A_298 = tpu.vector_load_idx %arg9[%and3A_286] : memref<10240xf32, #tpu.memory_space<vmem>>[vector<16xi32>], vector<16xf32>,
    %gather3A_299 = tpu.vector_load_idx %arg9[%shift_right_logical3A_289] : memref<10240xf32, #tpu.memory_space<vmem>>[vector<16xi32>], vector<16xf32>,
    %get3A_300 = arith.constant 0 : i32
    %get3A_301 = arith.constant 0 : i32
    %get3A_302 = arith.index_cast %get3A_300 : i32 to index
    %get3A_303 = arith.index_cast %get3A_301 : i32 to index
    %get3A_304 = arith.constant 112 : index
    %get3A_305 = tpu.vector_load %arg8[%get3A_302, %get3A_303, %get3A_304] {strides = array<i32>} : memref<2x1x128xf32, #tpu.memory_space<vmem>>, vector<16xf32>,
    %mul3A_306 = arith.mulf %get3A_305, %gather3A_298 : vector<16xf32>
    %mul3A_307 = arith.mulf %mul3A_306, %gather3A_299 : vector<16xf32>
    %swap3A_308 = arith.constant 0 : i32
    %swap3A_309 = arith.index_cast %swap3A_308 : i32 to index
    %swap3A_310 = arith.constant 112 : index
    %swap3A_311 = tpu.vector_load %arg12[%swap3A_309, %swap3A_310] {strides = array<i32>} : memref<2x128xf32, #tpu.memory_space<vmem>>, vector<16xf32>,
    tpu.vector_store %arg12[%swap3A_309, %swap3A_310], %mul3A_307 {strides = array<i32>} : memref<2x128xf32, #tpu.memory_space<vmem>>, vector<16xf32>,
    %dma_start3A = arith.constant 0 : i32
    %dma_start3A_312 = arith.constant 0 : i32
    %dma_start3A_313 = arith.constant 0 : i32
    %dma_start3A_314 = arith.constant 0 : i32
    %dma_start3A_315 = arith.constant 0 : i32
    %dma_start3A_316 = tpu.memref_slice %arg13[%dma_start3A_312, %dma_start3A_314, %dma_start3A_315] : memref<2x128x128xf32, #tpu.memory_space<vmem>> -> memref<1x128x128xf32, #tpu.memory_space<vmem>>
    %dma_start3A_317 = tpu.memref_squeeze %dma_start3A_316 : memref<1x128x128xf32, #tpu.memory_space<vmem>> -> memref<128x128xf32, #tpu.memory_space<vmem>>
    %dma_start3A_318 = arith.constant 0 : i32
    %dma_start3A_319 = tpu.memref_slice %arg10[%dma_start3A, %dma_start3A_318] : memref<2x128xi32, #tpu.memory_space<vmem>> -> memref<1x128xi32, #tpu.memory_space<vmem>>
    %dma_start3A_320 = tpu.memref_squeeze %dma_start3A_319 : memref<1x128xi32, #tpu.memory_space<vmem>> -> memref<128xi32, #tpu.memory_space<vmem>>
    %dma_start3A_321 = arith.constant 0 : i32
    %dma_start3A_322 = arith.constant 0 : i32
    %dma_start3A_323 = tpu.memref_slice %arg5[%dma_start3A_321, %dma_start3A_322] : memref<10240x128xf32, #tpu.memory_space<hbm>> -> memref<10240x128xf32, #tpu.memory_space<hbm>>
    %dma_start3A_324 = tpu.memref_slice %arg15[%dma_start3A_313] : memref<2x!tpu.dma_semaphore, #tpu.memory_space<semaphore_mem>> -> memref<1x!tpu.dma_semaphore, #tpu.memory_space<semaphore_mem>>
    %dma_start3A_325 = tpu.memref_squeeze %dma_start3A_324 : memref<1x!tpu.dma_semaphore, #tpu.memory_space<semaphore_mem>> -> memref<!tpu.dma_semaphore, #tpu.memory_space<semaphore_mem>>
    tpu.enqueue_indirect_dma source(%dma_start3A_323 : memref<10240x128xf32, #tpu.memory_space<hbm>>) target(%dma_start3A_317 : memref<128x128xf32, #tpu.memory_space<vmem>>) offsets(%dma_start3A_320 : memref<128xi32, #tpu.memory_space<vmem>>) semaphore(%dma_start3A_325 : memref<!tpu.dma_semaphore, #tpu.memory_space<semaphore_mem>>)
    %while3A = arith.constant 0 : i32
    %while3A_326 = arith.constant 0 : i32
    %while3A_327 = arith.subi %select_n3A, %while3A : i32
    %while3A_328 = arith.addi %while3A, %while3A_327 : i32
    %while3A_329 = arith.constant 1 : i32
    %while3A_330 = arith.divsi %while3A_327, %while3A_329 : i32
    %while3A_331 = arith.muli %while3A_330, %while3A_329 : i32
    %while3A_332 = arith.addi %while3A, %while3A_331 : i32
    %while3A_333 = arith.constant 1 : i32
    %while3A_334 = scf.for %while3A_371 = %while3A to %while3A_332 step %while3A_333 iter_args(%while3A_372 = %while3A_326) -> (i32)  : i32 {
      %rem3A = arith.constant 2 : i32
      %rem3A_373 = arith.remsi %while3A_371, %rem3A : i32
      %sub3A = arith.constant 1 : i32
      %sub3A_374 = arith.subi %sub3A, %rem3A_373 : i32
      %ge3A = arith.constant 1 : i32
      %ge3A_375 = arith.cmpi sge, %while3A_371, %ge3A : i32
      %sub3A_376 = arith.constant 1 : i32
      %sub3A_377 = arith.subi %select_n3A, %sub3A_376 : i32
      %lt3A = arith.cmpi slt, %while3A_371, %sub3A_377 : i32
      %and3A_378 = arith.andi %ge3A_375, %lt3A : i1
      %convert_element_type3A = arith.extui %and3A_378 : i1 to i32
      %cond3A = arith.constant 0 : i32
      %cond3A_379 = arith.cmpi ne, %convert_element_type3A, %cond3A : i32
      scf.if %cond3A_379 {
        %dma_wait3A_418 = arith.constant 0 : i32
        %dma_wait3A_419 = arith.constant 0 : i32
        %dma_wait3A_420 = tpu.memref_slice %arg13[%sub3A_374, %dma_wait3A_418, %dma_wait3A_419] : memref<2x128x128xf32, #tpu.memory_space<vmem>> -> memref<1x128x128xf32, #tpu.memory_space<vmem>>
        %dma_wait3A_421 = tpu.memref_squeeze %dma_wait3A_420 : memref<1x128x128xf32, #tpu.memory_space<vmem>> -> memref<128x128xf32, #tpu.memory_space<vmem>>
        %dma_wait3A_422 = arith.constant 0 : i32
        %dma_wait3A_423 = tpu.memref_slice %arg11[%sub3A_374, %dma_wait3A_422] : memref<2x128xi32, #tpu.memory_space<vmem>> -> memref<1x128xi32, #tpu.memory_space<vmem>>
        %dma_wait3A_424 = tpu.memref_squeeze %dma_wait3A_423 : memref<1x128xi32, #tpu.memory_space<vmem>> -> memref<128xi32, #tpu.memory_space<vmem>>
        %dma_wait3A_425 = arith.constant 0 : i32
        %dma_wait3A_426 = arith.constant 0 : i32
        %dma_wait3A_427 = tpu.memref_slice %arg14[%dma_wait3A_425, %dma_wait3A_426] : memref<10240x128xf32, #tpu.memory_space<vmem_shared>> -> memref<10240x128xf32, #tpu.memory_space<vmem_shared>>
        %dma_wait3A_428 = tpu.memref_slice %arg16[%sub3A_374] : memref<2x!tpu.dma_semaphore, #tpu.memory_space<semaphore_mem>> -> memref<1x!tpu.dma_semaphore, #tpu.memory_space<semaphore_mem>>
        %dma_wait3A_429 = tpu.memref_squeeze %dma_wait3A_428 : memref<1x!tpu.dma_semaphore, #tpu.memory_space<semaphore_mem>> -> memref<!tpu.dma_semaphore, #tpu.memory_space<semaphore_mem>>
        tpu.wait_indirect_dma semaphore(%dma_wait3A_429 : memref<!tpu.dma_semaphore, #tpu.memory_space<semaphore_mem>>) src(%dma_wait3A_421 : memref<128x128xf32, #tpu.memory_space<vmem>>) dst(%dma_wait3A_427 : memref<10240x128xf32, #tpu.memory_space<vmem_shared>>)
      } else {
      }
      %sub3A_380 = arith.constant 1 : i32
      %sub3A_381 = arith.subi %select_n3A, %sub3A_380 : i32
      %lt3A_382 = arith.cmpi slt, %while3A_371, %sub3A_381 : i32
      %convert_element_type3A_383 = arith.extui %lt3A_382 : i1 to i32
      %cond3A_384 = arith.constant 0 : i32
      %cond3A_385 = arith.cmpi ne, %convert_element_type3A_383, %cond3A_384 : i32
      scf.if %cond3A_385 {
        %add3A_418 = arith.constant 1 : i32
        %add3A_419 = arith.addi %while3A_371, %add3A_418 : i32
        %add3A_420 = arith.addi %select_n3A_8, %add3A_419 : i32
        "tpu.region"() ({
          %run_scoped3A_666 = tpu.sem_alloc : memref<!tpu.dma_semaphore, #tpu.memory_space<semaphore_mem>>
          %dma_start3A_667 = arith.constant 0 : i32
          %dma_start3A_668 = arith.constant 0 : i32
          %dma_start3A_669 = tpu.memref_slice %arg7[%sub3A_374, %dma_start3A_667, %dma_start3A_668] : memref<2x1x128xi32, #tpu.memory_space<vmem>> -> memref<1x1x128xi32, #tpu.memory_space<vmem>>
          %dma_start3A_670 = tpu.memref_squeeze %dma_start3A_669 : memref<1x1x128xi32, #tpu.memory_space<vmem>> -> memref<1x128xi32, #tpu.memory_space<vmem>>
          %dma_start3A_671 = arith.constant 0 : i32
          %dma_start3A_672 = arith.constant 0 : i32
          %dma_start3A_673 = tpu.memref_slice %arg2[%add3A_420, %dma_start3A_671, %dma_start3A_672] : memref<2560x1x128xi32, #tpu.memory_space<hbm>> -> memref<1x1x128xi32, #tpu.memory_space<hbm>>
          %dma_start3A_674 = tpu.memref_squeeze %dma_start3A_673 : memref<1x1x128xi32, #tpu.memory_space<hbm>> -> memref<1x128xi32, #tpu.memory_space<hbm>>
          %dma_start3A_675 = arith.constant 0 : i32
          %dma_start3A_676 = arith.constant 0 : i32
          %dma_start3A_677 = tpu.memref_slice %arg7[%sub3A_374, %dma_start3A_675, %dma_start3A_676] : memref<2x1x128xi32, #tpu.memory_space<vmem>> -> memref<1x1x128xi32, #tpu.memory_space<vmem>>
          %dma_start3A_678 = tpu.memref_squeeze %dma_start3A_677 : memref<1x1x128xi32, #tpu.memory_space<vmem>> -> memref<1x128xi32, #tpu.memory_space<vmem>>
          %dma_start3A_679 = arith.constant 0 : i32
          %dma_start3A_680 = arith.constant 0 : i32
          %dma_start3A_681 = tpu.memref_slice %arg2[%add3A_420, %dma_start3A_679, %dma_start3A_680] : memref<2560x1x128xi32, #tpu.memory_space<hbm>> -> memref<1x1x128xi32, #tpu.memory_space<hbm>>
          %dma_start3A_682 = tpu.memref_squeeze %dma_start3A_681 : memref<1x1x128xi32, #tpu.memory_space<hbm>> -> memref<1x128xi32, #tpu.memory_space<hbm>>
          tpu.enqueue_dma source(%dma_start3A_682 : memref<1x128xi32, #tpu.memory_space<hbm>>) target(%dma_start3A_678 : memref<1x128xi32, #tpu.memory_space<vmem>>) target_semaphore(%run_scoped3A_666 : memref<!tpu.dma_semaphore, #tpu.memory_space<semaphore_mem>>)
          %dma_wait3A_683 = arith.constant 0 : i32
          %dma_wait3A_684 = arith.constant 0 : i32
          %dma_wait3A_685 = tpu.memref_slice %arg7[%sub3A_374, %dma_wait3A_683, %dma_wait3A_684] : memref<2x1x128xi32, #tpu.memory_space<vmem>> -> memref<1x1x128xi32, #tpu.memory_space<vmem>>
          %dma_wait3A_686 = tpu.memref_squeeze %dma_wait3A_685 : memref<1x1x128xi32, #tpu.memory_space<vmem>> -> memref<1x128xi32, #tpu.memory_space<vmem>>
          %dma_wait3A_687 = arith.constant 0 : i32
          %dma_wait3A_688 = arith.constant 0 : i32
          %dma_wait3A_689 = tpu.memref_slice %arg2[%add3A_420, %dma_wait3A_687, %dma_wait3A_688] : memref<2560x1x128xi32, #tpu.memory_space<hbm>> -> memref<1x1x128xi32, #tpu.memory_space<hbm>>
          %dma_wait3A_690 = tpu.memref_squeeze %dma_wait3A_689 : memref<1x1x128xi32, #tpu.memory_space<hbm>> -> memref<1x128xi32, #tpu.memory_space<hbm>>
          %dma_wait3A_691 = arith.constant 0 : i32
          %dma_wait3A_692 = arith.constant 0 : i32
          %dma_wait3A_693 = tpu.memref_slice %arg7[%sub3A_374, %dma_wait3A_691, %dma_wait3A_692] : memref<2x1x128xi32, #tpu.memory_space<vmem>> -> memref<1x1x128xi32, #tpu.memory_space<vmem>>
          %dma_wait3A_694 = tpu.memref_squeeze %dma_wait3A_693 : memref<1x1x128xi32, #tpu.memory_space<vmem>> -> memref<1x128xi32, #tpu.memory_space<vmem>>
          %dma_wait3A_695 = arith.constant 0 : i32
          %dma_wait3A_696 = arith.constant 0 : i32
          %dma_wait3A_697 = tpu.memref_slice %arg2[%add3A_420, %dma_wait3A_695, %dma_wait3A_696] : memref<2560x1x128xi32, #tpu.memory_space<hbm>> -> memref<1x1x128xi32, #tpu.memory_space<hbm>>
          %dma_wait3A_698 = tpu.memref_squeeze %dma_wait3A_697 : memref<1x1x128xi32, #tpu.memory_space<hbm>> -> memref<1x128xi32, #tpu.memory_space<hbm>>
          tpu.wait_dma2 semaphore(%run_scoped3A_666 : memref<!tpu.dma_semaphore, #tpu.memory_space<semaphore_mem>>) src(%dma_wait3A_698 : memref<1x128xi32, #tpu.memory_space<hbm>>) dst(%dma_wait3A_694 : memref<1x128xi32, #tpu.memory_space<vmem>>)
          tpu.yield
        }) : () -> ()
        %add3A_421 = arith.addi %select_n3A_8, %add3A_419 : i32
        "tpu.region"() ({
          %run_scoped3A_666 = tpu.sem_alloc : memref<!tpu.dma_semaphore, #tpu.memory_space<semaphore_mem>>
          %dma_start3A_667 = arith.constant 0 : i32
          %dma_start3A_668 = arith.constant 0 : i32
          %dma_start3A_669 = tpu.memref_slice %arg8[%sub3A_374, %dma_start3A_667, %dma_start3A_668] : memref<2x1x128xf32, #tpu.memory_space<vmem>> -> memref<1x1x128xf32, #tpu.memory_space<vmem>>
          %dma_start3A_670 = tpu.memref_squeeze %dma_start3A_669 : memref<1x1x128xf32, #tpu.memory_space<vmem>> -> memref<1x128xf32, #tpu.memory_space<vmem>>
          %dma_start3A_671 = arith.constant 0 : i32
          %dma_start3A_672 = arith.constant 0 : i32
          %dma_start3A_673 = tpu.memref_slice %arg3[%add3A_421, %dma_start3A_671, %dma_start3A_672] : memref<2560x1x128xf32, #tpu.memory_space<hbm>> -> memref<1x1x128xf32, #tpu.memory_space<hbm>>
          %dma_start3A_674 = tpu.memref_squeeze %dma_start3A_673 : memref<1x1x128xf32, #tpu.memory_space<hbm>> -> memref<1x128xf32, #tpu.memory_space<hbm>>
          %dma_start3A_675 = arith.constant 0 : i32
          %dma_start3A_676 = arith.constant 0 : i32
          %dma_start3A_677 = tpu.memref_slice %arg8[%sub3A_374, %dma_start3A_675, %dma_start3A_676] : memref<2x1x128xf32, #tpu.memory_space<vmem>> -> memref<1x1x128xf32, #tpu.memory_space<vmem>>
          %dma_start3A_678 = tpu.memref_squeeze %dma_start3A_677 : memref<1x1x128xf32, #tpu.memory_space<vmem>> -> memref<1x128xf32, #tpu.memory_space<vmem>>
          %dma_start3A_679 = arith.constant 0 : i32
          %dma_start3A_680 = arith.constant 0 : i32
          %dma_start3A_681 = tpu.memref_slice %arg3[%add3A_421, %dma_start3A_679, %dma_start3A_680] : memref<2560x1x128xf32, #tpu.memory_space<hbm>> -> memref<1x1x128xf32, #tpu.memory_space<hbm>>
          %dma_start3A_682 = tpu.memref_squeeze %dma_start3A_681 : memref<1x1x128xf32, #tpu.memory_space<hbm>> -> memref<1x128xf32, #tpu.memory_space<hbm>>
          tpu.enqueue_dma source(%dma_start3A_682 : memref<1x128xf32, #tpu.memory_space<hbm>>) target(%dma_start3A_678 : memref<1x128xf32, #tpu.memory_space<vmem>>) target_semaphore(%run_scoped3A_666 : memref<!tpu.dma_semaphore, #tpu.memory_space<semaphore_mem>>)
          %dma_wait3A_683 = arith.constant 0 : i32
          %dma_wait3A_684 = arith.constant 0 : i32
          %dma_wait3A_685 = tpu.memref_slice %arg8[%sub3A_374, %dma_wait3A_683, %dma_wait3A_684] : memref<2x1x128xf32, #tpu.memory_space<vmem>> -> memref<1x1x128xf32, #tpu.memory_space<vmem>>
          %dma_wait3A_686 = tpu.memref_squeeze %dma_wait3A_685 : memref<1x1x128xf32, #tpu.memory_space<vmem>> -> memref<1x128xf32, #tpu.memory_space<vmem>>
          %dma_wait3A_687 = arith.constant 0 : i32
          %dma_wait3A_688 = arith.constant 0 : i32
          %dma_wait3A_689 = tpu.memref_slice %arg3[%add3A_421, %dma_wait3A_687, %dma_wait3A_688] : memref<2560x1x128xf32, #tpu.memory_space<hbm>> -> memref<1x1x128xf32, #tpu.memory_space<hbm>>
          %dma_wait3A_690 = tpu.memref_squeeze %dma_wait3A_689 : memref<1x1x128xf32, #tpu.memory_space<hbm>> -> memref<1x128xf32, #tpu.memory_space<hbm>>
          %dma_wait3A_691 = arith.constant 0 : i32
          %dma_wait3A_692 = arith.constant 0 : i32
          %dma_wait3A_693 = tpu.memref_slice %arg8[%sub3A_374, %dma_wait3A_691, %dma_wait3A_692] : memref<2x1x128xf32, #tpu.memory_space<vmem>> -> memref<1x1x128xf32, #tpu.memory_space<vmem>>
          %dma_wait3A_694 = tpu.memref_squeeze %dma_wait3A_693 : memref<1x1x128xf32, #tpu.memory_space<vmem>> -> memref<1x128xf32, #tpu.memory_space<vmem>>
          %dma_wait3A_695 = arith.constant 0 : i32
          %dma_wait3A_696 = arith.constant 0 : i32
          %dma_wait3A_697 = tpu.memref_slice %arg3[%add3A_421, %dma_wait3A_695, %dma_wait3A_696] : memref<2560x1x128xf32, #tpu.memory_space<hbm>> -> memref<1x1x128xf32, #tpu.memory_space<hbm>>
          %dma_wait3A_698 = tpu.memref_squeeze %dma_wait3A_697 : memref<1x1x128xf32, #tpu.memory_space<hbm>> -> memref<1x128xf32, #tpu.memory_space<hbm>>
          tpu.wait_dma2 semaphore(%run_scoped3A_666 : memref<!tpu.dma_semaphore, #tpu.memory_space<semaphore_mem>>) src(%dma_wait3A_698 : memref<1x128xf32, #tpu.memory_space<hbm>>) dst(%dma_wait3A_694 : memref<1x128xf32, #tpu.memory_space<vmem>>)
          tpu.yield
        }) : () -> ()
        %get3A_422 = arith.constant 0 : i32
        %get3A_423 = arith.index_cast %sub3A_374 : i32 to index
        %get3A_424 = arith.index_cast %get3A_422 : i32 to index
        %get3A_425 = arith.constant 0 : index
        %get3A_426 = tpu.vector_load %arg7[%get3A_423, %get3A_424, %get3A_425] {strides = array<i32>} : memref<2x1x128xi32, #tpu.memory_space<vmem>>, vector<16xi32>,
        %and3A_427 = arith.constant 16383 : i32
        %and3A_428 = vector.broadcast %and3A_427 : i32 to vector<16xi32>
        %and3A_429 = arith.andi %get3A_426, %and3A_428 : vector<16xi32>
        %shift_right_logical3A_430 = arith.constant 14 : i32
        %shift_right_logical3A_431 = vector.broadcast %shift_right_logical3A_430 : i32 to vector<16xi32>
        %shift_right_logical3A_432 = arith.shrui %get3A_426, %shift_right_logical3A_431 : vector<16xi32>
        %swap3A_433 = arith.index_cast %sub3A_374 : i32 to index
        %swap3A_434 = arith.constant 0 : index
        %swap3A_435 = tpu.vector_load %arg10[%swap3A_433, %swap3A_434] {strides = array<i32>} : memref<2x128xi32, #tpu.memory_space<vmem>>, vector<16xi32>,
        tpu.vector_store %arg10[%swap3A_433, %swap3A_434], %and3A_429 {strides = array<i32>} : memref<2x128xi32, #tpu.memory_space<vmem>>, vector<16xi32>,
        %swap3A_436 = arith.index_cast %sub3A_374 : i32 to index
        %swap3A_437 = arith.constant 0 : index
        %swap3A_438 = tpu.vector_load %arg11[%swap3A_436, %swap3A_437] {strides = array<i32>} : memref<2x128xi32, #tpu.memory_space<vmem>>, vector<16xi32>,
        tpu.vector_store %arg11[%swap3A_436, %swap3A_437], %shift_right_logical3A_432 {strides = array<i32>} : memref<2x128xi32, #tpu.memory_space<vmem>>, vector<16xi32>,
        %gather3A_439 = tpu.vector_load_idx %arg9[%and3A_429] : memref<10240xf32, #tpu.memory_space<vmem>>[vector<16xi32>], vector<16xf32>,
        %gather3A_440 = tpu.vector_load_idx %arg9[%shift_right_logical3A_432] : memref<10240xf32, #tpu.memory_space<vmem>>[vector<16xi32>], vector<16xf32>,
        %get3A_441 = arith.constant 0 : i32
        %get3A_442 = arith.index_cast %sub3A_374 : i32 to index
        %get3A_443 = arith.index_cast %get3A_441 : i32 to index
        %get3A_444 = arith.constant 0 : index
        %get3A_445 = tpu.vector_load %arg8[%get3A_442, %get3A_443, %get3A_444] {strides = array<i32>} : memref<2x1x128xf32, #tpu.memory_space<vmem>>, vector<16xf32>,
        %mul3A_446 = arith.mulf %get3A_445, %gather3A_439 : vector<16xf32>
        %mul3A_447 = arith.mulf %mul3A_446, %gather3A_440 : vector<16xf32>
        %swap3A_448 = arith.index_cast %sub3A_374 : i32 to index
        %swap3A_449 = arith.constant 0 : index
        %swap3A_450 = tpu.vector_load %arg12[%swap3A_448, %swap3A_449] {strides = array<i32>} : memref<2x128xf32, #tpu.memory_space<vmem>>, vector<16xf32>,
        tpu.vector_store %arg12[%swap3A_448, %swap3A_449], %mul3A_447 {strides = array<i32>} : memref<2x128xf32, #tpu.memory_space<vmem>>, vector<16xf32>,
        %get3A_451 = arith.constant 0 : i32
        %get3A_452 = arith.index_cast %sub3A_374 : i32 to index
        %get3A_453 = arith.index_cast %get3A_451 : i32 to index
        %get3A_454 = arith.constant 16 : index
        %get3A_455 = tpu.vector_load %arg7[%get3A_452, %get3A_453, %get3A_454] {strides = array<i32>} : memref<2x1x128xi32, #tpu.memory_space<vmem>>, vector<16xi32>,
        %and3A_456 = arith.constant 16383 : i32
        %and3A_457 = vector.broadcast %and3A_456 : i32 to vector<16xi32>
        %and3A_458 = arith.andi %get3A_455, %and3A_457 : vector<16xi32>
        %shift_right_logical3A_459 = arith.constant 14 : i32
        %shift_right_logical3A_460 = vector.broadcast %shift_right_logical3A_459 : i32 to vector<16xi32>
        %shift_right_logical3A_461 = arith.shrui %get3A_455, %shift_right_logical3A_460 : vector<16xi32>
        %swap3A_462 = arith.index_cast %sub3A_374 : i32 to index
        %swap3A_463 = arith.constant 16 : index
        %swap3A_464 = tpu.vector_load %arg10[%swap3A_462, %swap3A_463] {strides = array<i32>} : memref<2x128xi32, #tpu.memory_space<vmem>>, vector<16xi32>,
        tpu.vector_store %arg10[%swap3A_462, %swap3A_463], %and3A_458 {strides = array<i32>} : memref<2x128xi32, #tpu.memory_space<vmem>>, vector<16xi32>,
        %swap3A_465 = arith.index_cast %sub3A_374 : i32 to index
        %swap3A_466 = arith.constant 16 : index
        %swap3A_467 = tpu.vector_load %arg11[%swap3A_465, %swap3A_466] {strides = array<i32>} : memref<2x128xi32, #tpu.memory_space<vmem>>, vector<16xi32>,
        tpu.vector_store %arg11[%swap3A_465, %swap3A_466], %shift_right_logical3A_461 {strides = array<i32>} : memref<2x128xi32, #tpu.memory_space<vmem>>, vector<16xi32>,
        %gather3A_468 = tpu.vector_load_idx %arg9[%and3A_458] : memref<10240xf32, #tpu.memory_space<vmem>>[vector<16xi32>], vector<16xf32>,
        %gather3A_469 = tpu.vector_load_idx %arg9[%shift_right_logical3A_461] : memref<10240xf32, #tpu.memory_space<vmem>>[vector<16xi32>], vector<16xf32>,
        %get3A_470 = arith.constant 0 : i32
        %get3A_471 = arith.index_cast %sub3A_374 : i32 to index
        %get3A_472 = arith.index_cast %get3A_470 : i32 to index
        %get3A_473 = arith.constant 16 : index
        %get3A_474 = tpu.vector_load %arg8[%get3A_471, %get3A_472, %get3A_473] {strides = array<i32>} : memref<2x1x128xf32, #tpu.memory_space<vmem>>, vector<16xf32>,
        %mul3A_475 = arith.mulf %get3A_474, %gather3A_468 : vector<16xf32>
        %mul3A_476 = arith.mulf %mul3A_475, %gather3A_469 : vector<16xf32>
        %swap3A_477 = arith.index_cast %sub3A_374 : i32 to index
        %swap3A_478 = arith.constant 16 : index
        %swap3A_479 = tpu.vector_load %arg12[%swap3A_477, %swap3A_478] {strides = array<i32>} : memref<2x128xf32, #tpu.memory_space<vmem>>, vector<16xf32>,
        tpu.vector_store %arg12[%swap3A_477, %swap3A_478], %mul3A_476 {strides = array<i32>} : memref<2x128xf32, #tpu.memory_space<vmem>>, vector<16xf32>,
        %get3A_480 = arith.constant 0 : i32
        %get3A_481 = arith.index_cast %sub3A_374 : i32 to index
        %get3A_482 = arith.index_cast %get3A_480 : i32 to index
        %get3A_483 = arith.constant 32 : index
        %get3A_484 = tpu.vector_load %arg7[%get3A_481, %get3A_482, %get3A_483] {strides = array<i32>} : memref<2x1x128xi32, #tpu.memory_space<vmem>>, vector<16xi32>,
        %and3A_485 = arith.constant 16383 : i32
        %and3A_486 = vector.broadcast %and3A_485 : i32 to vector<16xi32>
        %and3A_487 = arith.andi %get3A_484, %and3A_486 : vector<16xi32>
        %shift_right_logical3A_488 = arith.constant 14 : i32
        %shift_right_logical3A_489 = vector.broadcast %shift_right_logical3A_488 : i32 to vector<16xi32>
        %shift_right_logical3A_490 = arith.shrui %get3A_484, %shift_right_logical3A_489 : vector<16xi32>
        %swap3A_491 = arith.index_cast %sub3A_374 : i32 to index
        %swap3A_492 = arith.constant 32 : index
        %swap3A_493 = tpu.vector_load %arg10[%swap3A_491, %swap3A_492] {strides = array<i32>} : memref<2x128xi32, #tpu.memory_space<vmem>>, vector<16xi32>,
        tpu.vector_store %arg10[%swap3A_491, %swap3A_492], %and3A_487 {strides = array<i32>} : memref<2x128xi32, #tpu.memory_space<vmem>>, vector<16xi32>,
        %swap3A_494 = arith.index_cast %sub3A_374 : i32 to index
        %swap3A_495 = arith.constant 32 : index
        %swap3A_496 = tpu.vector_load %arg11[%swap3A_494, %swap3A_495] {strides = array<i32>} : memref<2x128xi32, #tpu.memory_space<vmem>>, vector<16xi32>,
        tpu.vector_store %arg11[%swap3A_494, %swap3A_495], %shift_right_logical3A_490 {strides = array<i32>} : memref<2x128xi32, #tpu.memory_space<vmem>>, vector<16xi32>,
        %gather3A_497 = tpu.vector_load_idx %arg9[%and3A_487] : memref<10240xf32, #tpu.memory_space<vmem>>[vector<16xi32>], vector<16xf32>,
        %gather3A_498 = tpu.vector_load_idx %arg9[%shift_right_logical3A_490] : memref<10240xf32, #tpu.memory_space<vmem>>[vector<16xi32>], vector<16xf32>,
        %get3A_499 = arith.constant 0 : i32
        %get3A_500 = arith.index_cast %sub3A_374 : i32 to index
        %get3A_501 = arith.index_cast %get3A_499 : i32 to index
        %get3A_502 = arith.constant 32 : index
        %get3A_503 = tpu.vector_load %arg8[%get3A_500, %get3A_501, %get3A_502] {strides = array<i32>} : memref<2x1x128xf32, #tpu.memory_space<vmem>>, vector<16xf32>,
        %mul3A_504 = arith.mulf %get3A_503, %gather3A_497 : vector<16xf32>
        %mul3A_505 = arith.mulf %mul3A_504, %gather3A_498 : vector<16xf32>
        %swap3A_506 = arith.index_cast %sub3A_374 : i32 to index
        %swap3A_507 = arith.constant 32 : index
        %swap3A_508 = tpu.vector_load %arg12[%swap3A_506, %swap3A_507] {strides = array<i32>} : memref<2x128xf32, #tpu.memory_space<vmem>>, vector<16xf32>,
        tpu.vector_store %arg12[%swap3A_506, %swap3A_507], %mul3A_505 {strides = array<i32>} : memref<2x128xf32, #tpu.memory_space<vmem>>, vector<16xf32>,
        %get3A_509 = arith.constant 0 : i32
        %get3A_510 = arith.index_cast %sub3A_374 : i32 to index
        %get3A_511 = arith.index_cast %get3A_509 : i32 to index
        %get3A_512 = arith.constant 48 : index
        %get3A_513 = tpu.vector_load %arg7[%get3A_510, %get3A_511, %get3A_512] {strides = array<i32>} : memref<2x1x128xi32, #tpu.memory_space<vmem>>, vector<16xi32>,
        %and3A_514 = arith.constant 16383 : i32
        %and3A_515 = vector.broadcast %and3A_514 : i32 to vector<16xi32>
        %and3A_516 = arith.andi %get3A_513, %and3A_515 : vector<16xi32>
        %shift_right_logical3A_517 = arith.constant 14 : i32
        %shift_right_logical3A_518 = vector.broadcast %shift_right_logical3A_517 : i32 to vector<16xi32>
        %shift_right_logical3A_519 = arith.shrui %get3A_513, %shift_right_logical3A_518 : vector<16xi32>
        %swap3A_520 = arith.index_cast %sub3A_374 : i32 to index
        %swap3A_521 = arith.constant 48 : index
        %swap3A_522 = tpu.vector_load %arg10[%swap3A_520, %swap3A_521] {strides = array<i32>} : memref<2x128xi32, #tpu.memory_space<vmem>>, vector<16xi32>,
        tpu.vector_store %arg10[%swap3A_520, %swap3A_521], %and3A_516 {strides = array<i32>} : memref<2x128xi32, #tpu.memory_space<vmem>>, vector<16xi32>,
        %swap3A_523 = arith.index_cast %sub3A_374 : i32 to index
        %swap3A_524 = arith.constant 48 : index
        %swap3A_525 = tpu.vector_load %arg11[%swap3A_523, %swap3A_524] {strides = array<i32>} : memref<2x128xi32, #tpu.memory_space<vmem>>, vector<16xi32>,
        tpu.vector_store %arg11[%swap3A_523, %swap3A_524], %shift_right_logical3A_519 {strides = array<i32>} : memref<2x128xi32, #tpu.memory_space<vmem>>, vector<16xi32>,
        %gather3A_526 = tpu.vector_load_idx %arg9[%and3A_516] : memref<10240xf32, #tpu.memory_space<vmem>>[vector<16xi32>], vector<16xf32>,
        %gather3A_527 = tpu.vector_load_idx %arg9[%shift_right_logical3A_519] : memref<10240xf32, #tpu.memory_space<vmem>>[vector<16xi32>], vector<16xf32>,
        %get3A_528 = arith.constant 0 : i32
        %get3A_529 = arith.index_cast %sub3A_374 : i32 to index
        %get3A_530 = arith.index_cast %get3A_528 : i32 to index
        %get3A_531 = arith.constant 48 : index
        %get3A_532 = tpu.vector_load %arg8[%get3A_529, %get3A_530, %get3A_531] {strides = array<i32>} : memref<2x1x128xf32, #tpu.memory_space<vmem>>, vector<16xf32>,
        %mul3A_533 = arith.mulf %get3A_532, %gather3A_526 : vector<16xf32>
        %mul3A_534 = arith.mulf %mul3A_533, %gather3A_527 : vector<16xf32>
        %swap3A_535 = arith.index_cast %sub3A_374 : i32 to index
        %swap3A_536 = arith.constant 48 : index
        %swap3A_537 = tpu.vector_load %arg12[%swap3A_535, %swap3A_536] {strides = array<i32>} : memref<2x128xf32, #tpu.memory_space<vmem>>, vector<16xf32>,
        tpu.vector_store %arg12[%swap3A_535, %swap3A_536], %mul3A_534 {strides = array<i32>} : memref<2x128xf32, #tpu.memory_space<vmem>>, vector<16xf32>,
        %get3A_538 = arith.constant 0 : i32
        %get3A_539 = arith.index_cast %sub3A_374 : i32 to index
        %get3A_540 = arith.index_cast %get3A_538 : i32 to index
        %get3A_541 = arith.constant 64 : index
        %get3A_542 = tpu.vector_load %arg7[%get3A_539, %get3A_540, %get3A_541] {strides = array<i32>} : memref<2x1x128xi32, #tpu.memory_space<vmem>>, vector<16xi32>,
        %and3A_543 = arith.constant 16383 : i32
        %and3A_544 = vector.broadcast %and3A_543 : i32 to vector<16xi32>
        %and3A_545 = arith.andi %get3A_542, %and3A_544 : vector<16xi32>
        %shift_right_logical3A_546 = arith.constant 14 : i32
        %shift_right_logical3A_547 = vector.broadcast %shift_right_logical3A_546 : i32 to vector<16xi32>
        %shift_right_logical3A_548 = arith.shrui %get3A_542, %shift_right_logical3A_547 : vector<16xi32>
        %swap3A_549 = arith.index_cast %sub3A_374 : i32 to index
        %swap3A_550 = arith.constant 64 : index
        %swap3A_551 = tpu.vector_load %arg10[%swap3A_549, %swap3A_550] {strides = array<i32>} : memref<2x128xi32, #tpu.memory_space<vmem>>, vector<16xi32>,
        tpu.vector_store %arg10[%swap3A_549, %swap3A_550], %and3A_545 {strides = array<i32>} : memref<2x128xi32, #tpu.memory_space<vmem>>, vector<16xi32>,
        %swap3A_552 = arith.index_cast %sub3A_374 : i32 to index
        %swap3A_553 = arith.constant 64 : index
        %swap3A_554 = tpu.vector_load %arg11[%swap3A_552, %swap3A_553] {strides = array<i32>} : memref<2x128xi32, #tpu.memory_space<vmem>>, vector<16xi32>,
        tpu.vector_store %arg11[%swap3A_552, %swap3A_553], %shift_right_logical3A_548 {strides = array<i32>} : memref<2x128xi32, #tpu.memory_space<vmem>>, vector<16xi32>,
        %gather3A_555 = tpu.vector_load_idx %arg9[%and3A_545] : memref<10240xf32, #tpu.memory_space<vmem>>[vector<16xi32>], vector<16xf32>,
        %gather3A_556 = tpu.vector_load_idx %arg9[%shift_right_logical3A_548] : memref<10240xf32, #tpu.memory_space<vmem>>[vector<16xi32>], vector<16xf32>,
        %get3A_557 = arith.constant 0 : i32
        %get3A_558 = arith.index_cast %sub3A_374 : i32 to index
        %get3A_559 = arith.index_cast %get3A_557 : i32 to index
        %get3A_560 = arith.constant 64 : index
        %get3A_561 = tpu.vector_load %arg8[%get3A_558, %get3A_559, %get3A_560] {strides = array<i32>} : memref<2x1x128xf32, #tpu.memory_space<vmem>>, vector<16xf32>,
        %mul3A_562 = arith.mulf %get3A_561, %gather3A_555 : vector<16xf32>
        %mul3A_563 = arith.mulf %mul3A_562, %gather3A_556 : vector<16xf32>
        %swap3A_564 = arith.index_cast %sub3A_374 : i32 to index
        %swap3A_565 = arith.constant 64 : index
        %swap3A_566 = tpu.vector_load %arg12[%swap3A_564, %swap3A_565] {strides = array<i32>} : memref<2x128xf32, #tpu.memory_space<vmem>>, vector<16xf32>,
        tpu.vector_store %arg12[%swap3A_564, %swap3A_565], %mul3A_563 {strides = array<i32>} : memref<2x128xf32, #tpu.memory_space<vmem>>, vector<16xf32>,
        %get3A_567 = arith.constant 0 : i32
        %get3A_568 = arith.index_cast %sub3A_374 : i32 to index
        %get3A_569 = arith.index_cast %get3A_567 : i32 to index
        %get3A_570 = arith.constant 80 : index
        %get3A_571 = tpu.vector_load %arg7[%get3A_568, %get3A_569, %get3A_570] {strides = array<i32>} : memref<2x1x128xi32, #tpu.memory_space<vmem>>, vector<16xi32>,
        %and3A_572 = arith.constant 16383 : i32
        %and3A_573 = vector.broadcast %and3A_572 : i32 to vector<16xi32>
        %and3A_574 = arith.andi %get3A_571, %and3A_573 : vector<16xi32>
        %shift_right_logical3A_575 = arith.constant 14 : i32
        %shift_right_logical3A_576 = vector.broadcast %shift_right_logical3A_575 : i32 to vector<16xi32>
        %shift_right_logical3A_577 = arith.shrui %get3A_571, %shift_right_logical3A_576 : vector<16xi32>
        %swap3A_578 = arith.index_cast %sub3A_374 : i32 to index
        %swap3A_579 = arith.constant 80 : index
        %swap3A_580 = tpu.vector_load %arg10[%swap3A_578, %swap3A_579] {strides = array<i32>} : memref<2x128xi32, #tpu.memory_space<vmem>>, vector<16xi32>,
        tpu.vector_store %arg10[%swap3A_578, %swap3A_579], %and3A_574 {strides = array<i32>} : memref<2x128xi32, #tpu.memory_space<vmem>>, vector<16xi32>,
        %swap3A_581 = arith.index_cast %sub3A_374 : i32 to index
        %swap3A_582 = arith.constant 80 : index
        %swap3A_583 = tpu.vector_load %arg11[%swap3A_581, %swap3A_582] {strides = array<i32>} : memref<2x128xi32, #tpu.memory_space<vmem>>, vector<16xi32>,
        tpu.vector_store %arg11[%swap3A_581, %swap3A_582], %shift_right_logical3A_577 {strides = array<i32>} : memref<2x128xi32, #tpu.memory_space<vmem>>, vector<16xi32>,
        %gather3A_584 = tpu.vector_load_idx %arg9[%and3A_574] : memref<10240xf32, #tpu.memory_space<vmem>>[vector<16xi32>], vector<16xf32>,
        %gather3A_585 = tpu.vector_load_idx %arg9[%shift_right_logical3A_577] : memref<10240xf32, #tpu.memory_space<vmem>>[vector<16xi32>], vector<16xf32>,
        %get3A_586 = arith.constant 0 : i32
        %get3A_587 = arith.index_cast %sub3A_374 : i32 to index
        %get3A_588 = arith.index_cast %get3A_586 : i32 to index
        %get3A_589 = arith.constant 80 : index
        %get3A_590 = tpu.vector_load %arg8[%get3A_587, %get3A_588, %get3A_589] {strides = array<i32>} : memref<2x1x128xf32, #tpu.memory_space<vmem>>, vector<16xf32>,
        %mul3A_591 = arith.mulf %get3A_590, %gather3A_584 : vector<16xf32>
        %mul3A_592 = arith.mulf %mul3A_591, %gather3A_585 : vector<16xf32>
        %swap3A_593 = arith.index_cast %sub3A_374 : i32 to index
        %swap3A_594 = arith.constant 80 : index
        %swap3A_595 = tpu.vector_load %arg12[%swap3A_593, %swap3A_594] {strides = array<i32>} : memref<2x128xf32, #tpu.memory_space<vmem>>, vector<16xf32>,
        tpu.vector_store %arg12[%swap3A_593, %swap3A_594], %mul3A_592 {strides = array<i32>} : memref<2x128xf32, #tpu.memory_space<vmem>>, vector<16xf32>,
        %get3A_596 = arith.constant 0 : i32
        %get3A_597 = arith.index_cast %sub3A_374 : i32 to index
        %get3A_598 = arith.index_cast %get3A_596 : i32 to index
        %get3A_599 = arith.constant 96 : index
        %get3A_600 = tpu.vector_load %arg7[%get3A_597, %get3A_598, %get3A_599] {strides = array<i32>} : memref<2x1x128xi32, #tpu.memory_space<vmem>>, vector<16xi32>,
        %and3A_601 = arith.constant 16383 : i32
        %and3A_602 = vector.broadcast %and3A_601 : i32 to vector<16xi32>
        %and3A_603 = arith.andi %get3A_600, %and3A_602 : vector<16xi32>
        %shift_right_logical3A_604 = arith.constant 14 : i32
        %shift_right_logical3A_605 = vector.broadcast %shift_right_logical3A_604 : i32 to vector<16xi32>
        %shift_right_logical3A_606 = arith.shrui %get3A_600, %shift_right_logical3A_605 : vector<16xi32>
        %swap3A_607 = arith.index_cast %sub3A_374 : i32 to index
        %swap3A_608 = arith.constant 96 : index
        %swap3A_609 = tpu.vector_load %arg10[%swap3A_607, %swap3A_608] {strides = array<i32>} : memref<2x128xi32, #tpu.memory_space<vmem>>, vector<16xi32>,
        tpu.vector_store %arg10[%swap3A_607, %swap3A_608], %and3A_603 {strides = array<i32>} : memref<2x128xi32, #tpu.memory_space<vmem>>, vector<16xi32>,
        %swap3A_610 = arith.index_cast %sub3A_374 : i32 to index
        %swap3A_611 = arith.constant 96 : index
        %swap3A_612 = tpu.vector_load %arg11[%swap3A_610, %swap3A_611] {strides = array<i32>} : memref<2x128xi32, #tpu.memory_space<vmem>>, vector<16xi32>,
        tpu.vector_store %arg11[%swap3A_610, %swap3A_611], %shift_right_logical3A_606 {strides = array<i32>} : memref<2x128xi32, #tpu.memory_space<vmem>>, vector<16xi32>,
        %gather3A_613 = tpu.vector_load_idx %arg9[%and3A_603] : memref<10240xf32, #tpu.memory_space<vmem>>[vector<16xi32>], vector<16xf32>,
        %gather3A_614 = tpu.vector_load_idx %arg9[%shift_right_logical3A_606] : memref<10240xf32, #tpu.memory_space<vmem>>[vector<16xi32>], vector<16xf32>,
        %get3A_615 = arith.constant 0 : i32
        %get3A_616 = arith.index_cast %sub3A_374 : i32 to index
        %get3A_617 = arith.index_cast %get3A_615 : i32 to index
        %get3A_618 = arith.constant 96 : index
        %get3A_619 = tpu.vector_load %arg8[%get3A_616, %get3A_617, %get3A_618] {strides = array<i32>} : memref<2x1x128xf32, #tpu.memory_space<vmem>>, vector<16xf32>,
        %mul3A_620 = arith.mulf %get3A_619, %gather3A_613 : vector<16xf32>
        %mul3A_621 = arith.mulf %mul3A_620, %gather3A_614 : vector<16xf32>
        %swap3A_622 = arith.index_cast %sub3A_374 : i32 to index
        %swap3A_623 = arith.constant 96 : index
        %swap3A_624 = tpu.vector_load %arg12[%swap3A_622, %swap3A_623] {strides = array<i32>} : memref<2x128xf32, #tpu.memory_space<vmem>>, vector<16xf32>,
        tpu.vector_store %arg12[%swap3A_622, %swap3A_623], %mul3A_621 {strides = array<i32>} : memref<2x128xf32, #tpu.memory_space<vmem>>, vector<16xf32>,
        %get3A_625 = arith.constant 0 : i32
        %get3A_626 = arith.index_cast %sub3A_374 : i32 to index
        %get3A_627 = arith.index_cast %get3A_625 : i32 to index
        %get3A_628 = arith.constant 112 : index
        %get3A_629 = tpu.vector_load %arg7[%get3A_626, %get3A_627, %get3A_628] {strides = array<i32>} : memref<2x1x128xi32, #tpu.memory_space<vmem>>, vector<16xi32>,
        %and3A_630 = arith.constant 16383 : i32
        %and3A_631 = vector.broadcast %and3A_630 : i32 to vector<16xi32>
        %and3A_632 = arith.andi %get3A_629, %and3A_631 : vector<16xi32>
        %shift_right_logical3A_633 = arith.constant 14 : i32
        %shift_right_logical3A_634 = vector.broadcast %shift_right_logical3A_633 : i32 to vector<16xi32>
        %shift_right_logical3A_635 = arith.shrui %get3A_629, %shift_right_logical3A_634 : vector<16xi32>
        %swap3A_636 = arith.index_cast %sub3A_374 : i32 to index
        %swap3A_637 = arith.constant 112 : index
        %swap3A_638 = tpu.vector_load %arg10[%swap3A_636, %swap3A_637] {strides = array<i32>} : memref<2x128xi32, #tpu.memory_space<vmem>>, vector<16xi32>,
        tpu.vector_store %arg10[%swap3A_636, %swap3A_637], %and3A_632 {strides = array<i32>} : memref<2x128xi32, #tpu.memory_space<vmem>>, vector<16xi32>,
        %swap3A_639 = arith.index_cast %sub3A_374 : i32 to index
        %swap3A_640 = arith.constant 112 : index
        %swap3A_641 = tpu.vector_load %arg11[%swap3A_639, %swap3A_640] {strides = array<i32>} : memref<2x128xi32, #tpu.memory_space<vmem>>, vector<16xi32>,
        tpu.vector_store %arg11[%swap3A_639, %swap3A_640], %shift_right_logical3A_635 {strides = array<i32>} : memref<2x128xi32, #tpu.memory_space<vmem>>, vector<16xi32>,
        %gather3A_642 = tpu.vector_load_idx %arg9[%and3A_632] : memref<10240xf32, #tpu.memory_space<vmem>>[vector<16xi32>], vector<16xf32>,
        %gather3A_643 = tpu.vector_load_idx %arg9[%shift_right_logical3A_635] : memref<10240xf32, #tpu.memory_space<vmem>>[vector<16xi32>], vector<16xf32>,
        %get3A_644 = arith.constant 0 : i32
        %get3A_645 = arith.index_cast %sub3A_374 : i32 to index
        %get3A_646 = arith.index_cast %get3A_644 : i32 to index
        %get3A_647 = arith.constant 112 : index
        %get3A_648 = tpu.vector_load %arg8[%get3A_645, %get3A_646, %get3A_647] {strides = array<i32>} : memref<2x1x128xf32, #tpu.memory_space<vmem>>, vector<16xf32>,
        %mul3A_649 = arith.mulf %get3A_648, %gather3A_642 : vector<16xf32>
        %mul3A_650 = arith.mulf %mul3A_649, %gather3A_643 : vector<16xf32>
        %swap3A_651 = arith.index_cast %sub3A_374 : i32 to index
        %swap3A_652 = arith.constant 112 : index
        %swap3A_653 = tpu.vector_load %arg12[%swap3A_651, %swap3A_652] {strides = array<i32>} : memref<2x128xf32, #tpu.memory_space<vmem>>, vector<16xf32>,
        tpu.vector_store %arg12[%swap3A_651, %swap3A_652], %mul3A_650 {strides = array<i32>} : memref<2x128xf32, #tpu.memory_space<vmem>>, vector<16xf32>,
        %dma_start3A_654 = arith.constant 0 : i32
        %dma_start3A_655 = arith.constant 0 : i32
        %dma_start3A_656 = tpu.memref_slice %arg13[%sub3A_374, %dma_start3A_654, %dma_start3A_655] : memref<2x128x128xf32, #tpu.memory_space<vmem>> -> memref<1x128x128xf32, #tpu.memory_space<vmem>>
        %dma_start3A_657 = tpu.memref_squeeze %dma_start3A_656 : memref<1x128x128xf32, #tpu.memory_space<vmem>> -> memref<128x128xf32, #tpu.memory_space<vmem>>
        %dma_start3A_658 = arith.constant 0 : i32
        %dma_start3A_659 = tpu.memref_slice %arg10[%sub3A_374, %dma_start3A_658] : memref<2x128xi32, #tpu.memory_space<vmem>> -> memref<1x128xi32, #tpu.memory_space<vmem>>
        %dma_start3A_660 = tpu.memref_squeeze %dma_start3A_659 : memref<1x128xi32, #tpu.memory_space<vmem>> -> memref<128xi32, #tpu.memory_space<vmem>>
        %dma_start3A_661 = arith.constant 0 : i32
        %dma_start3A_662 = arith.constant 0 : i32
        %dma_start3A_663 = tpu.memref_slice %arg5[%dma_start3A_661, %dma_start3A_662] : memref<10240x128xf32, #tpu.memory_space<hbm>> -> memref<10240x128xf32, #tpu.memory_space<hbm>>
        %dma_start3A_664 = tpu.memref_slice %arg15[%sub3A_374] : memref<2x!tpu.dma_semaphore, #tpu.memory_space<semaphore_mem>> -> memref<1x!tpu.dma_semaphore, #tpu.memory_space<semaphore_mem>>
        %dma_start3A_665 = tpu.memref_squeeze %dma_start3A_664 : memref<1x!tpu.dma_semaphore, #tpu.memory_space<semaphore_mem>> -> memref<!tpu.dma_semaphore, #tpu.memory_space<semaphore_mem>>
        tpu.enqueue_indirect_dma source(%dma_start3A_663 : memref<10240x128xf32, #tpu.memory_space<hbm>>) target(%dma_start3A_657 : memref<128x128xf32, #tpu.memory_space<vmem>>) offsets(%dma_start3A_660 : memref<128xi32, #tpu.memory_space<vmem>>) semaphore(%dma_start3A_665 : memref<!tpu.dma_semaphore, #tpu.memory_space<semaphore_mem>>)
      } else {
      }
      %dma_wait3A_386 = arith.constant 0 : i32
      %dma_wait3A_387 = arith.constant 0 : i32
      %dma_wait3A_388 = tpu.memref_slice %arg13[%rem3A_373, %dma_wait3A_386, %dma_wait3A_387] : memref<2x128x128xf32, #tpu.memory_space<vmem>> -> memref<1x128x128xf32, #tpu.memory_space<vmem>>
      %dma_wait3A_389 = tpu.memref_squeeze %dma_wait3A_388 : memref<1x128x128xf32, #tpu.memory_space<vmem>> -> memref<128x128xf32, #tpu.memory_space<vmem>>
      %dma_wait3A_390 = arith.constant 0 : i32
      %dma_wait3A_391 = tpu.memref_slice %arg10[%rem3A_373, %dma_wait3A_390] : memref<2x128xi32, #tpu.memory_space<vmem>> -> memref<1x128xi32, #tpu.memory_space<vmem>>
      %dma_wait3A_392 = tpu.memref_squeeze %dma_wait3A_391 : memref<1x128xi32, #tpu.memory_space<vmem>> -> memref<128xi32, #tpu.memory_space<vmem>>
      %dma_wait3A_393 = arith.constant 0 : i32
      %dma_wait3A_394 = arith.constant 0 : i32
      %dma_wait3A_395 = tpu.memref_slice %arg5[%dma_wait3A_393, %dma_wait3A_394] : memref<10240x128xf32, #tpu.memory_space<hbm>> -> memref<10240x128xf32, #tpu.memory_space<hbm>>
      %dma_wait3A_396 = tpu.memref_slice %arg15[%rem3A_373] : memref<2x!tpu.dma_semaphore, #tpu.memory_space<semaphore_mem>> -> memref<1x!tpu.dma_semaphore, #tpu.memory_space<semaphore_mem>>
      %dma_wait3A_397 = tpu.memref_squeeze %dma_wait3A_396 : memref<1x!tpu.dma_semaphore, #tpu.memory_space<semaphore_mem>> -> memref<!tpu.dma_semaphore, #tpu.memory_space<semaphore_mem>>
      tpu.wait_indirect_dma semaphore(%dma_wait3A_397 : memref<!tpu.dma_semaphore, #tpu.memory_space<semaphore_mem>>) src(%dma_wait3A_395 : memref<10240x128xf32, #tpu.memory_space<hbm>>) dst(%dma_wait3A_389 : memref<128x128xf32, #tpu.memory_space<vmem>>)
      %scan3A_398 = arith.constant 0 : i32
      %scan3A_399 = arith.constant 0 : i32
      %scan3A_400 = arith.constant 32 : i32
      %scan3A_401 = arith.addi %scan3A_399, %scan3A_400 : i32
      %scan3A_402 = arith.constant 1 : i32
      %scan3A_403 = scf.for %scan3A_418 = %scan3A_399 to %scan3A_401 step %scan3A_402 iter_args(%scan3A_419 = %scan3A_398) -> (i32)  : i32 {
        %mul3A_420 = arith.constant 4 : i32
        %mul3A_421 = arith.muli %scan3A_418, %mul3A_420 : i32
        %add3A_422 = arith.constant 0 : i32
        %add3A_423 = arith.addi %mul3A_421, %add3A_422 : i32
        %broadcast_in_dim3A = vector.broadcast %rem3A_373 : i32 to vector<16xi32>
        %broadcast_in_dim3A_424 = vector.broadcast %add3A_423 : i32 to vector<16xi32>
        %gather3A_425 = tpu.vector_load_idx %arg12[%broadcast_in_dim3A, %broadcast_in_dim3A_424] : memref<2x128xf32, #tpu.memory_space<vmem>>[vector<16xi32>, vector<16xi32>], vector<16xf32>,
        %get3A_426 = arith.index_cast %rem3A_373 : i32 to index
        %get3A_427 = arith.index_cast %add3A_423 : i32 to index
        %get3A_428 = arith.constant 0 : index
        %get3A_429 = tpu.vector_load %arg13[%get3A_426, %get3A_427, %get3A_428] {strides = array<i32>} : memref<2x128x128xf32, #tpu.memory_space<vmem>>, vector<16xf32>,
        %mul3A_430 = arith.mulf %get3A_429, %gather3A_425 : vector<16xf32>
        %swap3A_431 = arith.index_cast %rem3A_373 : i32 to index
        %swap3A_432 = arith.index_cast %add3A_423 : i32 to index
        %swap3A_433 = arith.constant 0 : index
        %swap3A_434 = tpu.vector_load %arg13[%swap3A_431, %swap3A_432, %swap3A_433] {strides = array<i32>} : memref<2x128x128xf32, #tpu.memory_space<vmem>>, vector<16xf32>,
        tpu.vector_store %arg13[%swap3A_431, %swap3A_432, %swap3A_433], %mul3A_430 {strides = array<i32>} : memref<2x128x128xf32, #tpu.memory_space<vmem>>, vector<16xf32>,
        %get3A_435 = arith.index_cast %rem3A_373 : i32 to index
        %get3A_436 = arith.index_cast %add3A_423 : i32 to index
        %get3A_437 = arith.constant 16 : index
        %get3A_438 = tpu.vector_load %arg13[%get3A_435, %get3A_436, %get3A_437] {strides = array<i32>} : memref<2x128x128xf32, #tpu.memory_space<vmem>>, vector<16xf32>,
        %mul3A_439 = arith.mulf %get3A_438, %gather3A_425 : vector<16xf32>
        %swap3A_440 = arith.index_cast %rem3A_373 : i32 to index
        %swap3A_441 = arith.index_cast %add3A_423 : i32 to index
        %swap3A_442 = arith.constant 16 : index
        %swap3A_443 = tpu.vector_load %arg13[%swap3A_440, %swap3A_441, %swap3A_442] {strides = array<i32>} : memref<2x128x128xf32, #tpu.memory_space<vmem>>, vector<16xf32>,
        tpu.vector_store %arg13[%swap3A_440, %swap3A_441, %swap3A_442], %mul3A_439 {strides = array<i32>} : memref<2x128x128xf32, #tpu.memory_space<vmem>>, vector<16xf32>,
        %get3A_444 = arith.index_cast %rem3A_373 : i32 to index
        %get3A_445 = arith.index_cast %add3A_423 : i32 to index
        %get3A_446 = arith.constant 32 : index
        %get3A_447 = tpu.vector_load %arg13[%get3A_444, %get3A_445, %get3A_446] {strides = array<i32>} : memref<2x128x128xf32, #tpu.memory_space<vmem>>, vector<16xf32>,
        %mul3A_448 = arith.mulf %get3A_447, %gather3A_425 : vector<16xf32>
        %swap3A_449 = arith.index_cast %rem3A_373 : i32 to index
        %swap3A_450 = arith.index_cast %add3A_423 : i32 to index
        %swap3A_451 = arith.constant 32 : index
        %swap3A_452 = tpu.vector_load %arg13[%swap3A_449, %swap3A_450, %swap3A_451] {strides = array<i32>} : memref<2x128x128xf32, #tpu.memory_space<vmem>>, vector<16xf32>,
        tpu.vector_store %arg13[%swap3A_449, %swap3A_450, %swap3A_451], %mul3A_448 {strides = array<i32>} : memref<2x128x128xf32, #tpu.memory_space<vmem>>, vector<16xf32>,
        %get3A_453 = arith.index_cast %rem3A_373 : i32 to index
        %get3A_454 = arith.index_cast %add3A_423 : i32 to index
        %get3A_455 = arith.constant 48 : index
        %get3A_456 = tpu.vector_load %arg13[%get3A_453, %get3A_454, %get3A_455] {strides = array<i32>} : memref<2x128x128xf32, #tpu.memory_space<vmem>>, vector<16xf32>,
        %mul3A_457 = arith.mulf %get3A_456, %gather3A_425 : vector<16xf32>
        %swap3A_458 = arith.index_cast %rem3A_373 : i32 to index
        %swap3A_459 = arith.index_cast %add3A_423 : i32 to index
        %swap3A_460 = arith.constant 48 : index
        %swap3A_461 = tpu.vector_load %arg13[%swap3A_458, %swap3A_459, %swap3A_460] {strides = array<i32>} : memref<2x128x128xf32, #tpu.memory_space<vmem>>, vector<16xf32>,
        tpu.vector_store %arg13[%swap3A_458, %swap3A_459, %swap3A_460], %mul3A_457 {strides = array<i32>} : memref<2x128x128xf32, #tpu.memory_space<vmem>>, vector<16xf32>,
        %get3A_462 = arith.index_cast %rem3A_373 : i32 to index
        %get3A_463 = arith.index_cast %add3A_423 : i32 to index
        %get3A_464 = arith.constant 64 : index
        %get3A_465 = tpu.vector_load %arg13[%get3A_462, %get3A_463, %get3A_464] {strides = array<i32>} : memref<2x128x128xf32, #tpu.memory_space<vmem>>, vector<16xf32>,
        %mul3A_466 = arith.mulf %get3A_465, %gather3A_425 : vector<16xf32>
        %swap3A_467 = arith.index_cast %rem3A_373 : i32 to index
        %swap3A_468 = arith.index_cast %add3A_423 : i32 to index
        %swap3A_469 = arith.constant 64 : index
        %swap3A_470 = tpu.vector_load %arg13[%swap3A_467, %swap3A_468, %swap3A_469] {strides = array<i32>} : memref<2x128x128xf32, #tpu.memory_space<vmem>>, vector<16xf32>,
        tpu.vector_store %arg13[%swap3A_467, %swap3A_468, %swap3A_469], %mul3A_466 {strides = array<i32>} : memref<2x128x128xf32, #tpu.memory_space<vmem>>, vector<16xf32>,
        %get3A_471 = arith.index_cast %rem3A_373 : i32 to index
        %get3A_472 = arith.index_cast %add3A_423 : i32 to index
        %get3A_473 = arith.constant 80 : index
        %get3A_474 = tpu.vector_load %arg13[%get3A_471, %get3A_472, %get3A_473] {strides = array<i32>} : memref<2x128x128xf32, #tpu.memory_space<vmem>>, vector<16xf32>,
        %mul3A_475 = arith.mulf %get3A_474, %gather3A_425 : vector<16xf32>
        %swap3A_476 = arith.index_cast %rem3A_373 : i32 to index
        %swap3A_477 = arith.index_cast %add3A_423 : i32 to index
        %swap3A_478 = arith.constant 80 : index
        %swap3A_479 = tpu.vector_load %arg13[%swap3A_476, %swap3A_477, %swap3A_478] {strides = array<i32>} : memref<2x128x128xf32, #tpu.memory_space<vmem>>, vector<16xf32>,
        tpu.vector_store %arg13[%swap3A_476, %swap3A_477, %swap3A_478], %mul3A_475 {strides = array<i32>} : memref<2x128x128xf32, #tpu.memory_space<vmem>>, vector<16xf32>,
        %get3A_480 = arith.index_cast %rem3A_373 : i32 to index
        %get3A_481 = arith.index_cast %add3A_423 : i32 to index
        %get3A_482 = arith.constant 96 : index
        %get3A_483 = tpu.vector_load %arg13[%get3A_480, %get3A_481, %get3A_482] {strides = array<i32>} : memref<2x128x128xf32, #tpu.memory_space<vmem>>, vector<16xf32>,
        %mul3A_484 = arith.mulf %get3A_483, %gather3A_425 : vector<16xf32>
        %swap3A_485 = arith.index_cast %rem3A_373 : i32 to index
        %swap3A_486 = arith.index_cast %add3A_423 : i32 to index
        %swap3A_487 = arith.constant 96 : index
        %swap3A_488 = tpu.vector_load %arg13[%swap3A_485, %swap3A_486, %swap3A_487] {strides = array<i32>} : memref<2x128x128xf32, #tpu.memory_space<vmem>>, vector<16xf32>,
        tpu.vector_store %arg13[%swap3A_485, %swap3A_486, %swap3A_487], %mul3A_484 {strides = array<i32>} : memref<2x128x128xf32, #tpu.memory_space<vmem>>, vector<16xf32>,
        %get3A_489 = arith.index_cast %rem3A_373 : i32 to index
        %get3A_490 = arith.index_cast %add3A_423 : i32 to index
        %get3A_491 = arith.constant 112 : index
        %get3A_492 = tpu.vector_load %arg13[%get3A_489, %get3A_490, %get3A_491] {strides = array<i32>} : memref<2x128x128xf32, #tpu.memory_space<vmem>>, vector<16xf32>,
        %mul3A_493 = arith.mulf %get3A_492, %gather3A_425 : vector<16xf32>
        %swap3A_494 = arith.index_cast %rem3A_373 : i32 to index
        %swap3A_495 = arith.index_cast %add3A_423 : i32 to index
        %swap3A_496 = arith.constant 112 : index
        %swap3A_497 = tpu.vector_load %arg13[%swap3A_494, %swap3A_495, %swap3A_496] {strides = array<i32>} : memref<2x128x128xf32, #tpu.memory_space<vmem>>, vector<16xf32>,
        tpu.vector_store %arg13[%swap3A_494, %swap3A_495, %swap3A_496], %mul3A_493 {strides = array<i32>} : memref<2x128x128xf32, #tpu.memory_space<vmem>>, vector<16xf32>,
        %mul3A_498 = arith.constant 4 : i32
        %mul3A_499 = arith.muli %scan3A_418, %mul3A_498 : i32
        %add3A_500 = arith.constant 1 : i32
        %add3A_501 = arith.addi %mul3A_499, %add3A_500 : i32
        %broadcast_in_dim3A_502 = vector.broadcast %rem3A_373 : i32 to vector<16xi32>
        %broadcast_in_dim3A_503 = vector.broadcast %add3A_501 : i32 to vector<16xi32>
        %gather3A_504 = tpu.vector_load_idx %arg12[%broadcast_in_dim3A_502, %broadcast_in_dim3A_503] : memref<2x128xf32, #tpu.memory_space<vmem>>[vector<16xi32>, vector<16xi32>], vector<16xf32>,
        %get3A_505 = arith.index_cast %rem3A_373 : i32 to index
        %get3A_506 = arith.index_cast %add3A_501 : i32 to index
        %get3A_507 = arith.constant 0 : index
        %get3A_508 = tpu.vector_load %arg13[%get3A_505, %get3A_506, %get3A_507] {strides = array<i32>} : memref<2x128x128xf32, #tpu.memory_space<vmem>>, vector<16xf32>,
        %mul3A_509 = arith.mulf %get3A_508, %gather3A_504 : vector<16xf32>
        %swap3A_510 = arith.index_cast %rem3A_373 : i32 to index
        %swap3A_511 = arith.index_cast %add3A_501 : i32 to index
        %swap3A_512 = arith.constant 0 : index
        %swap3A_513 = tpu.vector_load %arg13[%swap3A_510, %swap3A_511, %swap3A_512] {strides = array<i32>} : memref<2x128x128xf32, #tpu.memory_space<vmem>>, vector<16xf32>,
        tpu.vector_store %arg13[%swap3A_510, %swap3A_511, %swap3A_512], %mul3A_509 {strides = array<i32>} : memref<2x128x128xf32, #tpu.memory_space<vmem>>, vector<16xf32>,
        %get3A_514 = arith.index_cast %rem3A_373 : i32 to index
        %get3A_515 = arith.index_cast %add3A_501 : i32 to index
        %get3A_516 = arith.constant 16 : index
        %get3A_517 = tpu.vector_load %arg13[%get3A_514, %get3A_515, %get3A_516] {strides = array<i32>} : memref<2x128x128xf32, #tpu.memory_space<vmem>>, vector<16xf32>,
        %mul3A_518 = arith.mulf %get3A_517, %gather3A_504 : vector<16xf32>
        %swap3A_519 = arith.index_cast %rem3A_373 : i32 to index
        %swap3A_520 = arith.index_cast %add3A_501 : i32 to index
        %swap3A_521 = arith.constant 16 : index
        %swap3A_522 = tpu.vector_load %arg13[%swap3A_519, %swap3A_520, %swap3A_521] {strides = array<i32>} : memref<2x128x128xf32, #tpu.memory_space<vmem>>, vector<16xf32>,
        tpu.vector_store %arg13[%swap3A_519, %swap3A_520, %swap3A_521], %mul3A_518 {strides = array<i32>} : memref<2x128x128xf32, #tpu.memory_space<vmem>>, vector<16xf32>,
        %get3A_523 = arith.index_cast %rem3A_373 : i32 to index
        %get3A_524 = arith.index_cast %add3A_501 : i32 to index
        %get3A_525 = arith.constant 32 : index
        %get3A_526 = tpu.vector_load %arg13[%get3A_523, %get3A_524, %get3A_525] {strides = array<i32>} : memref<2x128x128xf32, #tpu.memory_space<vmem>>, vector<16xf32>,
        %mul3A_527 = arith.mulf %get3A_526, %gather3A_504 : vector<16xf32>
        %swap3A_528 = arith.index_cast %rem3A_373 : i32 to index
        %swap3A_529 = arith.index_cast %add3A_501 : i32 to index
        %swap3A_530 = arith.constant 32 : index
        %swap3A_531 = tpu.vector_load %arg13[%swap3A_528, %swap3A_529, %swap3A_530] {strides = array<i32>} : memref<2x128x128xf32, #tpu.memory_space<vmem>>, vector<16xf32>,
        tpu.vector_store %arg13[%swap3A_528, %swap3A_529, %swap3A_530], %mul3A_527 {strides = array<i32>} : memref<2x128x128xf32, #tpu.memory_space<vmem>>, vector<16xf32>,
        %get3A_532 = arith.index_cast %rem3A_373 : i32 to index
        %get3A_533 = arith.index_cast %add3A_501 : i32 to index
        %get3A_534 = arith.constant 48 : index
        %get3A_535 = tpu.vector_load %arg13[%get3A_532, %get3A_533, %get3A_534] {strides = array<i32>} : memref<2x128x128xf32, #tpu.memory_space<vmem>>, vector<16xf32>,
        %mul3A_536 = arith.mulf %get3A_535, %gather3A_504 : vector<16xf32>
        %swap3A_537 = arith.index_cast %rem3A_373 : i32 to index
        %swap3A_538 = arith.index_cast %add3A_501 : i32 to index
        %swap3A_539 = arith.constant 48 : index
        %swap3A_540 = tpu.vector_load %arg13[%swap3A_537, %swap3A_538, %swap3A_539] {strides = array<i32>} : memref<2x128x128xf32, #tpu.memory_space<vmem>>, vector<16xf32>,
        tpu.vector_store %arg13[%swap3A_537, %swap3A_538, %swap3A_539], %mul3A_536 {strides = array<i32>} : memref<2x128x128xf32, #tpu.memory_space<vmem>>, vector<16xf32>,
        %get3A_541 = arith.index_cast %rem3A_373 : i32 to index
        %get3A_542 = arith.index_cast %add3A_501 : i32 to index
        %get3A_543 = arith.constant 64 : index
        %get3A_544 = tpu.vector_load %arg13[%get3A_541, %get3A_542, %get3A_543] {strides = array<i32>} : memref<2x128x128xf32, #tpu.memory_space<vmem>>, vector<16xf32>,
        %mul3A_545 = arith.mulf %get3A_544, %gather3A_504 : vector<16xf32>
        %swap3A_546 = arith.index_cast %rem3A_373 : i32 to index
        %swap3A_547 = arith.index_cast %add3A_501 : i32 to index
        %swap3A_548 = arith.constant 64 : index
        %swap3A_549 = tpu.vector_load %arg13[%swap3A_546, %swap3A_547, %swap3A_548] {strides = array<i32>} : memref<2x128x128xf32, #tpu.memory_space<vmem>>, vector<16xf32>,
        tpu.vector_store %arg13[%swap3A_546, %swap3A_547, %swap3A_548], %mul3A_545 {strides = array<i32>} : memref<2x128x128xf32, #tpu.memory_space<vmem>>, vector<16xf32>,
        %get3A_550 = arith.index_cast %rem3A_373 : i32 to index
        %get3A_551 = arith.index_cast %add3A_501 : i32 to index
        %get3A_552 = arith.constant 80 : index
        %get3A_553 = tpu.vector_load %arg13[%get3A_550, %get3A_551, %get3A_552] {strides = array<i32>} : memref<2x128x128xf32, #tpu.memory_space<vmem>>, vector<16xf32>,
        %mul3A_554 = arith.mulf %get3A_553, %gather3A_504 : vector<16xf32>
        %swap3A_555 = arith.index_cast %rem3A_373 : i32 to index
        %swap3A_556 = arith.index_cast %add3A_501 : i32 to index
        %swap3A_557 = arith.constant 80 : index
        %swap3A_558 = tpu.vector_load %arg13[%swap3A_555, %swap3A_556, %swap3A_557] {strides = array<i32>} : memref<2x128x128xf32, #tpu.memory_space<vmem>>, vector<16xf32>,
        tpu.vector_store %arg13[%swap3A_555, %swap3A_556, %swap3A_557], %mul3A_554 {strides = array<i32>} : memref<2x128x128xf32, #tpu.memory_space<vmem>>, vector<16xf32>,
        %get3A_559 = arith.index_cast %rem3A_373 : i32 to index
        %get3A_560 = arith.index_cast %add3A_501 : i32 to index
        %get3A_561 = arith.constant 96 : index
        %get3A_562 = tpu.vector_load %arg13[%get3A_559, %get3A_560, %get3A_561] {strides = array<i32>} : memref<2x128x128xf32, #tpu.memory_space<vmem>>, vector<16xf32>,
        %mul3A_563 = arith.mulf %get3A_562, %gather3A_504 : vector<16xf32>
        %swap3A_564 = arith.index_cast %rem3A_373 : i32 to index
        %swap3A_565 = arith.index_cast %add3A_501 : i32 to index
        %swap3A_566 = arith.constant 96 : index
        %swap3A_567 = tpu.vector_load %arg13[%swap3A_564, %swap3A_565, %swap3A_566] {strides = array<i32>} : memref<2x128x128xf32, #tpu.memory_space<vmem>>, vector<16xf32>,
        tpu.vector_store %arg13[%swap3A_564, %swap3A_565, %swap3A_566], %mul3A_563 {strides = array<i32>} : memref<2x128x128xf32, #tpu.memory_space<vmem>>, vector<16xf32>,
        %get3A_568 = arith.index_cast %rem3A_373 : i32 to index
        %get3A_569 = arith.index_cast %add3A_501 : i32 to index
        %get3A_570 = arith.constant 112 : index
        %get3A_571 = tpu.vector_load %arg13[%get3A_568, %get3A_569, %get3A_570] {strides = array<i32>} : memref<2x128x128xf32, #tpu.memory_space<vmem>>, vector<16xf32>,
        %mul3A_572 = arith.mulf %get3A_571, %gather3A_504 : vector<16xf32>
        %swap3A_573 = arith.index_cast %rem3A_373 : i32 to index
        %swap3A_574 = arith.index_cast %add3A_501 : i32 to index
        %swap3A_575 = arith.constant 112 : index
        %swap3A_576 = tpu.vector_load %arg13[%swap3A_573, %swap3A_574, %swap3A_575] {strides = array<i32>} : memref<2x128x128xf32, #tpu.memory_space<vmem>>, vector<16xf32>,
        tpu.vector_store %arg13[%swap3A_573, %swap3A_574, %swap3A_575], %mul3A_572 {strides = array<i32>} : memref<2x128x128xf32, #tpu.memory_space<vmem>>, vector<16xf32>,
        %mul3A_577 = arith.constant 4 : i32
        %mul3A_578 = arith.muli %scan3A_418, %mul3A_577 : i32
        %add3A_579 = arith.constant 2 : i32
        %add3A_580 = arith.addi %mul3A_578, %add3A_579 : i32
        %broadcast_in_dim3A_581 = vector.broadcast %rem3A_373 : i32 to vector<16xi32>
        %broadcast_in_dim3A_582 = vector.broadcast %add3A_580 : i32 to vector<16xi32>
        %gather3A_583 = tpu.vector_load_idx %arg12[%broadcast_in_dim3A_581, %broadcast_in_dim3A_582] : memref<2x128xf32, #tpu.memory_space<vmem>>[vector<16xi32>, vector<16xi32>], vector<16xf32>,
        %get3A_584 = arith.index_cast %rem3A_373 : i32 to index
        %get3A_585 = arith.index_cast %add3A_580 : i32 to index
        %get3A_586 = arith.constant 0 : index
        %get3A_587 = tpu.vector_load %arg13[%get3A_584, %get3A_585, %get3A_586] {strides = array<i32>} : memref<2x128x128xf32, #tpu.memory_space<vmem>>, vector<16xf32>,
        %mul3A_588 = arith.mulf %get3A_587, %gather3A_583 : vector<16xf32>
        %swap3A_589 = arith.index_cast %rem3A_373 : i32 to index
        %swap3A_590 = arith.index_cast %add3A_580 : i32 to index
        %swap3A_591 = arith.constant 0 : index
        %swap3A_592 = tpu.vector_load %arg13[%swap3A_589, %swap3A_590, %swap3A_591] {strides = array<i32>} : memref<2x128x128xf32, #tpu.memory_space<vmem>>, vector<16xf32>,
        tpu.vector_store %arg13[%swap3A_589, %swap3A_590, %swap3A_591], %mul3A_588 {strides = array<i32>} : memref<2x128x128xf32, #tpu.memory_space<vmem>>, vector<16xf32>,
        %get3A_593 = arith.index_cast %rem3A_373 : i32 to index
        %get3A_594 = arith.index_cast %add3A_580 : i32 to index
        %get3A_595 = arith.constant 16 : index
        %get3A_596 = tpu.vector_load %arg13[%get3A_593, %get3A_594, %get3A_595] {strides = array<i32>} : memref<2x128x128xf32, #tpu.memory_space<vmem>>, vector<16xf32>,
        %mul3A_597 = arith.mulf %get3A_596, %gather3A_583 : vector<16xf32>
        %swap3A_598 = arith.index_cast %rem3A_373 : i32 to index
        %swap3A_599 = arith.index_cast %add3A_580 : i32 to index
        %swap3A_600 = arith.constant 16 : index
        %swap3A_601 = tpu.vector_load %arg13[%swap3A_598, %swap3A_599, %swap3A_600] {strides = array<i32>} : memref<2x128x128xf32, #tpu.memory_space<vmem>>, vector<16xf32>,
        tpu.vector_store %arg13[%swap3A_598, %swap3A_599, %swap3A_600], %mul3A_597 {strides = array<i32>} : memref<2x128x128xf32, #tpu.memory_space<vmem>>, vector<16xf32>,
        %get3A_602 = arith.index_cast %rem3A_373 : i32 to index
        %get3A_603 = arith.index_cast %add3A_580 : i32 to index
        %get3A_604 = arith.constant 32 : index
        %get3A_605 = tpu.vector_load %arg13[%get3A_602, %get3A_603, %get3A_604] {strides = array<i32>} : memref<2x128x128xf32, #tpu.memory_space<vmem>>, vector<16xf32>,
        %mul3A_606 = arith.mulf %get3A_605, %gather3A_583 : vector<16xf32>
        %swap3A_607 = arith.index_cast %rem3A_373 : i32 to index
        %swap3A_608 = arith.index_cast %add3A_580 : i32 to index
        %swap3A_609 = arith.constant 32 : index
        %swap3A_610 = tpu.vector_load %arg13[%swap3A_607, %swap3A_608, %swap3A_609] {strides = array<i32>} : memref<2x128x128xf32, #tpu.memory_space<vmem>>, vector<16xf32>,
        tpu.vector_store %arg13[%swap3A_607, %swap3A_608, %swap3A_609], %mul3A_606 {strides = array<i32>} : memref<2x128x128xf32, #tpu.memory_space<vmem>>, vector<16xf32>,
        %get3A_611 = arith.index_cast %rem3A_373 : i32 to index
        %get3A_612 = arith.index_cast %add3A_580 : i32 to index
        %get3A_613 = arith.constant 48 : index
        %get3A_614 = tpu.vector_load %arg13[%get3A_611, %get3A_612, %get3A_613] {strides = array<i32>} : memref<2x128x128xf32, #tpu.memory_space<vmem>>, vector<16xf32>,
        %mul3A_615 = arith.mulf %get3A_614, %gather3A_583 : vector<16xf32>
        %swap3A_616 = arith.index_cast %rem3A_373 : i32 to index
        %swap3A_617 = arith.index_cast %add3A_580 : i32 to index
        %swap3A_618 = arith.constant 48 : index
        %swap3A_619 = tpu.vector_load %arg13[%swap3A_616, %swap3A_617, %swap3A_618] {strides = array<i32>} : memref<2x128x128xf32, #tpu.memory_space<vmem>>, vector<16xf32>,
        tpu.vector_store %arg13[%swap3A_616, %swap3A_617, %swap3A_618], %mul3A_615 {strides = array<i32>} : memref<2x128x128xf32, #tpu.memory_space<vmem>>, vector<16xf32>,
        %get3A_620 = arith.index_cast %rem3A_373 : i32 to index
        %get3A_621 = arith.index_cast %add3A_580 : i32 to index
        %get3A_622 = arith.constant 64 : index
        %get3A_623 = tpu.vector_load %arg13[%get3A_620, %get3A_621, %get3A_622] {strides = array<i32>} : memref<2x128x128xf32, #tpu.memory_space<vmem>>, vector<16xf32>,
        %mul3A_624 = arith.mulf %get3A_623, %gather3A_583 : vector<16xf32>
        %swap3A_625 = arith.index_cast %rem3A_373 : i32 to index
        %swap3A_626 = arith.index_cast %add3A_580 : i32 to index
        %swap3A_627 = arith.constant 64 : index
        %swap3A_628 = tpu.vector_load %arg13[%swap3A_625, %swap3A_626, %swap3A_627] {strides = array<i32>} : memref<2x128x128xf32, #tpu.memory_space<vmem>>, vector<16xf32>,
        tpu.vector_store %arg13[%swap3A_625, %swap3A_626, %swap3A_627], %mul3A_624 {strides = array<i32>} : memref<2x128x128xf32, #tpu.memory_space<vmem>>, vector<16xf32>,
        %get3A_629 = arith.index_cast %rem3A_373 : i32 to index
        %get3A_630 = arith.index_cast %add3A_580 : i32 to index
        %get3A_631 = arith.constant 80 : index
        %get3A_632 = tpu.vector_load %arg13[%get3A_629, %get3A_630, %get3A_631] {strides = array<i32>} : memref<2x128x128xf32, #tpu.memory_space<vmem>>, vector<16xf32>,
        %mul3A_633 = arith.mulf %get3A_632, %gather3A_583 : vector<16xf32>
        %swap3A_634 = arith.index_cast %rem3A_373 : i32 to index
        %swap3A_635 = arith.index_cast %add3A_580 : i32 to index
        %swap3A_636 = arith.constant 80 : index
        %swap3A_637 = tpu.vector_load %arg13[%swap3A_634, %swap3A_635, %swap3A_636] {strides = array<i32>} : memref<2x128x128xf32, #tpu.memory_space<vmem>>, vector<16xf32>,
        tpu.vector_store %arg13[%swap3A_634, %swap3A_635, %swap3A_636], %mul3A_633 {strides = array<i32>} : memref<2x128x128xf32, #tpu.memory_space<vmem>>, vector<16xf32>,
        %get3A_638 = arith.index_cast %rem3A_373 : i32 to index
        %get3A_639 = arith.index_cast %add3A_580 : i32 to index
        %get3A_640 = arith.constant 96 : index
        %get3A_641 = tpu.vector_load %arg13[%get3A_638, %get3A_639, %get3A_640] {strides = array<i32>} : memref<2x128x128xf32, #tpu.memory_space<vmem>>, vector<16xf32>,
        %mul3A_642 = arith.mulf %get3A_641, %gather3A_583 : vector<16xf32>
        %swap3A_643 = arith.index_cast %rem3A_373 : i32 to index
        %swap3A_644 = arith.index_cast %add3A_580 : i32 to index
        %swap3A_645 = arith.constant 96 : index
        %swap3A_646 = tpu.vector_load %arg13[%swap3A_643, %swap3A_644, %swap3A_645] {strides = array<i32>} : memref<2x128x128xf32, #tpu.memory_space<vmem>>, vector<16xf32>,
        tpu.vector_store %arg13[%swap3A_643, %swap3A_644, %swap3A_645], %mul3A_642 {strides = array<i32>} : memref<2x128x128xf32, #tpu.memory_space<vmem>>, vector<16xf32>,
        %get3A_647 = arith.index_cast %rem3A_373 : i32 to index
        %get3A_648 = arith.index_cast %add3A_580 : i32 to index
        %get3A_649 = arith.constant 112 : index
        %get3A_650 = tpu.vector_load %arg13[%get3A_647, %get3A_648, %get3A_649] {strides = array<i32>} : memref<2x128x128xf32, #tpu.memory_space<vmem>>, vector<16xf32>,
        %mul3A_651 = arith.mulf %get3A_650, %gather3A_583 : vector<16xf32>
        %swap3A_652 = arith.index_cast %rem3A_373 : i32 to index
        %swap3A_653 = arith.index_cast %add3A_580 : i32 to index
        %swap3A_654 = arith.constant 112 : index
        %swap3A_655 = tpu.vector_load %arg13[%swap3A_652, %swap3A_653, %swap3A_654] {strides = array<i32>} : memref<2x128x128xf32, #tpu.memory_space<vmem>>, vector<16xf32>,
        tpu.vector_store %arg13[%swap3A_652, %swap3A_653, %swap3A_654], %mul3A_651 {strides = array<i32>} : memref<2x128x128xf32, #tpu.memory_space<vmem>>, vector<16xf32>,
        %mul3A_656 = arith.constant 4 : i32
        %mul3A_657 = arith.muli %scan3A_418, %mul3A_656 : i32
        %add3A_658 = arith.constant 3 : i32
        %add3A_659 = arith.addi %mul3A_657, %add3A_658 : i32
        %broadcast_in_dim3A_660 = vector.broadcast %rem3A_373 : i32 to vector<16xi32>
        %broadcast_in_dim3A_661 = vector.broadcast %add3A_659 : i32 to vector<16xi32>
        %gather3A_662 = tpu.vector_load_idx %arg12[%broadcast_in_dim3A_660, %broadcast_in_dim3A_661] : memref<2x128xf32, #tpu.memory_space<vmem>>[vector<16xi32>, vector<16xi32>], vector<16xf32>,
        %get3A_663 = arith.index_cast %rem3A_373 : i32 to index
        %get3A_664 = arith.index_cast %add3A_659 : i32 to index
        %get3A_665 = arith.constant 0 : index
        %get3A_666 = tpu.vector_load %arg13[%get3A_663, %get3A_664, %get3A_665] {strides = array<i32>} : memref<2x128x128xf32, #tpu.memory_space<vmem>>, vector<16xf32>,
        %mul3A_667 = arith.mulf %get3A_666, %gather3A_662 : vector<16xf32>
        %swap3A_668 = arith.index_cast %rem3A_373 : i32 to index
        %swap3A_669 = arith.index_cast %add3A_659 : i32 to index
        %swap3A_670 = arith.constant 0 : index
        %swap3A_671 = tpu.vector_load %arg13[%swap3A_668, %swap3A_669, %swap3A_670] {strides = array<i32>} : memref<2x128x128xf32, #tpu.memory_space<vmem>>, vector<16xf32>,
        tpu.vector_store %arg13[%swap3A_668, %swap3A_669, %swap3A_670], %mul3A_667 {strides = array<i32>} : memref<2x128x128xf32, #tpu.memory_space<vmem>>, vector<16xf32>,
        %get3A_672 = arith.index_cast %rem3A_373 : i32 to index
        %get3A_673 = arith.index_cast %add3A_659 : i32 to index
        %get3A_674 = arith.constant 16 : index
        %get3A_675 = tpu.vector_load %arg13[%get3A_672, %get3A_673, %get3A_674] {strides = array<i32>} : memref<2x128x128xf32, #tpu.memory_space<vmem>>, vector<16xf32>,
        %mul3A_676 = arith.mulf %get3A_675, %gather3A_662 : vector<16xf32>
        %swap3A_677 = arith.index_cast %rem3A_373 : i32 to index
        %swap3A_678 = arith.index_cast %add3A_659 : i32 to index
        %swap3A_679 = arith.constant 16 : index
        %swap3A_680 = tpu.vector_load %arg13[%swap3A_677, %swap3A_678, %swap3A_679] {strides = array<i32>} : memref<2x128x128xf32, #tpu.memory_space<vmem>>, vector<16xf32>,
        tpu.vector_store %arg13[%swap3A_677, %swap3A_678, %swap3A_679], %mul3A_676 {strides = array<i32>} : memref<2x128x128xf32, #tpu.memory_space<vmem>>, vector<16xf32>,
        %get3A_681 = arith.index_cast %rem3A_373 : i32 to index
        %get3A_682 = arith.index_cast %add3A_659 : i32 to index
        %get3A_683 = arith.constant 32 : index
        %get3A_684 = tpu.vector_load %arg13[%get3A_681, %get3A_682, %get3A_683] {strides = array<i32>} : memref<2x128x128xf32, #tpu.memory_space<vmem>>, vector<16xf32>,
        %mul3A_685 = arith.mulf %get3A_684, %gather3A_662 : vector<16xf32>
        %swap3A_686 = arith.index_cast %rem3A_373 : i32 to index
        %swap3A_687 = arith.index_cast %add3A_659 : i32 to index
        %swap3A_688 = arith.constant 32 : index
        %swap3A_689 = tpu.vector_load %arg13[%swap3A_686, %swap3A_687, %swap3A_688] {strides = array<i32>} : memref<2x128x128xf32, #tpu.memory_space<vmem>>, vector<16xf32>,
        tpu.vector_store %arg13[%swap3A_686, %swap3A_687, %swap3A_688], %mul3A_685 {strides = array<i32>} : memref<2x128x128xf32, #tpu.memory_space<vmem>>, vector<16xf32>,
        %get3A_690 = arith.index_cast %rem3A_373 : i32 to index
        %get3A_691 = arith.index_cast %add3A_659 : i32 to index
        %get3A_692 = arith.constant 48 : index
        %get3A_693 = tpu.vector_load %arg13[%get3A_690, %get3A_691, %get3A_692] {strides = array<i32>} : memref<2x128x128xf32, #tpu.memory_space<vmem>>, vector<16xf32>,
        %mul3A_694 = arith.mulf %get3A_693, %gather3A_662 : vector<16xf32>
        %swap3A_695 = arith.index_cast %rem3A_373 : i32 to index
        %swap3A_696 = arith.index_cast %add3A_659 : i32 to index
        %swap3A_697 = arith.constant 48 : index
        %swap3A_698 = tpu.vector_load %arg13[%swap3A_695, %swap3A_696, %swap3A_697] {strides = array<i32>} : memref<2x128x128xf32, #tpu.memory_space<vmem>>, vector<16xf32>,
        tpu.vector_store %arg13[%swap3A_695, %swap3A_696, %swap3A_697], %mul3A_694 {strides = array<i32>} : memref<2x128x128xf32, #tpu.memory_space<vmem>>, vector<16xf32>,
        %get3A_699 = arith.index_cast %rem3A_373 : i32 to index
        %get3A_700 = arith.index_cast %add3A_659 : i32 to index
        %get3A_701 = arith.constant 64 : index
        %get3A_702 = tpu.vector_load %arg13[%get3A_699, %get3A_700, %get3A_701] {strides = array<i32>} : memref<2x128x128xf32, #tpu.memory_space<vmem>>, vector<16xf32>,
        %mul3A_703 = arith.mulf %get3A_702, %gather3A_662 : vector<16xf32>
        %swap3A_704 = arith.index_cast %rem3A_373 : i32 to index
        %swap3A_705 = arith.index_cast %add3A_659 : i32 to index
        %swap3A_706 = arith.constant 64 : index
        %swap3A_707 = tpu.vector_load %arg13[%swap3A_704, %swap3A_705, %swap3A_706] {strides = array<i32>} : memref<2x128x128xf32, #tpu.memory_space<vmem>>, vector<16xf32>,
        tpu.vector_store %arg13[%swap3A_704, %swap3A_705, %swap3A_706], %mul3A_703 {strides = array<i32>} : memref<2x128x128xf32, #tpu.memory_space<vmem>>, vector<16xf32>,
        %get3A_708 = arith.index_cast %rem3A_373 : i32 to index
        %get3A_709 = arith.index_cast %add3A_659 : i32 to index
        %get3A_710 = arith.constant 80 : index
        %get3A_711 = tpu.vector_load %arg13[%get3A_708, %get3A_709, %get3A_710] {strides = array<i32>} : memref<2x128x128xf32, #tpu.memory_space<vmem>>, vector<16xf32>,
        %mul3A_712 = arith.mulf %get3A_711, %gather3A_662 : vector<16xf32>
        %swap3A_713 = arith.index_cast %rem3A_373 : i32 to index
        %swap3A_714 = arith.index_cast %add3A_659 : i32 to index
        %swap3A_715 = arith.constant 80 : index
        %swap3A_716 = tpu.vector_load %arg13[%swap3A_713, %swap3A_714, %swap3A_715] {strides = array<i32>} : memref<2x128x128xf32, #tpu.memory_space<vmem>>, vector<16xf32>,
        tpu.vector_store %arg13[%swap3A_713, %swap3A_714, %swap3A_715], %mul3A_712 {strides = array<i32>} : memref<2x128x128xf32, #tpu.memory_space<vmem>>, vector<16xf32>,
        %get3A_717 = arith.index_cast %rem3A_373 : i32 to index
        %get3A_718 = arith.index_cast %add3A_659 : i32 to index
        %get3A_719 = arith.constant 96 : index
        %get3A_720 = tpu.vector_load %arg13[%get3A_717, %get3A_718, %get3A_719] {strides = array<i32>} : memref<2x128x128xf32, #tpu.memory_space<vmem>>, vector<16xf32>,
        %mul3A_721 = arith.mulf %get3A_720, %gather3A_662 : vector<16xf32>
        %swap3A_722 = arith.index_cast %rem3A_373 : i32 to index
        %swap3A_723 = arith.index_cast %add3A_659 : i32 to index
        %swap3A_724 = arith.constant 96 : index
        %swap3A_725 = tpu.vector_load %arg13[%swap3A_722, %swap3A_723, %swap3A_724] {strides = array<i32>} : memref<2x128x128xf32, #tpu.memory_space<vmem>>, vector<16xf32>,
        tpu.vector_store %arg13[%swap3A_722, %swap3A_723, %swap3A_724], %mul3A_721 {strides = array<i32>} : memref<2x128x128xf32, #tpu.memory_space<vmem>>, vector<16xf32>,
        %get3A_726 = arith.index_cast %rem3A_373 : i32 to index
        %get3A_727 = arith.index_cast %add3A_659 : i32 to index
        %get3A_728 = arith.constant 112 : index
        %get3A_729 = tpu.vector_load %arg13[%get3A_726, %get3A_727, %get3A_728] {strides = array<i32>} : memref<2x128x128xf32, #tpu.memory_space<vmem>>, vector<16xf32>,
        %mul3A_730 = arith.mulf %get3A_729, %gather3A_662 : vector<16xf32>
        %swap3A_731 = arith.index_cast %rem3A_373 : i32 to index
        %swap3A_732 = arith.index_cast %add3A_659 : i32 to index
        %swap3A_733 = arith.constant 112 : index
        %swap3A_734 = tpu.vector_load %arg13[%swap3A_731, %swap3A_732, %swap3A_733] {strides = array<i32>} : memref<2x128x128xf32, #tpu.memory_space<vmem>>, vector<16xf32>,
        tpu.vector_store %arg13[%swap3A_731, %swap3A_732, %swap3A_733], %mul3A_730 {strides = array<i32>} : memref<2x128x128xf32, #tpu.memory_space<vmem>>, vector<16xf32>,
        %scan3A_735 = arith.constant 0 : i32
        scf.yield %scan3A_735 : i32
      }
      %scan3A_404 = arith.constant 32 : i32
      %dma_start3A_405 = arith.constant 0 : i32
      %dma_start3A_406 = arith.constant 0 : i32
      %dma_start3A_407 = tpu.memref_slice %arg13[%rem3A_373, %dma_start3A_405, %dma_start3A_406] : memref<2x128x128xf32, #tpu.memory_space<vmem>> -> memref<1x128x128xf32, #tpu.memory_space<vmem>>
      %dma_start3A_408 = tpu.memref_squeeze %dma_start3A_407 : memref<1x128x128xf32, #tpu.memory_space<vmem>> -> memref<128x128xf32, #tpu.memory_space<vmem>>
      %dma_start3A_409 = arith.constant 0 : i32
      %dma_start3A_410 = tpu.memref_slice %arg11[%rem3A_373, %dma_start3A_409] : memref<2x128xi32, #tpu.memory_space<vmem>> -> memref<1x128xi32, #tpu.memory_space<vmem>>
      %dma_start3A_411 = tpu.memref_squeeze %dma_start3A_410 : memref<1x128xi32, #tpu.memory_space<vmem>> -> memref<128xi32, #tpu.memory_space<vmem>>
      %dma_start3A_412 = arith.constant 0 : i32
      %dma_start3A_413 = arith.constant 0 : i32
      %dma_start3A_414 = tpu.memref_slice %arg14[%dma_start3A_412, %dma_start3A_413] : memref<10240x128xf32, #tpu.memory_space<vmem_shared>> -> memref<10240x128xf32, #tpu.memory_space<vmem_shared>>
      %dma_start3A_415 = tpu.memref_slice %arg16[%rem3A_373] : memref<2x!tpu.dma_semaphore, #tpu.memory_space<semaphore_mem>> -> memref<1x!tpu.dma_semaphore, #tpu.memory_space<semaphore_mem>>
      %dma_start3A_416 = tpu.memref_squeeze %dma_start3A_415 : memref<1x!tpu.dma_semaphore, #tpu.memory_space<semaphore_mem>> -> memref<!tpu.dma_semaphore, #tpu.memory_space<semaphore_mem>>
      tpu.enqueue_indirect_dma source(%dma_start3A_408 : memref<128x128xf32, #tpu.memory_space<vmem>>) target(%dma_start3A_414 : memref<10240x128xf32, #tpu.memory_space<vmem_shared>>) offsets(%dma_start3A_411 : memref<128xi32, #tpu.memory_space<vmem>>) semaphore(%dma_start3A_416 : memref<!tpu.dma_semaphore, #tpu.memory_space<semaphore_mem>>) {add = true}
      %while3A_417 = arith.constant 0 : i32
      scf.yield %while3A_417 : i32
    }
    %while3A_335 = arith.constant 1 : i32
    %while3A_336 = scf.for %while3A_371 = %while3A_332 to %while3A_328 step %while3A_335 iter_args(%while3A_372 = %while3A_334) -> (i32)  : i32 {
      %rem3A = arith.constant 2 : i32
      %rem3A_373 = arith.remsi %while3A_371, %rem3A : i32
      %sub3A = arith.constant 1 : i32
      %sub3A_374 = arith.subi %sub3A, %rem3A_373 : i32
      %ge3A = arith.constant 1 : i32
      %ge3A_375 = arith.cmpi sge, %while3A_371, %ge3A : i32
      %sub3A_376 = arith.constant 1 : i32
      %sub3A_377 = arith.subi %select_n3A, %sub3A_376 : i32
      %lt3A = arith.cmpi slt, %while3A_371, %sub3A_377 : i32
      %and3A_378 = arith.andi %ge3A_375, %lt3A : i1
      %convert_element_type3A = arith.extui %and3A_378 : i1 to i32
      %cond3A = arith.constant 0 : i32
      %cond3A_379 = arith.cmpi ne, %convert_element_type3A, %cond3A : i32
      scf.if %cond3A_379 {
        %dma_wait3A_418 = arith.constant 0 : i32
        %dma_wait3A_419 = arith.constant 0 : i32
        %dma_wait3A_420 = tpu.memref_slice %arg13[%sub3A_374, %dma_wait3A_418, %dma_wait3A_419] : memref<2x128x128xf32, #tpu.memory_space<vmem>> -> memref<1x128x128xf32, #tpu.memory_space<vmem>>
        %dma_wait3A_421 = tpu.memref_squeeze %dma_wait3A_420 : memref<1x128x128xf32, #tpu.memory_space<vmem>> -> memref<128x128xf32, #tpu.memory_space<vmem>>
        %dma_wait3A_422 = arith.constant 0 : i32
        %dma_wait3A_423 = tpu.memref_slice %arg11[%sub3A_374, %dma_wait3A_422] : memref<2x128xi32, #tpu.memory_space<vmem>> -> memref<1x128xi32, #tpu.memory_space<vmem>>
        %dma_wait3A_424 = tpu.memref_squeeze %dma_wait3A_423 : memref<1x128xi32, #tpu.memory_space<vmem>> -> memref<128xi32, #tpu.memory_space<vmem>>
        %dma_wait3A_425 = arith.constant 0 : i32
        %dma_wait3A_426 = arith.constant 0 : i32
        %dma_wait3A_427 = tpu.memref_slice %arg14[%dma_wait3A_425, %dma_wait3A_426] : memref<10240x128xf32, #tpu.memory_space<vmem_shared>> -> memref<10240x128xf32, #tpu.memory_space<vmem_shared>>
        %dma_wait3A_428 = tpu.memref_slice %arg16[%sub3A_374] : memref<2x!tpu.dma_semaphore, #tpu.memory_space<semaphore_mem>> -> memref<1x!tpu.dma_semaphore, #tpu.memory_space<semaphore_mem>>
        %dma_wait3A_429 = tpu.memref_squeeze %dma_wait3A_428 : memref<1x!tpu.dma_semaphore, #tpu.memory_space<semaphore_mem>> -> memref<!tpu.dma_semaphore, #tpu.memory_space<semaphore_mem>>
        tpu.wait_indirect_dma semaphore(%dma_wait3A_429 : memref<!tpu.dma_semaphore, #tpu.memory_space<semaphore_mem>>) src(%dma_wait3A_421 : memref<128x128xf32, #tpu.memory_space<vmem>>) dst(%dma_wait3A_427 : memref<10240x128xf32, #tpu.memory_space<vmem_shared>>)
      } else {
      }
      %sub3A_380 = arith.constant 1 : i32
      %sub3A_381 = arith.subi %select_n3A, %sub3A_380 : i32
      %lt3A_382 = arith.cmpi slt, %while3A_371, %sub3A_381 : i32
      %convert_element_type3A_383 = arith.extui %lt3A_382 : i1 to i32
      %cond3A_384 = arith.constant 0 : i32
      %cond3A_385 = arith.cmpi ne, %convert_element_type3A_383, %cond3A_384 : i32
      scf.if %cond3A_385 {
        %add3A_418 = arith.constant 1 : i32
        %add3A_419 = arith.addi %while3A_371, %add3A_418 : i32
        %add3A_420 = arith.addi %select_n3A_8, %add3A_419 : i32
        "tpu.region"() ({
          %run_scoped3A_666 = tpu.sem_alloc : memref<!tpu.dma_semaphore, #tpu.memory_space<semaphore_mem>>
          %dma_start3A_667 = arith.constant 0 : i32
          %dma_start3A_668 = arith.constant 0 : i32
          %dma_start3A_669 = tpu.memref_slice %arg7[%sub3A_374, %dma_start3A_667, %dma_start3A_668] : memref<2x1x128xi32, #tpu.memory_space<vmem>> -> memref<1x1x128xi32, #tpu.memory_space<vmem>>
          %dma_start3A_670 = tpu.memref_squeeze %dma_start3A_669 : memref<1x1x128xi32, #tpu.memory_space<vmem>> -> memref<1x128xi32, #tpu.memory_space<vmem>>
          %dma_start3A_671 = arith.constant 0 : i32
          %dma_start3A_672 = arith.constant 0 : i32
          %dma_start3A_673 = tpu.memref_slice %arg2[%add3A_420, %dma_start3A_671, %dma_start3A_672] : memref<2560x1x128xi32, #tpu.memory_space<hbm>> -> memref<1x1x128xi32, #tpu.memory_space<hbm>>
          %dma_start3A_674 = tpu.memref_squeeze %dma_start3A_673 : memref<1x1x128xi32, #tpu.memory_space<hbm>> -> memref<1x128xi32, #tpu.memory_space<hbm>>
          %dma_start3A_675 = arith.constant 0 : i32
          %dma_start3A_676 = arith.constant 0 : i32
          %dma_start3A_677 = tpu.memref_slice %arg7[%sub3A_374, %dma_start3A_675, %dma_start3A_676] : memref<2x1x128xi32, #tpu.memory_space<vmem>> -> memref<1x1x128xi32, #tpu.memory_space<vmem>>
          %dma_start3A_678 = tpu.memref_squeeze %dma_start3A_677 : memref<1x1x128xi32, #tpu.memory_space<vmem>> -> memref<1x128xi32, #tpu.memory_space<vmem>>
          %dma_start3A_679 = arith.constant 0 : i32
          %dma_start3A_680 = arith.constant 0 : i32
          %dma_start3A_681 = tpu.memref_slice %arg2[%add3A_420, %dma_start3A_679, %dma_start3A_680] : memref<2560x1x128xi32, #tpu.memory_space<hbm>> -> memref<1x1x128xi32, #tpu.memory_space<hbm>>
          %dma_start3A_682 = tpu.memref_squeeze %dma_start3A_681 : memref<1x1x128xi32, #tpu.memory_space<hbm>> -> memref<1x128xi32, #tpu.memory_space<hbm>>
          tpu.enqueue_dma source(%dma_start3A_682 : memref<1x128xi32, #tpu.memory_space<hbm>>) target(%dma_start3A_678 : memref<1x128xi32, #tpu.memory_space<vmem>>) target_semaphore(%run_scoped3A_666 : memref<!tpu.dma_semaphore, #tpu.memory_space<semaphore_mem>>)
          %dma_wait3A_683 = arith.constant 0 : i32
          %dma_wait3A_684 = arith.constant 0 : i32
          %dma_wait3A_685 = tpu.memref_slice %arg7[%sub3A_374, %dma_wait3A_683, %dma_wait3A_684] : memref<2x1x128xi32, #tpu.memory_space<vmem>> -> memref<1x1x128xi32, #tpu.memory_space<vmem>>
          %dma_wait3A_686 = tpu.memref_squeeze %dma_wait3A_685 : memref<1x1x128xi32, #tpu.memory_space<vmem>> -> memref<1x128xi32, #tpu.memory_space<vmem>>
          %dma_wait3A_687 = arith.constant 0 : i32
          %dma_wait3A_688 = arith.constant 0 : i32
          %dma_wait3A_689 = tpu.memref_slice %arg2[%add3A_420, %dma_wait3A_687, %dma_wait3A_688] : memref<2560x1x128xi32, #tpu.memory_space<hbm>> -> memref<1x1x128xi32, #tpu.memory_space<hbm>>
          %dma_wait3A_690 = tpu.memref_squeeze %dma_wait3A_689 : memref<1x1x128xi32, #tpu.memory_space<hbm>> -> memref<1x128xi32, #tpu.memory_space<hbm>>
          %dma_wait3A_691 = arith.constant 0 : i32
          %dma_wait3A_692 = arith.constant 0 : i32
          %dma_wait3A_693 = tpu.memref_slice %arg7[%sub3A_374, %dma_wait3A_691, %dma_wait3A_692] : memref<2x1x128xi32, #tpu.memory_space<vmem>> -> memref<1x1x128xi32, #tpu.memory_space<vmem>>
          %dma_wait3A_694 = tpu.memref_squeeze %dma_wait3A_693 : memref<1x1x128xi32, #tpu.memory_space<vmem>> -> memref<1x128xi32, #tpu.memory_space<vmem>>
          %dma_wait3A_695 = arith.constant 0 : i32
          %dma_wait3A_696 = arith.constant 0 : i32
          %dma_wait3A_697 = tpu.memref_slice %arg2[%add3A_420, %dma_wait3A_695, %dma_wait3A_696] : memref<2560x1x128xi32, #tpu.memory_space<hbm>> -> memref<1x1x128xi32, #tpu.memory_space<hbm>>
          %dma_wait3A_698 = tpu.memref_squeeze %dma_wait3A_697 : memref<1x1x128xi32, #tpu.memory_space<hbm>> -> memref<1x128xi32, #tpu.memory_space<hbm>>
          tpu.wait_dma2 semaphore(%run_scoped3A_666 : memref<!tpu.dma_semaphore, #tpu.memory_space<semaphore_mem>>) src(%dma_wait3A_698 : memref<1x128xi32, #tpu.memory_space<hbm>>) dst(%dma_wait3A_694 : memref<1x128xi32, #tpu.memory_space<vmem>>)
          tpu.yield
        }) : () -> ()
        %add3A_421 = arith.addi %select_n3A_8, %add3A_419 : i32
        "tpu.region"() ({
          %run_scoped3A_666 = tpu.sem_alloc : memref<!tpu.dma_semaphore, #tpu.memory_space<semaphore_mem>>
          %dma_start3A_667 = arith.constant 0 : i32
          %dma_start3A_668 = arith.constant 0 : i32
          %dma_start3A_669 = tpu.memref_slice %arg8[%sub3A_374, %dma_start3A_667, %dma_start3A_668] : memref<2x1x128xf32, #tpu.memory_space<vmem>> -> memref<1x1x128xf32, #tpu.memory_space<vmem>>
          %dma_start3A_670 = tpu.memref_squeeze %dma_start3A_669 : memref<1x1x128xf32, #tpu.memory_space<vmem>> -> memref<1x128xf32, #tpu.memory_space<vmem>>
          %dma_start3A_671 = arith.constant 0 : i32
          %dma_start3A_672 = arith.constant 0 : i32
          %dma_start3A_673 = tpu.memref_slice %arg3[%add3A_421, %dma_start3A_671, %dma_start3A_672] : memref<2560x1x128xf32, #tpu.memory_space<hbm>> -> memref<1x1x128xf32, #tpu.memory_space<hbm>>
          %dma_start3A_674 = tpu.memref_squeeze %dma_start3A_673 : memref<1x1x128xf32, #tpu.memory_space<hbm>> -> memref<1x128xf32, #tpu.memory_space<hbm>>
          %dma_start3A_675 = arith.constant 0 : i32
          %dma_start3A_676 = arith.constant 0 : i32
          %dma_start3A_677 = tpu.memref_slice %arg8[%sub3A_374, %dma_start3A_675, %dma_start3A_676] : memref<2x1x128xf32, #tpu.memory_space<vmem>> -> memref<1x1x128xf32, #tpu.memory_space<vmem>>
          %dma_start3A_678 = tpu.memref_squeeze %dma_start3A_677 : memref<1x1x128xf32, #tpu.memory_space<vmem>> -> memref<1x128xf32, #tpu.memory_space<vmem>>
          %dma_start3A_679 = arith.constant 0 : i32
          %dma_start3A_680 = arith.constant 0 : i32
          %dma_start3A_681 = tpu.memref_slice %arg3[%add3A_421, %dma_start3A_679, %dma_start3A_680] : memref<2560x1x128xf32, #tpu.memory_space<hbm>> -> memref<1x1x128xf32, #tpu.memory_space<hbm>>
          %dma_start3A_682 = tpu.memref_squeeze %dma_start3A_681 : memref<1x1x128xf32, #tpu.memory_space<hbm>> -> memref<1x128xf32, #tpu.memory_space<hbm>>
          tpu.enqueue_dma source(%dma_start3A_682 : memref<1x128xf32, #tpu.memory_space<hbm>>) target(%dma_start3A_678 : memref<1x128xf32, #tpu.memory_space<vmem>>) target_semaphore(%run_scoped3A_666 : memref<!tpu.dma_semaphore, #tpu.memory_space<semaphore_mem>>)
          %dma_wait3A_683 = arith.constant 0 : i32
          %dma_wait3A_684 = arith.constant 0 : i32
          %dma_wait3A_685 = tpu.memref_slice %arg8[%sub3A_374, %dma_wait3A_683, %dma_wait3A_684] : memref<2x1x128xf32, #tpu.memory_space<vmem>> -> memref<1x1x128xf32, #tpu.memory_space<vmem>>
          %dma_wait3A_686 = tpu.memref_squeeze %dma_wait3A_685 : memref<1x1x128xf32, #tpu.memory_space<vmem>> -> memref<1x128xf32, #tpu.memory_space<vmem>>
          %dma_wait3A_687 = arith.constant 0 : i32
          %dma_wait3A_688 = arith.constant 0 : i32
          %dma_wait3A_689 = tpu.memref_slice %arg3[%add3A_421, %dma_wait3A_687, %dma_wait3A_688] : memref<2560x1x128xf32, #tpu.memory_space<hbm>> -> memref<1x1x128xf32, #tpu.memory_space<hbm>>
          %dma_wait3A_690 = tpu.memref_squeeze %dma_wait3A_689 : memref<1x1x128xf32, #tpu.memory_space<hbm>> -> memref<1x128xf32, #tpu.memory_space<hbm>>
          %dma_wait3A_691 = arith.constant 0 : i32
          %dma_wait3A_692 = arith.constant 0 : i32
          %dma_wait3A_693 = tpu.memref_slice %arg8[%sub3A_374, %dma_wait3A_691, %dma_wait3A_692] : memref<2x1x128xf32, #tpu.memory_space<vmem>> -> memref<1x1x128xf32, #tpu.memory_space<vmem>>
          %dma_wait3A_694 = tpu.memref_squeeze %dma_wait3A_693 : memref<1x1x128xf32, #tpu.memory_space<vmem>> -> memref<1x128xf32, #tpu.memory_space<vmem>>
          %dma_wait3A_695 = arith.constant 0 : i32
          %dma_wait3A_696 = arith.constant 0 : i32
          %dma_wait3A_697 = tpu.memref_slice %arg3[%add3A_421, %dma_wait3A_695, %dma_wait3A_696] : memref<2560x1x128xf32, #tpu.memory_space<hbm>> -> memref<1x1x128xf32, #tpu.memory_space<hbm>>
          %dma_wait3A_698 = tpu.memref_squeeze %dma_wait3A_697 : memref<1x1x128xf32, #tpu.memory_space<hbm>> -> memref<1x128xf32, #tpu.memory_space<hbm>>
          tpu.wait_dma2 semaphore(%run_scoped3A_666 : memref<!tpu.dma_semaphore, #tpu.memory_space<semaphore_mem>>) src(%dma_wait3A_698 : memref<1x128xf32, #tpu.memory_space<hbm>>) dst(%dma_wait3A_694 : memref<1x128xf32, #tpu.memory_space<vmem>>)
          tpu.yield
        }) : () -> ()
        %get3A_422 = arith.constant 0 : i32
        %get3A_423 = arith.index_cast %sub3A_374 : i32 to index
        %get3A_424 = arith.index_cast %get3A_422 : i32 to index
        %get3A_425 = arith.constant 0 : index
        %get3A_426 = tpu.vector_load %arg7[%get3A_423, %get3A_424, %get3A_425] {strides = array<i32>} : memref<2x1x128xi32, #tpu.memory_space<vmem>>, vector<16xi32>,
        %and3A_427 = arith.constant 16383 : i32
        %and3A_428 = vector.broadcast %and3A_427 : i32 to vector<16xi32>
        %and3A_429 = arith.andi %get3A_426, %and3A_428 : vector<16xi32>
        %shift_right_logical3A_430 = arith.constant 14 : i32
        %shift_right_logical3A_431 = vector.broadcast %shift_right_logical3A_430 : i32 to vector<16xi32>
        %shift_right_logical3A_432 = arith.shrui %get3A_426, %shift_right_logical3A_431 : vector<16xi32>
        %swap3A_433 = arith.index_cast %sub3A_374 : i32 to index
        %swap3A_434 = arith.constant 0 : index
        %swap3A_435 = tpu.vector_load %arg10[%swap3A_433, %swap3A_434] {strides = array<i32>} : memref<2x128xi32, #tpu.memory_space<vmem>>, vector<16xi32>,
        tpu.vector_store %arg10[%swap3A_433, %swap3A_434], %and3A_429 {strides = array<i32>} : memref<2x128xi32, #tpu.memory_space<vmem>>, vector<16xi32>,
        %swap3A_436 = arith.index_cast %sub3A_374 : i32 to index
        %swap3A_437 = arith.constant 0 : index
        %swap3A_438 = tpu.vector_load %arg11[%swap3A_436, %swap3A_437] {strides = array<i32>} : memref<2x128xi32, #tpu.memory_space<vmem>>, vector<16xi32>,
        tpu.vector_store %arg11[%swap3A_436, %swap3A_437], %shift_right_logical3A_432 {strides = array<i32>} : memref<2x128xi32, #tpu.memory_space<vmem>>, vector<16xi32>,
        %gather3A_439 = tpu.vector_load_idx %arg9[%and3A_429] : memref<10240xf32, #tpu.memory_space<vmem>>[vector<16xi32>], vector<16xf32>,
        %gather3A_440 = tpu.vector_load_idx %arg9[%shift_right_logical3A_432] : memref<10240xf32, #tpu.memory_space<vmem>>[vector<16xi32>], vector<16xf32>,
        %get3A_441 = arith.constant 0 : i32
        %get3A_442 = arith.index_cast %sub3A_374 : i32 to index
        %get3A_443 = arith.index_cast %get3A_441 : i32 to index
        %get3A_444 = arith.constant 0 : index
        %get3A_445 = tpu.vector_load %arg8[%get3A_442, %get3A_443, %get3A_444] {strides = array<i32>} : memref<2x1x128xf32, #tpu.memory_space<vmem>>, vector<16xf32>,
        %mul3A_446 = arith.mulf %get3A_445, %gather3A_439 : vector<16xf32>
        %mul3A_447 = arith.mulf %mul3A_446, %gather3A_440 : vector<16xf32>
        %swap3A_448 = arith.index_cast %sub3A_374 : i32 to index
        %swap3A_449 = arith.constant 0 : index
        %swap3A_450 = tpu.vector_load %arg12[%swap3A_448, %swap3A_449] {strides = array<i32>} : memref<2x128xf32, #tpu.memory_space<vmem>>, vector<16xf32>,
        tpu.vector_store %arg12[%swap3A_448, %swap3A_449], %mul3A_447 {strides = array<i32>} : memref<2x128xf32, #tpu.memory_space<vmem>>, vector<16xf32>,
        %get3A_451 = arith.constant 0 : i32
        %get3A_452 = arith.index_cast %sub3A_374 : i32 to index
        %get3A_453 = arith.index_cast %get3A_451 : i32 to index
        %get3A_454 = arith.constant 16 : index
        %get3A_455 = tpu.vector_load %arg7[%get3A_452, %get3A_453, %get3A_454] {strides = array<i32>} : memref<2x1x128xi32, #tpu.memory_space<vmem>>, vector<16xi32>,
        %and3A_456 = arith.constant 16383 : i32
        %and3A_457 = vector.broadcast %and3A_456 : i32 to vector<16xi32>
        %and3A_458 = arith.andi %get3A_455, %and3A_457 : vector<16xi32>
        %shift_right_logical3A_459 = arith.constant 14 : i32
        %shift_right_logical3A_460 = vector.broadcast %shift_right_logical3A_459 : i32 to vector<16xi32>
        %shift_right_logical3A_461 = arith.shrui %get3A_455, %shift_right_logical3A_460 : vector<16xi32>
        %swap3A_462 = arith.index_cast %sub3A_374 : i32 to index
        %swap3A_463 = arith.constant 16 : index
        %swap3A_464 = tpu.vector_load %arg10[%swap3A_462, %swap3A_463] {strides = array<i32>} : memref<2x128xi32, #tpu.memory_space<vmem>>, vector<16xi32>,
        tpu.vector_store %arg10[%swap3A_462, %swap3A_463], %and3A_458 {strides = array<i32>} : memref<2x128xi32, #tpu.memory_space<vmem>>, vector<16xi32>,
        %swap3A_465 = arith.index_cast %sub3A_374 : i32 to index
        %swap3A_466 = arith.constant 16 : index
        %swap3A_467 = tpu.vector_load %arg11[%swap3A_465, %swap3A_466] {strides = array<i32>} : memref<2x128xi32, #tpu.memory_space<vmem>>, vector<16xi32>,
        tpu.vector_store %arg11[%swap3A_465, %swap3A_466], %shift_right_logical3A_461 {strides = array<i32>} : memref<2x128xi32, #tpu.memory_space<vmem>>, vector<16xi32>,
        %gather3A_468 = tpu.vector_load_idx %arg9[%and3A_458] : memref<10240xf32, #tpu.memory_space<vmem>>[vector<16xi32>], vector<16xf32>,
        %gather3A_469 = tpu.vector_load_idx %arg9[%shift_right_logical3A_461] : memref<10240xf32, #tpu.memory_space<vmem>>[vector<16xi32>], vector<16xf32>,
        %get3A_470 = arith.constant 0 : i32
        %get3A_471 = arith.index_cast %sub3A_374 : i32 to index
        %get3A_472 = arith.index_cast %get3A_470 : i32 to index
        %get3A_473 = arith.constant 16 : index
        %get3A_474 = tpu.vector_load %arg8[%get3A_471, %get3A_472, %get3A_473] {strides = array<i32>} : memref<2x1x128xf32, #tpu.memory_space<vmem>>, vector<16xf32>,
        %mul3A_475 = arith.mulf %get3A_474, %gather3A_468 : vector<16xf32>
        %mul3A_476 = arith.mulf %mul3A_475, %gather3A_469 : vector<16xf32>
        %swap3A_477 = arith.index_cast %sub3A_374 : i32 to index
        %swap3A_478 = arith.constant 16 : index
        %swap3A_479 = tpu.vector_load %arg12[%swap3A_477, %swap3A_478] {strides = array<i32>} : memref<2x128xf32, #tpu.memory_space<vmem>>, vector<16xf32>,
        tpu.vector_store %arg12[%swap3A_477, %swap3A_478], %mul3A_476 {strides = array<i32>} : memref<2x128xf32, #tpu.memory_space<vmem>>, vector<16xf32>,
        %get3A_480 = arith.constant 0 : i32
        %get3A_481 = arith.index_cast %sub3A_374 : i32 to index
        %get3A_482 = arith.index_cast %get3A_480 : i32 to index
        %get3A_483 = arith.constant 32 : index
        %get3A_484 = tpu.vector_load %arg7[%get3A_481, %get3A_482, %get3A_483] {strides = array<i32>} : memref<2x1x128xi32, #tpu.memory_space<vmem>>, vector<16xi32>,
        %and3A_485 = arith.constant 16383 : i32
        %and3A_486 = vector.broadcast %and3A_485 : i32 to vector<16xi32>
        %and3A_487 = arith.andi %get3A_484, %and3A_486 : vector<16xi32>
        %shift_right_logical3A_488 = arith.constant 14 : i32
        %shift_right_logical3A_489 = vector.broadcast %shift_right_logical3A_488 : i32 to vector<16xi32>
        %shift_right_logical3A_490 = arith.shrui %get3A_484, %shift_right_logical3A_489 : vector<16xi32>
        %swap3A_491 = arith.index_cast %sub3A_374 : i32 to index
        %swap3A_492 = arith.constant 32 : index
        %swap3A_493 = tpu.vector_load %arg10[%swap3A_491, %swap3A_492] {strides = array<i32>} : memref<2x128xi32, #tpu.memory_space<vmem>>, vector<16xi32>,
        tpu.vector_store %arg10[%swap3A_491, %swap3A_492], %and3A_487 {strides = array<i32>} : memref<2x128xi32, #tpu.memory_space<vmem>>, vector<16xi32>,
        %swap3A_494 = arith.index_cast %sub3A_374 : i32 to index
        %swap3A_495 = arith.constant 32 : index
        %swap3A_496 = tpu.vector_load %arg11[%swap3A_494, %swap3A_495] {strides = array<i32>} : memref<2x128xi32, #tpu.memory_space<vmem>>, vector<16xi32>,
        tpu.vector_store %arg11[%swap3A_494, %swap3A_495], %shift_right_logical3A_490 {strides = array<i32>} : memref<2x128xi32, #tpu.memory_space<vmem>>, vector<16xi32>,
        %gather3A_497 = tpu.vector_load_idx %arg9[%and3A_487] : memref<10240xf32, #tpu.memory_space<vmem>>[vector<16xi32>], vector<16xf32>,
        %gather3A_498 = tpu.vector_load_idx %arg9[%shift_right_logical3A_490] : memref<10240xf32, #tpu.memory_space<vmem>>[vector<16xi32>], vector<16xf32>,
        %get3A_499 = arith.constant 0 : i32
        %get3A_500 = arith.index_cast %sub3A_374 : i32 to index
        %get3A_501 = arith.index_cast %get3A_499 : i32 to index
        %get3A_502 = arith.constant 32 : index
        %get3A_503 = tpu.vector_load %arg8[%get3A_500, %get3A_501, %get3A_502] {strides = array<i32>} : memref<2x1x128xf32, #tpu.memory_space<vmem>>, vector<16xf32>,
        %mul3A_504 = arith.mulf %get3A_503, %gather3A_497 : vector<16xf32>
        %mul3A_505 = arith.mulf %mul3A_504, %gather3A_498 : vector<16xf32>
        %swap3A_506 = arith.index_cast %sub3A_374 : i32 to index
        %swap3A_507 = arith.constant 32 : index
        %swap3A_508 = tpu.vector_load %arg12[%swap3A_506, %swap3A_507] {strides = array<i32>} : memref<2x128xf32, #tpu.memory_space<vmem>>, vector<16xf32>,
        tpu.vector_store %arg12[%swap3A_506, %swap3A_507], %mul3A_505 {strides = array<i32>} : memref<2x128xf32, #tpu.memory_space<vmem>>, vector<16xf32>,
        %get3A_509 = arith.constant 0 : i32
        %get3A_510 = arith.index_cast %sub3A_374 : i32 to index
        %get3A_511 = arith.index_cast %get3A_509 : i32 to index
        %get3A_512 = arith.constant 48 : index
        %get3A_513 = tpu.vector_load %arg7[%get3A_510, %get3A_511, %get3A_512] {strides = array<i32>} : memref<2x1x128xi32, #tpu.memory_space<vmem>>, vector<16xi32>,
        %and3A_514 = arith.constant 16383 : i32
        %and3A_515 = vector.broadcast %and3A_514 : i32 to vector<16xi32>
        %and3A_516 = arith.andi %get3A_513, %and3A_515 : vector<16xi32>
        %shift_right_logical3A_517 = arith.constant 14 : i32
        %shift_right_logical3A_518 = vector.broadcast %shift_right_logical3A_517 : i32 to vector<16xi32>
        %shift_right_logical3A_519 = arith.shrui %get3A_513, %shift_right_logical3A_518 : vector<16xi32>
        %swap3A_520 = arith.index_cast %sub3A_374 : i32 to index
        %swap3A_521 = arith.constant 48 : index
        %swap3A_522 = tpu.vector_load %arg10[%swap3A_520, %swap3A_521] {strides = array<i32>} : memref<2x128xi32, #tpu.memory_space<vmem>>, vector<16xi32>,
        tpu.vector_store %arg10[%swap3A_520, %swap3A_521], %and3A_516 {strides = array<i32>} : memref<2x128xi32, #tpu.memory_space<vmem>>, vector<16xi32>,
        %swap3A_523 = arith.index_cast %sub3A_374 : i32 to index
        %swap3A_524 = arith.constant 48 : index
        %swap3A_525 = tpu.vector_load %arg11[%swap3A_523, %swap3A_524] {strides = array<i32>} : memref<2x128xi32, #tpu.memory_space<vmem>>, vector<16xi32>,
        tpu.vector_store %arg11[%swap3A_523, %swap3A_524], %shift_right_logical3A_519 {strides = array<i32>} : memref<2x128xi32, #tpu.memory_space<vmem>>, vector<16xi32>,
        %gather3A_526 = tpu.vector_load_idx %arg9[%and3A_516] : memref<10240xf32, #tpu.memory_space<vmem>>[vector<16xi32>], vector<16xf32>,
        %gather3A_527 = tpu.vector_load_idx %arg9[%shift_right_logical3A_519] : memref<10240xf32, #tpu.memory_space<vmem>>[vector<16xi32>], vector<16xf32>,
        %get3A_528 = arith.constant 0 : i32
        %get3A_529 = arith.index_cast %sub3A_374 : i32 to index
        %get3A_530 = arith.index_cast %get3A_528 : i32 to index
        %get3A_531 = arith.constant 48 : index
        %get3A_532 = tpu.vector_load %arg8[%get3A_529, %get3A_530, %get3A_531] {strides = array<i32>} : memref<2x1x128xf32, #tpu.memory_space<vmem>>, vector<16xf32>,
        %mul3A_533 = arith.mulf %get3A_532, %gather3A_526 : vector<16xf32>
        %mul3A_534 = arith.mulf %mul3A_533, %gather3A_527 : vector<16xf32>
        %swap3A_535 = arith.index_cast %sub3A_374 : i32 to index
        %swap3A_536 = arith.constant 48 : index
        %swap3A_537 = tpu.vector_load %arg12[%swap3A_535, %swap3A_536] {strides = array<i32>} : memref<2x128xf32, #tpu.memory_space<vmem>>, vector<16xf32>,
        tpu.vector_store %arg12[%swap3A_535, %swap3A_536], %mul3A_534 {strides = array<i32>} : memref<2x128xf32, #tpu.memory_space<vmem>>, vector<16xf32>,
        %get3A_538 = arith.constant 0 : i32
        %get3A_539 = arith.index_cast %sub3A_374 : i32 to index
        %get3A_540 = arith.index_cast %get3A_538 : i32 to index
        %get3A_541 = arith.constant 64 : index
        %get3A_542 = tpu.vector_load %arg7[%get3A_539, %get3A_540, %get3A_541] {strides = array<i32>} : memref<2x1x128xi32, #tpu.memory_space<vmem>>, vector<16xi32>,
        %and3A_543 = arith.constant 16383 : i32
        %and3A_544 = vector.broadcast %and3A_543 : i32 to vector<16xi32>
        %and3A_545 = arith.andi %get3A_542, %and3A_544 : vector<16xi32>
        %shift_right_logical3A_546 = arith.constant 14 : i32
        %shift_right_logical3A_547 = vector.broadcast %shift_right_logical3A_546 : i32 to vector<16xi32>
        %shift_right_logical3A_548 = arith.shrui %get3A_542, %shift_right_logical3A_547 : vector<16xi32>
        %swap3A_549 = arith.index_cast %sub3A_374 : i32 to index
        %swap3A_550 = arith.constant 64 : index
        %swap3A_551 = tpu.vector_load %arg10[%swap3A_549, %swap3A_550] {strides = array<i32>} : memref<2x128xi32, #tpu.memory_space<vmem>>, vector<16xi32>,
        tpu.vector_store %arg10[%swap3A_549, %swap3A_550], %and3A_545 {strides = array<i32>} : memref<2x128xi32, #tpu.memory_space<vmem>>, vector<16xi32>,
        %swap3A_552 = arith.index_cast %sub3A_374 : i32 to index
        %swap3A_553 = arith.constant 64 : index
        %swap3A_554 = tpu.vector_load %arg11[%swap3A_552, %swap3A_553] {strides = array<i32>} : memref<2x128xi32, #tpu.memory_space<vmem>>, vector<16xi32>,
        tpu.vector_store %arg11[%swap3A_552, %swap3A_553], %shift_right_logical3A_548 {strides = array<i32>} : memref<2x128xi32, #tpu.memory_space<vmem>>, vector<16xi32>,
        %gather3A_555 = tpu.vector_load_idx %arg9[%and3A_545] : memref<10240xf32, #tpu.memory_space<vmem>>[vector<16xi32>], vector<16xf32>,
        %gather3A_556 = tpu.vector_load_idx %arg9[%shift_right_logical3A_548] : memref<10240xf32, #tpu.memory_space<vmem>>[vector<16xi32>], vector<16xf32>,
        %get3A_557 = arith.constant 0 : i32
        %get3A_558 = arith.index_cast %sub3A_374 : i32 to index
        %get3A_559 = arith.index_cast %get3A_557 : i32 to index
        %get3A_560 = arith.constant 64 : index
        %get3A_561 = tpu.vector_load %arg8[%get3A_558, %get3A_559, %get3A_560] {strides = array<i32>} : memref<2x1x128xf32, #tpu.memory_space<vmem>>, vector<16xf32>,
        %mul3A_562 = arith.mulf %get3A_561, %gather3A_555 : vector<16xf32>
        %mul3A_563 = arith.mulf %mul3A_562, %gather3A_556 : vector<16xf32>
        %swap3A_564 = arith.index_cast %sub3A_374 : i32 to index
        %swap3A_565 = arith.constant 64 : index
        %swap3A_566 = tpu.vector_load %arg12[%swap3A_564, %swap3A_565] {strides = array<i32>} : memref<2x128xf32, #tpu.memory_space<vmem>>, vector<16xf32>,
        tpu.vector_store %arg12[%swap3A_564, %swap3A_565], %mul3A_563 {strides = array<i32>} : memref<2x128xf32, #tpu.memory_space<vmem>>, vector<16xf32>,
        %get3A_567 = arith.constant 0 : i32
        %get3A_568 = arith.index_cast %sub3A_374 : i32 to index
        %get3A_569 = arith.index_cast %get3A_567 : i32 to index
        %get3A_570 = arith.constant 80 : index
        %get3A_571 = tpu.vector_load %arg7[%get3A_568, %get3A_569, %get3A_570] {strides = array<i32>} : memref<2x1x128xi32, #tpu.memory_space<vmem>>, vector<16xi32>,
        %and3A_572 = arith.constant 16383 : i32
        %and3A_573 = vector.broadcast %and3A_572 : i32 to vector<16xi32>
        %and3A_574 = arith.andi %get3A_571, %and3A_573 : vector<16xi32>
        %shift_right_logical3A_575 = arith.constant 14 : i32
        %shift_right_logical3A_576 = vector.broadcast %shift_right_logical3A_575 : i32 to vector<16xi32>
        %shift_right_logical3A_577 = arith.shrui %get3A_571, %shift_right_logical3A_576 : vector<16xi32>
        %swap3A_578 = arith.index_cast %sub3A_374 : i32 to index
        %swap3A_579 = arith.constant 80 : index
        %swap3A_580 = tpu.vector_load %arg10[%swap3A_578, %swap3A_579] {strides = array<i32>} : memref<2x128xi32, #tpu.memory_space<vmem>>, vector<16xi32>,
        tpu.vector_store %arg10[%swap3A_578, %swap3A_579], %and3A_574 {strides = array<i32>} : memref<2x128xi32, #tpu.memory_space<vmem>>, vector<16xi32>,
        %swap3A_581 = arith.index_cast %sub3A_374 : i32 to index
        %swap3A_582 = arith.constant 80 : index
        %swap3A_583 = tpu.vector_load %arg11[%swap3A_581, %swap3A_582] {strides = array<i32>} : memref<2x128xi32, #tpu.memory_space<vmem>>, vector<16xi32>,
        tpu.vector_store %arg11[%swap3A_581, %swap3A_582], %shift_right_logical3A_577 {strides = array<i32>} : memref<2x128xi32, #tpu.memory_space<vmem>>, vector<16xi32>,
        %gather3A_584 = tpu.vector_load_idx %arg9[%and3A_574] : memref<10240xf32, #tpu.memory_space<vmem>>[vector<16xi32>], vector<16xf32>,
        %gather3A_585 = tpu.vector_load_idx %arg9[%shift_right_logical3A_577] : memref<10240xf32, #tpu.memory_space<vmem>>[vector<16xi32>], vector<16xf32>,
        %get3A_586 = arith.constant 0 : i32
        %get3A_587 = arith.index_cast %sub3A_374 : i32 to index
        %get3A_588 = arith.index_cast %get3A_586 : i32 to index
        %get3A_589 = arith.constant 80 : index
        %get3A_590 = tpu.vector_load %arg8[%get3A_587, %get3A_588, %get3A_589] {strides = array<i32>} : memref<2x1x128xf32, #tpu.memory_space<vmem>>, vector<16xf32>,
        %mul3A_591 = arith.mulf %get3A_590, %gather3A_584 : vector<16xf32>
        %mul3A_592 = arith.mulf %mul3A_591, %gather3A_585 : vector<16xf32>
        %swap3A_593 = arith.index_cast %sub3A_374 : i32 to index
        %swap3A_594 = arith.constant 80 : index
        %swap3A_595 = tpu.vector_load %arg12[%swap3A_593, %swap3A_594] {strides = array<i32>} : memref<2x128xf32, #tpu.memory_space<vmem>>, vector<16xf32>,
        tpu.vector_store %arg12[%swap3A_593, %swap3A_594], %mul3A_592 {strides = array<i32>} : memref<2x128xf32, #tpu.memory_space<vmem>>, vector<16xf32>,
        %get3A_596 = arith.constant 0 : i32
        %get3A_597 = arith.index_cast %sub3A_374 : i32 to index
        %get3A_598 = arith.index_cast %get3A_596 : i32 to index
        %get3A_599 = arith.constant 96 : index
        %get3A_600 = tpu.vector_load %arg7[%get3A_597, %get3A_598, %get3A_599] {strides = array<i32>} : memref<2x1x128xi32, #tpu.memory_space<vmem>>, vector<16xi32>,
        %and3A_601 = arith.constant 16383 : i32
        %and3A_602 = vector.broadcast %and3A_601 : i32 to vector<16xi32>
        %and3A_603 = arith.andi %get3A_600, %and3A_602 : vector<16xi32>
        %shift_right_logical3A_604 = arith.constant 14 : i32
        %shift_right_logical3A_605 = vector.broadcast %shift_right_logical3A_604 : i32 to vector<16xi32>
        %shift_right_logical3A_606 = arith.shrui %get3A_600, %shift_right_logical3A_605 : vector<16xi32>
        %swap3A_607 = arith.index_cast %sub3A_374 : i32 to index
        %swap3A_608 = arith.constant 96 : index
        %swap3A_609 = tpu.vector_load %arg10[%swap3A_607, %swap3A_608] {strides = array<i32>} : memref<2x128xi32, #tpu.memory_space<vmem>>, vector<16xi32>,
        tpu.vector_store %arg10[%swap3A_607, %swap3A_608], %and3A_603 {strides = array<i32>} : memref<2x128xi32, #tpu.memory_space<vmem>>, vector<16xi32>,
        %swap3A_610 = arith.index_cast %sub3A_374 : i32 to index
        %swap3A_611 = arith.constant 96 : index
        %swap3A_612 = tpu.vector_load %arg11[%swap3A_610, %swap3A_611] {strides = array<i32>} : memref<2x128xi32, #tpu.memory_space<vmem>>, vector<16xi32>,
        tpu.vector_store %arg11[%swap3A_610, %swap3A_611], %shift_right_logical3A_606 {strides = array<i32>} : memref<2x128xi32, #tpu.memory_space<vmem>>, vector<16xi32>,
        %gather3A_613 = tpu.vector_load_idx %arg9[%and3A_603] : memref<10240xf32, #tpu.memory_space<vmem>>[vector<16xi32>], vector<16xf32>,
        %gather3A_614 = tpu.vector_load_idx %arg9[%shift_right_logical3A_606] : memref<10240xf32, #tpu.memory_space<vmem>>[vector<16xi32>], vector<16xf32>,
        %get3A_615 = arith.constant 0 : i32
        %get3A_616 = arith.index_cast %sub3A_374 : i32 to index
        %get3A_617 = arith.index_cast %get3A_615 : i32 to index
        %get3A_618 = arith.constant 96 : index
        %get3A_619 = tpu.vector_load %arg8[%get3A_616, %get3A_617, %get3A_618] {strides = array<i32>} : memref<2x1x128xf32, #tpu.memory_space<vmem>>, vector<16xf32>,
        %mul3A_620 = arith.mulf %get3A_619, %gather3A_613 : vector<16xf32>
        %mul3A_621 = arith.mulf %mul3A_620, %gather3A_614 : vector<16xf32>
        %swap3A_622 = arith.index_cast %sub3A_374 : i32 to index
        %swap3A_623 = arith.constant 96 : index
        %swap3A_624 = tpu.vector_load %arg12[%swap3A_622, %swap3A_623] {strides = array<i32>} : memref<2x128xf32, #tpu.memory_space<vmem>>, vector<16xf32>,
        tpu.vector_store %arg12[%swap3A_622, %swap3A_623], %mul3A_621 {strides = array<i32>} : memref<2x128xf32, #tpu.memory_space<vmem>>, vector<16xf32>,
        %get3A_625 = arith.constant 0 : i32
        %get3A_626 = arith.index_cast %sub3A_374 : i32 to index
        %get3A_627 = arith.index_cast %get3A_625 : i32 to index
        %get3A_628 = arith.constant 112 : index
        %get3A_629 = tpu.vector_load %arg7[%get3A_626, %get3A_627, %get3A_628] {strides = array<i32>} : memref<2x1x128xi32, #tpu.memory_space<vmem>>, vector<16xi32>,
        %and3A_630 = arith.constant 16383 : i32
        %and3A_631 = vector.broadcast %and3A_630 : i32 to vector<16xi32>
        %and3A_632 = arith.andi %get3A_629, %and3A_631 : vector<16xi32>
        %shift_right_logical3A_633 = arith.constant 14 : i32
        %shift_right_logical3A_634 = vector.broadcast %shift_right_logical3A_633 : i32 to vector<16xi32>
        %shift_right_logical3A_635 = arith.shrui %get3A_629, %shift_right_logical3A_634 : vector<16xi32>
        %swap3A_636 = arith.index_cast %sub3A_374 : i32 to index
        %swap3A_637 = arith.constant 112 : index
        %swap3A_638 = tpu.vector_load %arg10[%swap3A_636, %swap3A_637] {strides = array<i32>} : memref<2x128xi32, #tpu.memory_space<vmem>>, vector<16xi32>,
        tpu.vector_store %arg10[%swap3A_636, %swap3A_637], %and3A_632 {strides = array<i32>} : memref<2x128xi32, #tpu.memory_space<vmem>>, vector<16xi32>,
        %swap3A_639 = arith.index_cast %sub3A_374 : i32 to index
        %swap3A_640 = arith.constant 112 : index
        %swap3A_641 = tpu.vector_load %arg11[%swap3A_639, %swap3A_640] {strides = array<i32>} : memref<2x128xi32, #tpu.memory_space<vmem>>, vector<16xi32>,
        tpu.vector_store %arg11[%swap3A_639, %swap3A_640], %shift_right_logical3A_635 {strides = array<i32>} : memref<2x128xi32, #tpu.memory_space<vmem>>, vector<16xi32>,
        %gather3A_642 = tpu.vector_load_idx %arg9[%and3A_632] : memref<10240xf32, #tpu.memory_space<vmem>>[vector<16xi32>], vector<16xf32>,
        %gather3A_643 = tpu.vector_load_idx %arg9[%shift_right_logical3A_635] : memref<10240xf32, #tpu.memory_space<vmem>>[vector<16xi32>], vector<16xf32>,
        %get3A_644 = arith.constant 0 : i32
        %get3A_645 = arith.index_cast %sub3A_374 : i32 to index
        %get3A_646 = arith.index_cast %get3A_644 : i32 to index
        %get3A_647 = arith.constant 112 : index
        %get3A_648 = tpu.vector_load %arg8[%get3A_645, %get3A_646, %get3A_647] {strides = array<i32>} : memref<2x1x128xf32, #tpu.memory_space<vmem>>, vector<16xf32>,
        %mul3A_649 = arith.mulf %get3A_648, %gather3A_642 : vector<16xf32>
        %mul3A_650 = arith.mulf %mul3A_649, %gather3A_643 : vector<16xf32>
        %swap3A_651 = arith.index_cast %sub3A_374 : i32 to index
        %swap3A_652 = arith.constant 112 : index
        %swap3A_653 = tpu.vector_load %arg12[%swap3A_651, %swap3A_652] {strides = array<i32>} : memref<2x128xf32, #tpu.memory_space<vmem>>, vector<16xf32>,
        tpu.vector_store %arg12[%swap3A_651, %swap3A_652], %mul3A_650 {strides = array<i32>} : memref<2x128xf32, #tpu.memory_space<vmem>>, vector<16xf32>,
        %dma_start3A_654 = arith.constant 0 : i32
        %dma_start3A_655 = arith.constant 0 : i32
        %dma_start3A_656 = tpu.memref_slice %arg13[%sub3A_374, %dma_start3A_654, %dma_start3A_655] : memref<2x128x128xf32, #tpu.memory_space<vmem>> -> memref<1x128x128xf32, #tpu.memory_space<vmem>>
        %dma_start3A_657 = tpu.memref_squeeze %dma_start3A_656 : memref<1x128x128xf32, #tpu.memory_space<vmem>> -> memref<128x128xf32, #tpu.memory_space<vmem>>
        %dma_start3A_658 = arith.constant 0 : i32
        %dma_start3A_659 = tpu.memref_slice %arg10[%sub3A_374, %dma_start3A_658] : memref<2x128xi32, #tpu.memory_space<vmem>> -> memref<1x128xi32, #tpu.memory_space<vmem>>
        %dma_start3A_660 = tpu.memref_squeeze %dma_start3A_659 : memref<1x128xi32, #tpu.memory_space<vmem>> -> memref<128xi32, #tpu.memory_space<vmem>>
        %dma_start3A_661 = arith.constant 0 : i32
        %dma_start3A_662 = arith.constant 0 : i32
        %dma_start3A_663 = tpu.memref_slice %arg5[%dma_start3A_661, %dma_start3A_662] : memref<10240x128xf32, #tpu.memory_space<hbm>> -> memref<10240x128xf32, #tpu.memory_space<hbm>>
        %dma_start3A_664 = tpu.memref_slice %arg15[%sub3A_374] : memref<2x!tpu.dma_semaphore, #tpu.memory_space<semaphore_mem>> -> memref<1x!tpu.dma_semaphore, #tpu.memory_space<semaphore_mem>>
        %dma_start3A_665 = tpu.memref_squeeze %dma_start3A_664 : memref<1x!tpu.dma_semaphore, #tpu.memory_space<semaphore_mem>> -> memref<!tpu.dma_semaphore, #tpu.memory_space<semaphore_mem>>
        tpu.enqueue_indirect_dma source(%dma_start3A_663 : memref<10240x128xf32, #tpu.memory_space<hbm>>) target(%dma_start3A_657 : memref<128x128xf32, #tpu.memory_space<vmem>>) offsets(%dma_start3A_660 : memref<128xi32, #tpu.memory_space<vmem>>) semaphore(%dma_start3A_665 : memref<!tpu.dma_semaphore, #tpu.memory_space<semaphore_mem>>)
      } else {
      }
      %dma_wait3A_386 = arith.constant 0 : i32
      %dma_wait3A_387 = arith.constant 0 : i32
      %dma_wait3A_388 = tpu.memref_slice %arg13[%rem3A_373, %dma_wait3A_386, %dma_wait3A_387] : memref<2x128x128xf32, #tpu.memory_space<vmem>> -> memref<1x128x128xf32, #tpu.memory_space<vmem>>
      %dma_wait3A_389 = tpu.memref_squeeze %dma_wait3A_388 : memref<1x128x128xf32, #tpu.memory_space<vmem>> -> memref<128x128xf32, #tpu.memory_space<vmem>>
      %dma_wait3A_390 = arith.constant 0 : i32
      %dma_wait3A_391 = tpu.memref_slice %arg10[%rem3A_373, %dma_wait3A_390] : memref<2x128xi32, #tpu.memory_space<vmem>> -> memref<1x128xi32, #tpu.memory_space<vmem>>
      %dma_wait3A_392 = tpu.memref_squeeze %dma_wait3A_391 : memref<1x128xi32, #tpu.memory_space<vmem>> -> memref<128xi32, #tpu.memory_space<vmem>>
      %dma_wait3A_393 = arith.constant 0 : i32
      %dma_wait3A_394 = arith.constant 0 : i32
      %dma_wait3A_395 = tpu.memref_slice %arg5[%dma_wait3A_393, %dma_wait3A_394] : memref<10240x128xf32, #tpu.memory_space<hbm>> -> memref<10240x128xf32, #tpu.memory_space<hbm>>
      %dma_wait3A_396 = tpu.memref_slice %arg15[%rem3A_373] : memref<2x!tpu.dma_semaphore, #tpu.memory_space<semaphore_mem>> -> memref<1x!tpu.dma_semaphore, #tpu.memory_space<semaphore_mem>>
      %dma_wait3A_397 = tpu.memref_squeeze %dma_wait3A_396 : memref<1x!tpu.dma_semaphore, #tpu.memory_space<semaphore_mem>> -> memref<!tpu.dma_semaphore, #tpu.memory_space<semaphore_mem>>
      tpu.wait_indirect_dma semaphore(%dma_wait3A_397 : memref<!tpu.dma_semaphore, #tpu.memory_space<semaphore_mem>>) src(%dma_wait3A_395 : memref<10240x128xf32, #tpu.memory_space<hbm>>) dst(%dma_wait3A_389 : memref<128x128xf32, #tpu.memory_space<vmem>>)
      %scan3A_398 = arith.constant 0 : i32
      %scan3A_399 = arith.constant 0 : i32
      %scan3A_400 = arith.constant 32 : i32
      %scan3A_401 = arith.addi %scan3A_399, %scan3A_400 : i32
      %scan3A_402 = arith.constant 1 : i32
      %scan3A_403 = scf.for %scan3A_418 = %scan3A_399 to %scan3A_401 step %scan3A_402 iter_args(%scan3A_419 = %scan3A_398) -> (i32)  : i32 {
        %mul3A_420 = arith.constant 4 : i32
        %mul3A_421 = arith.muli %scan3A_418, %mul3A_420 : i32
        %add3A_422 = arith.constant 0 : i32
        %add3A_423 = arith.addi %mul3A_421, %add3A_422 : i32
        %broadcast_in_dim3A = vector.broadcast %rem3A_373 : i32 to vector<16xi32>
        %broadcast_in_dim3A_424 = vector.broadcast %add3A_423 : i32 to vector<16xi32>
        %gather3A_425 = tpu.vector_load_idx %arg12[%broadcast_in_dim3A, %broadcast_in_dim3A_424] : memref<2x128xf32, #tpu.memory_space<vmem>>[vector<16xi32>, vector<16xi32>], vector<16xf32>,
        %get3A_426 = arith.index_cast %rem3A_373 : i32 to index
        %get3A_427 = arith.index_cast %add3A_423 : i32 to index
        %get3A_428 = arith.constant 0 : index
        %get3A_429 = tpu.vector_load %arg13[%get3A_426, %get3A_427, %get3A_428] {strides = array<i32>} : memref<2x128x128xf32, #tpu.memory_space<vmem>>, vector<16xf32>,
        %mul3A_430 = arith.mulf %get3A_429, %gather3A_425 : vector<16xf32>
        %swap3A_431 = arith.index_cast %rem3A_373 : i32 to index
        %swap3A_432 = arith.index_cast %add3A_423 : i32 to index
        %swap3A_433 = arith.constant 0 : index
        %swap3A_434 = tpu.vector_load %arg13[%swap3A_431, %swap3A_432, %swap3A_433] {strides = array<i32>} : memref<2x128x128xf32, #tpu.memory_space<vmem>>, vector<16xf32>,
        tpu.vector_store %arg13[%swap3A_431, %swap3A_432, %swap3A_433], %mul3A_430 {strides = array<i32>} : memref<2x128x128xf32, #tpu.memory_space<vmem>>, vector<16xf32>,
        %get3A_435 = arith.index_cast %rem3A_373 : i32 to index
        %get3A_436 = arith.index_cast %add3A_423 : i32 to index
        %get3A_437 = arith.constant 16 : index
        %get3A_438 = tpu.vector_load %arg13[%get3A_435, %get3A_436, %get3A_437] {strides = array<i32>} : memref<2x128x128xf32, #tpu.memory_space<vmem>>, vector<16xf32>,
        %mul3A_439 = arith.mulf %get3A_438, %gather3A_425 : vector<16xf32>
        %swap3A_440 = arith.index_cast %rem3A_373 : i32 to index
        %swap3A_441 = arith.index_cast %add3A_423 : i32 to index
        %swap3A_442 = arith.constant 16 : index
        %swap3A_443 = tpu.vector_load %arg13[%swap3A_440, %swap3A_441, %swap3A_442] {strides = array<i32>} : memref<2x128x128xf32, #tpu.memory_space<vmem>>, vector<16xf32>,
        tpu.vector_store %arg13[%swap3A_440, %swap3A_441, %swap3A_442], %mul3A_439 {strides = array<i32>} : memref<2x128x128xf32, #tpu.memory_space<vmem>>, vector<16xf32>,
        %get3A_444 = arith.index_cast %rem3A_373 : i32 to index
        %get3A_445 = arith.index_cast %add3A_423 : i32 to index
        %get3A_446 = arith.constant 32 : index
        %get3A_447 = tpu.vector_load %arg13[%get3A_444, %get3A_445, %get3A_446] {strides = array<i32>} : memref<2x128x128xf32, #tpu.memory_space<vmem>>, vector<16xf32>,
        %mul3A_448 = arith.mulf %get3A_447, %gather3A_425 : vector<16xf32>
        %swap3A_449 = arith.index_cast %rem3A_373 : i32 to index
        %swap3A_450 = arith.index_cast %add3A_423 : i32 to index
        %swap3A_451 = arith.constant 32 : index
        %swap3A_452 = tpu.vector_load %arg13[%swap3A_449, %swap3A_450, %swap3A_451] {strides = array<i32>} : memref<2x128x128xf32, #tpu.memory_space<vmem>>, vector<16xf32>,
        tpu.vector_store %arg13[%swap3A_449, %swap3A_450, %swap3A_451], %mul3A_448 {strides = array<i32>} : memref<2x128x128xf32, #tpu.memory_space<vmem>>, vector<16xf32>,
        %get3A_453 = arith.index_cast %rem3A_373 : i32 to index
        %get3A_454 = arith.index_cast %add3A_423 : i32 to index
        %get3A_455 = arith.constant 48 : index
        %get3A_456 = tpu.vector_load %arg13[%get3A_453, %get3A_454, %get3A_455] {strides = array<i32>} : memref<2x128x128xf32, #tpu.memory_space<vmem>>, vector<16xf32>,
        %mul3A_457 = arith.mulf %get3A_456, %gather3A_425 : vector<16xf32>
        %swap3A_458 = arith.index_cast %rem3A_373 : i32 to index
        %swap3A_459 = arith.index_cast %add3A_423 : i32 to index
        %swap3A_460 = arith.constant 48 : index
        %swap3A_461 = tpu.vector_load %arg13[%swap3A_458, %swap3A_459, %swap3A_460] {strides = array<i32>} : memref<2x128x128xf32, #tpu.memory_space<vmem>>, vector<16xf32>,
        tpu.vector_store %arg13[%swap3A_458, %swap3A_459, %swap3A_460], %mul3A_457 {strides = array<i32>} : memref<2x128x128xf32, #tpu.memory_space<vmem>>, vector<16xf32>,
        %get3A_462 = arith.index_cast %rem3A_373 : i32 to index
        %get3A_463 = arith.index_cast %add3A_423 : i32 to index
        %get3A_464 = arith.constant 64 : index
        %get3A_465 = tpu.vector_load %arg13[%get3A_462, %get3A_463, %get3A_464] {strides = array<i32>} : memref<2x128x128xf32, #tpu.memory_space<vmem>>, vector<16xf32>,
        %mul3A_466 = arith.mulf %get3A_465, %gather3A_425 : vector<16xf32>
        %swap3A_467 = arith.index_cast %rem3A_373 : i32 to index
        %swap3A_468 = arith.index_cast %add3A_423 : i32 to index
        %swap3A_469 = arith.constant 64 : index
        %swap3A_470 = tpu.vector_load %arg13[%swap3A_467, %swap3A_468, %swap3A_469] {strides = array<i32>} : memref<2x128x128xf32, #tpu.memory_space<vmem>>, vector<16xf32>,
        tpu.vector_store %arg13[%swap3A_467, %swap3A_468, %swap3A_469], %mul3A_466 {strides = array<i32>} : memref<2x128x128xf32, #tpu.memory_space<vmem>>, vector<16xf32>,
        %get3A_471 = arith.index_cast %rem3A_373 : i32 to index
        %get3A_472 = arith.index_cast %add3A_423 : i32 to index
        %get3A_473 = arith.constant 80 : index
        %get3A_474 = tpu.vector_load %arg13[%get3A_471, %get3A_472, %get3A_473] {strides = array<i32>} : memref<2x128x128xf32, #tpu.memory_space<vmem>>, vector<16xf32>,
        %mul3A_475 = arith.mulf %get3A_474, %gather3A_425 : vector<16xf32>
        %swap3A_476 = arith.index_cast %rem3A_373 : i32 to index
        %swap3A_477 = arith.index_cast %add3A_423 : i32 to index
        %swap3A_478 = arith.constant 80 : index
        %swap3A_479 = tpu.vector_load %arg13[%swap3A_476, %swap3A_477, %swap3A_478] {strides = array<i32>} : memref<2x128x128xf32, #tpu.memory_space<vmem>>, vector<16xf32>,
        tpu.vector_store %arg13[%swap3A_476, %swap3A_477, %swap3A_478], %mul3A_475 {strides = array<i32>} : memref<2x128x128xf32, #tpu.memory_space<vmem>>, vector<16xf32>,
        %get3A_480 = arith.index_cast %rem3A_373 : i32 to index
        %get3A_481 = arith.index_cast %add3A_423 : i32 to index
        %get3A_482 = arith.constant 96 : index
        %get3A_483 = tpu.vector_load %arg13[%get3A_480, %get3A_481, %get3A_482] {strides = array<i32>} : memref<2x128x128xf32, #tpu.memory_space<vmem>>, vector<16xf32>,
        %mul3A_484 = arith.mulf %get3A_483, %gather3A_425 : vector<16xf32>
        %swap3A_485 = arith.index_cast %rem3A_373 : i32 to index
        %swap3A_486 = arith.index_cast %add3A_423 : i32 to index
        %swap3A_487 = arith.constant 96 : index
        %swap3A_488 = tpu.vector_load %arg13[%swap3A_485, %swap3A_486, %swap3A_487] {strides = array<i32>} : memref<2x128x128xf32, #tpu.memory_space<vmem>>, vector<16xf32>,
        tpu.vector_store %arg13[%swap3A_485, %swap3A_486, %swap3A_487], %mul3A_484 {strides = array<i32>} : memref<2x128x128xf32, #tpu.memory_space<vmem>>, vector<16xf32>,
        %get3A_489 = arith.index_cast %rem3A_373 : i32 to index
        %get3A_490 = arith.index_cast %add3A_423 : i32 to index
        %get3A_491 = arith.constant 112 : index
        %get3A_492 = tpu.vector_load %arg13[%get3A_489, %get3A_490, %get3A_491] {strides = array<i32>} : memref<2x128x128xf32, #tpu.memory_space<vmem>>, vector<16xf32>,
        %mul3A_493 = arith.mulf %get3A_492, %gather3A_425 : vector<16xf32>
        %swap3A_494 = arith.index_cast %rem3A_373 : i32 to index
        %swap3A_495 = arith.index_cast %add3A_423 : i32 to index
        %swap3A_496 = arith.constant 112 : index
        %swap3A_497 = tpu.vector_load %arg13[%swap3A_494, %swap3A_495, %swap3A_496] {strides = array<i32>} : memref<2x128x128xf32, #tpu.memory_space<vmem>>, vector<16xf32>,
        tpu.vector_store %arg13[%swap3A_494, %swap3A_495, %swap3A_496], %mul3A_493 {strides = array<i32>} : memref<2x128x128xf32, #tpu.memory_space<vmem>>, vector<16xf32>,
        %mul3A_498 = arith.constant 4 : i32
        %mul3A_499 = arith.muli %scan3A_418, %mul3A_498 : i32
        %add3A_500 = arith.constant 1 : i32
        %add3A_501 = arith.addi %mul3A_499, %add3A_500 : i32
        %broadcast_in_dim3A_502 = vector.broadcast %rem3A_373 : i32 to vector<16xi32>
        %broadcast_in_dim3A_503 = vector.broadcast %add3A_501 : i32 to vector<16xi32>
        %gather3A_504 = tpu.vector_load_idx %arg12[%broadcast_in_dim3A_502, %broadcast_in_dim3A_503] : memref<2x128xf32, #tpu.memory_space<vmem>>[vector<16xi32>, vector<16xi32>], vector<16xf32>,
        %get3A_505 = arith.index_cast %rem3A_373 : i32 to index
        %get3A_506 = arith.index_cast %add3A_501 : i32 to index
        %get3A_507 = arith.constant 0 : index
        %get3A_508 = tpu.vector_load %arg13[%get3A_505, %get3A_506, %get3A_507] {strides = array<i32>} : memref<2x128x128xf32, #tpu.memory_space<vmem>>, vector<16xf32>,
        %mul3A_509 = arith.mulf %get3A_508, %gather3A_504 : vector<16xf32>
        %swap3A_510 = arith.index_cast %rem3A_373 : i32 to index
        %swap3A_511 = arith.index_cast %add3A_501 : i32 to index
        %swap3A_512 = arith.constant 0 : index
        %swap3A_513 = tpu.vector_load %arg13[%swap3A_510, %swap3A_511, %swap3A_512] {strides = array<i32>} : memref<2x128x128xf32, #tpu.memory_space<vmem>>, vector<16xf32>,
        tpu.vector_store %arg13[%swap3A_510, %swap3A_511, %swap3A_512], %mul3A_509 {strides = array<i32>} : memref<2x128x128xf32, #tpu.memory_space<vmem>>, vector<16xf32>,
        %get3A_514 = arith.index_cast %rem3A_373 : i32 to index
        %get3A_515 = arith.index_cast %add3A_501 : i32 to index
        %get3A_516 = arith.constant 16 : index
        %get3A_517 = tpu.vector_load %arg13[%get3A_514, %get3A_515, %get3A_516] {strides = array<i32>} : memref<2x128x128xf32, #tpu.memory_space<vmem>>, vector<16xf32>,
        %mul3A_518 = arith.mulf %get3A_517, %gather3A_504 : vector<16xf32>
        %swap3A_519 = arith.index_cast %rem3A_373 : i32 to index
        %swap3A_520 = arith.index_cast %add3A_501 : i32 to index
        %swap3A_521 = arith.constant 16 : index
        %swap3A_522 = tpu.vector_load %arg13[%swap3A_519, %swap3A_520, %swap3A_521] {strides = array<i32>} : memref<2x128x128xf32, #tpu.memory_space<vmem>>, vector<16xf32>,
        tpu.vector_store %arg13[%swap3A_519, %swap3A_520, %swap3A_521], %mul3A_518 {strides = array<i32>} : memref<2x128x128xf32, #tpu.memory_space<vmem>>, vector<16xf32>,
        %get3A_523 = arith.index_cast %rem3A_373 : i32 to index
        %get3A_524 = arith.index_cast %add3A_501 : i32 to index
        %get3A_525 = arith.constant 32 : index
        %get3A_526 = tpu.vector_load %arg13[%get3A_523, %get3A_524, %get3A_525] {strides = array<i32>} : memref<2x128x128xf32, #tpu.memory_space<vmem>>, vector<16xf32>,
        %mul3A_527 = arith.mulf %get3A_526, %gather3A_504 : vector<16xf32>
        %swap3A_528 = arith.index_cast %rem3A_373 : i32 to index
        %swap3A_529 = arith.index_cast %add3A_501 : i32 to index
        %swap3A_530 = arith.constant 32 : index
        %swap3A_531 = tpu.vector_load %arg13[%swap3A_528, %swap3A_529, %swap3A_530] {strides = array<i32>} : memref<2x128x128xf32, #tpu.memory_space<vmem>>, vector<16xf32>,
        tpu.vector_store %arg13[%swap3A_528, %swap3A_529, %swap3A_530], %mul3A_527 {strides = array<i32>} : memref<2x128x128xf32, #tpu.memory_space<vmem>>, vector<16xf32>,
        %get3A_532 = arith.index_cast %rem3A_373 : i32 to index
        %get3A_533 = arith.index_cast %add3A_501 : i32 to index
        %get3A_534 = arith.constant 48 : index
        %get3A_535 = tpu.vector_load %arg13[%get3A_532, %get3A_533, %get3A_534] {strides = array<i32>} : memref<2x128x128xf32, #tpu.memory_space<vmem>>, vector<16xf32>,
        %mul3A_536 = arith.mulf %get3A_535, %gather3A_504 : vector<16xf32>
        %swap3A_537 = arith.index_cast %rem3A_373 : i32 to index
        %swap3A_538 = arith.index_cast %add3A_501 : i32 to index
        %swap3A_539 = arith.constant 48 : index
        %swap3A_540 = tpu.vector_load %arg13[%swap3A_537, %swap3A_538, %swap3A_539] {strides = array<i32>} : memref<2x128x128xf32, #tpu.memory_space<vmem>>, vector<16xf32>,
        tpu.vector_store %arg13[%swap3A_537, %swap3A_538, %swap3A_539], %mul3A_536 {strides = array<i32>} : memref<2x128x128xf32, #tpu.memory_space<vmem>>, vector<16xf32>,
        %get3A_541 = arith.index_cast %rem3A_373 : i32 to index
        %get3A_542 = arith.index_cast %add3A_501 : i32 to index
        %get3A_543 = arith.constant 64 : index
        %get3A_544 = tpu.vector_load %arg13[%get3A_541, %get3A_542, %get3A_543] {strides = array<i32>} : memref<2x128x128xf32, #tpu.memory_space<vmem>>, vector<16xf32>,
        %mul3A_545 = arith.mulf %get3A_544, %gather3A_504 : vector<16xf32>
        %swap3A_546 = arith.index_cast %rem3A_373 : i32 to index
        %swap3A_547 = arith.index_cast %add3A_501 : i32 to index
        %swap3A_548 = arith.constant 64 : index
        %swap3A_549 = tpu.vector_load %arg13[%swap3A_546, %swap3A_547, %swap3A_548] {strides = array<i32>} : memref<2x128x128xf32, #tpu.memory_space<vmem>>, vector<16xf32>,
        tpu.vector_store %arg13[%swap3A_546, %swap3A_547, %swap3A_548], %mul3A_545 {strides = array<i32>} : memref<2x128x128xf32, #tpu.memory_space<vmem>>, vector<16xf32>,
        %get3A_550 = arith.index_cast %rem3A_373 : i32 to index
        %get3A_551 = arith.index_cast %add3A_501 : i32 to index
        %get3A_552 = arith.constant 80 : index
        %get3A_553 = tpu.vector_load %arg13[%get3A_550, %get3A_551, %get3A_552] {strides = array<i32>} : memref<2x128x128xf32, #tpu.memory_space<vmem>>, vector<16xf32>,
        %mul3A_554 = arith.mulf %get3A_553, %gather3A_504 : vector<16xf32>
        %swap3A_555 = arith.index_cast %rem3A_373 : i32 to index
        %swap3A_556 = arith.index_cast %add3A_501 : i32 to index
        %swap3A_557 = arith.constant 80 : index
        %swap3A_558 = tpu.vector_load %arg13[%swap3A_555, %swap3A_556, %swap3A_557] {strides = array<i32>} : memref<2x128x128xf32, #tpu.memory_space<vmem>>, vector<16xf32>,
        tpu.vector_store %arg13[%swap3A_555, %swap3A_556, %swap3A_557], %mul3A_554 {strides = array<i32>} : memref<2x128x128xf32, #tpu.memory_space<vmem>>, vector<16xf32>,
        %get3A_559 = arith.index_cast %rem3A_373 : i32 to index
        %get3A_560 = arith.index_cast %add3A_501 : i32 to index
        %get3A_561 = arith.constant 96 : index
        %get3A_562 = tpu.vector_load %arg13[%get3A_559, %get3A_560, %get3A_561] {strides = array<i32>} : memref<2x128x128xf32, #tpu.memory_space<vmem>>, vector<16xf32>,
        %mul3A_563 = arith.mulf %get3A_562, %gather3A_504 : vector<16xf32>
        %swap3A_564 = arith.index_cast %rem3A_373 : i32 to index
        %swap3A_565 = arith.index_cast %add3A_501 : i32 to index
        %swap3A_566 = arith.constant 96 : index
        %swap3A_567 = tpu.vector_load %arg13[%swap3A_564, %swap3A_565, %swap3A_566] {strides = array<i32>} : memref<2x128x128xf32, #tpu.memory_space<vmem>>, vector<16xf32>,
        tpu.vector_store %arg13[%swap3A_564, %swap3A_565, %swap3A_566], %mul3A_563 {strides = array<i32>} : memref<2x128x128xf32, #tpu.memory_space<vmem>>, vector<16xf32>,
        %get3A_568 = arith.index_cast %rem3A_373 : i32 to index
        %get3A_569 = arith.index_cast %add3A_501 : i32 to index
        %get3A_570 = arith.constant 112 : index
        %get3A_571 = tpu.vector_load %arg13[%get3A_568, %get3A_569, %get3A_570] {strides = array<i32>} : memref<2x128x128xf32, #tpu.memory_space<vmem>>, vector<16xf32>,
        %mul3A_572 = arith.mulf %get3A_571, %gather3A_504 : vector<16xf32>
        %swap3A_573 = arith.index_cast %rem3A_373 : i32 to index
        %swap3A_574 = arith.index_cast %add3A_501 : i32 to index
        %swap3A_575 = arith.constant 112 : index
        %swap3A_576 = tpu.vector_load %arg13[%swap3A_573, %swap3A_574, %swap3A_575] {strides = array<i32>} : memref<2x128x128xf32, #tpu.memory_space<vmem>>, vector<16xf32>,
        tpu.vector_store %arg13[%swap3A_573, %swap3A_574, %swap3A_575], %mul3A_572 {strides = array<i32>} : memref<2x128x128xf32, #tpu.memory_space<vmem>>, vector<16xf32>,
        %mul3A_577 = arith.constant 4 : i32
        %mul3A_578 = arith.muli %scan3A_418, %mul3A_577 : i32
        %add3A_579 = arith.constant 2 : i32
        %add3A_580 = arith.addi %mul3A_578, %add3A_579 : i32
        %broadcast_in_dim3A_581 = vector.broadcast %rem3A_373 : i32 to vector<16xi32>
        %broadcast_in_dim3A_582 = vector.broadcast %add3A_580 : i32 to vector<16xi32>
        %gather3A_583 = tpu.vector_load_idx %arg12[%broadcast_in_dim3A_581, %broadcast_in_dim3A_582] : memref<2x128xf32, #tpu.memory_space<vmem>>[vector<16xi32>, vector<16xi32>], vector<16xf32>,
        %get3A_584 = arith.index_cast %rem3A_373 : i32 to index
        %get3A_585 = arith.index_cast %add3A_580 : i32 to index
        %get3A_586 = arith.constant 0 : index
        %get3A_587 = tpu.vector_load %arg13[%get3A_584, %get3A_585, %get3A_586] {strides = array<i32>} : memref<2x128x128xf32, #tpu.memory_space<vmem>>, vector<16xf32>,
        %mul3A_588 = arith.mulf %get3A_587, %gather3A_583 : vector<16xf32>
        %swap3A_589 = arith.index_cast %rem3A_373 : i32 to index
        %swap3A_590 = arith.index_cast %add3A_580 : i32 to index
        %swap3A_591 = arith.constant 0 : index
        %swap3A_592 = tpu.vector_load %arg13[%swap3A_589, %swap3A_590, %swap3A_591] {strides = array<i32>} : memref<2x128x128xf32, #tpu.memory_space<vmem>>, vector<16xf32>,
        tpu.vector_store %arg13[%swap3A_589, %swap3A_590, %swap3A_591], %mul3A_588 {strides = array<i32>} : memref<2x128x128xf32, #tpu.memory_space<vmem>>, vector<16xf32>,
        %get3A_593 = arith.index_cast %rem3A_373 : i32 to index
        %get3A_594 = arith.index_cast %add3A_580 : i32 to index
        %get3A_595 = arith.constant 16 : index
        %get3A_596 = tpu.vector_load %arg13[%get3A_593, %get3A_594, %get3A_595] {strides = array<i32>} : memref<2x128x128xf32, #tpu.memory_space<vmem>>, vector<16xf32>,
        %mul3A_597 = arith.mulf %get3A_596, %gather3A_583 : vector<16xf32>
        %swap3A_598 = arith.index_cast %rem3A_373 : i32 to index
        %swap3A_599 = arith.index_cast %add3A_580 : i32 to index
        %swap3A_600 = arith.constant 16 : index
        %swap3A_601 = tpu.vector_load %arg13[%swap3A_598, %swap3A_599, %swap3A_600] {strides = array<i32>} : memref<2x128x128xf32, #tpu.memory_space<vmem>>, vector<16xf32>,
        tpu.vector_store %arg13[%swap3A_598, %swap3A_599, %swap3A_600], %mul3A_597 {strides = array<i32>} : memref<2x128x128xf32, #tpu.memory_space<vmem>>, vector<16xf32>,
        %get3A_602 = arith.index_cast %rem3A_373 : i32 to index
        %get3A_603 = arith.index_cast %add3A_580 : i32 to index
        %get3A_604 = arith.constant 32 : index
        %get3A_605 = tpu.vector_load %arg13[%get3A_602, %get3A_603, %get3A_604] {strides = array<i32>} : memref<2x128x128xf32, #tpu.memory_space<vmem>>, vector<16xf32>,
        %mul3A_606 = arith.mulf %get3A_605, %gather3A_583 : vector<16xf32>
        %swap3A_607 = arith.index_cast %rem3A_373 : i32 to index
        %swap3A_608 = arith.index_cast %add3A_580 : i32 to index
        %swap3A_609 = arith.constant 32 : index
        %swap3A_610 = tpu.vector_load %arg13[%swap3A_607, %swap3A_608, %swap3A_609] {strides = array<i32>} : memref<2x128x128xf32, #tpu.memory_space<vmem>>, vector<16xf32>,
        tpu.vector_store %arg13[%swap3A_607, %swap3A_608, %swap3A_609], %mul3A_606 {strides = array<i32>} : memref<2x128x128xf32, #tpu.memory_space<vmem>>, vector<16xf32>,
        %get3A_611 = arith.index_cast %rem3A_373 : i32 to index
        %get3A_612 = arith.index_cast %add3A_580 : i32 to index
        %get3A_613 = arith.constant 48 : index
        %get3A_614 = tpu.vector_load %arg13[%get3A_611, %get3A_612, %get3A_613] {strides = array<i32>} : memref<2x128x128xf32, #tpu.memory_space<vmem>>, vector<16xf32>,
        %mul3A_615 = arith.mulf %get3A_614, %gather3A_583 : vector<16xf32>
        %swap3A_616 = arith.index_cast %rem3A_373 : i32 to index
        %swap3A_617 = arith.index_cast %add3A_580 : i32 to index
        %swap3A_618 = arith.constant 48 : index
        %swap3A_619 = tpu.vector_load %arg13[%swap3A_616, %swap3A_617, %swap3A_618] {strides = array<i32>} : memref<2x128x128xf32, #tpu.memory_space<vmem>>, vector<16xf32>,
        tpu.vector_store %arg13[%swap3A_616, %swap3A_617, %swap3A_618], %mul3A_615 {strides = array<i32>} : memref<2x128x128xf32, #tpu.memory_space<vmem>>, vector<16xf32>,
        %get3A_620 = arith.index_cast %rem3A_373 : i32 to index
        %get3A_621 = arith.index_cast %add3A_580 : i32 to index
        %get3A_622 = arith.constant 64 : index
        %get3A_623 = tpu.vector_load %arg13[%get3A_620, %get3A_621, %get3A_622] {strides = array<i32>} : memref<2x128x128xf32, #tpu.memory_space<vmem>>, vector<16xf32>,
        %mul3A_624 = arith.mulf %get3A_623, %gather3A_583 : vector<16xf32>
        %swap3A_625 = arith.index_cast %rem3A_373 : i32 to index
        %swap3A_626 = arith.index_cast %add3A_580 : i32 to index
        %swap3A_627 = arith.constant 64 : index
        %swap3A_628 = tpu.vector_load %arg13[%swap3A_625, %swap3A_626, %swap3A_627] {strides = array<i32>} : memref<2x128x128xf32, #tpu.memory_space<vmem>>, vector<16xf32>,
        tpu.vector_store %arg13[%swap3A_625, %swap3A_626, %swap3A_627], %mul3A_624 {strides = array<i32>} : memref<2x128x128xf32, #tpu.memory_space<vmem>>, vector<16xf32>,
        %get3A_629 = arith.index_cast %rem3A_373 : i32 to index
        %get3A_630 = arith.index_cast %add3A_580 : i32 to index
        %get3A_631 = arith.constant 80 : index
        %get3A_632 = tpu.vector_load %arg13[%get3A_629, %get3A_630, %get3A_631] {strides = array<i32>} : memref<2x128x128xf32, #tpu.memory_space<vmem>>, vector<16xf32>,
        %mul3A_633 = arith.mulf %get3A_632, %gather3A_583 : vector<16xf32>
        %swap3A_634 = arith.index_cast %rem3A_373 : i32 to index
        %swap3A_635 = arith.index_cast %add3A_580 : i32 to index
        %swap3A_636 = arith.constant 80 : index
        %swap3A_637 = tpu.vector_load %arg13[%swap3A_634, %swap3A_635, %swap3A_636] {strides = array<i32>} : memref<2x128x128xf32, #tpu.memory_space<vmem>>, vector<16xf32>,
        tpu.vector_store %arg13[%swap3A_634, %swap3A_635, %swap3A_636], %mul3A_633 {strides = array<i32>} : memref<2x128x128xf32, #tpu.memory_space<vmem>>, vector<16xf32>,
        %get3A_638 = arith.index_cast %rem3A_373 : i32 to index
        %get3A_639 = arith.index_cast %add3A_580 : i32 to index
        %get3A_640 = arith.constant 96 : index
        %get3A_641 = tpu.vector_load %arg13[%get3A_638, %get3A_639, %get3A_640] {strides = array<i32>} : memref<2x128x128xf32, #tpu.memory_space<vmem>>, vector<16xf32>,
        %mul3A_642 = arith.mulf %get3A_641, %gather3A_583 : vector<16xf32>
        %swap3A_643 = arith.index_cast %rem3A_373 : i32 to index
        %swap3A_644 = arith.index_cast %add3A_580 : i32 to index
        %swap3A_645 = arith.constant 96 : index
        %swap3A_646 = tpu.vector_load %arg13[%swap3A_643, %swap3A_644, %swap3A_645] {strides = array<i32>} : memref<2x128x128xf32, #tpu.memory_space<vmem>>, vector<16xf32>,
        tpu.vector_store %arg13[%swap3A_643, %swap3A_644, %swap3A_645], %mul3A_642 {strides = array<i32>} : memref<2x128x128xf32, #tpu.memory_space<vmem>>, vector<16xf32>,
        %get3A_647 = arith.index_cast %rem3A_373 : i32 to index
        %get3A_648 = arith.index_cast %add3A_580 : i32 to index
        %get3A_649 = arith.constant 112 : index
        %get3A_650 = tpu.vector_load %arg13[%get3A_647, %get3A_648, %get3A_649] {strides = array<i32>} : memref<2x128x128xf32, #tpu.memory_space<vmem>>, vector<16xf32>,
        %mul3A_651 = arith.mulf %get3A_650, %gather3A_583 : vector<16xf32>
        %swap3A_652 = arith.index_cast %rem3A_373 : i32 to index
        %swap3A_653 = arith.index_cast %add3A_580 : i32 to index
        %swap3A_654 = arith.constant 112 : index
        %swap3A_655 = tpu.vector_load %arg13[%swap3A_652, %swap3A_653, %swap3A_654] {strides = array<i32>} : memref<2x128x128xf32, #tpu.memory_space<vmem>>, vector<16xf32>,
        tpu.vector_store %arg13[%swap3A_652, %swap3A_653, %swap3A_654], %mul3A_651 {strides = array<i32>} : memref<2x128x128xf32, #tpu.memory_space<vmem>>, vector<16xf32>,
        %mul3A_656 = arith.constant 4 : i32
        %mul3A_657 = arith.muli %scan3A_418, %mul3A_656 : i32
        %add3A_658 = arith.constant 3 : i32
        %add3A_659 = arith.addi %mul3A_657, %add3A_658 : i32
        %broadcast_in_dim3A_660 = vector.broadcast %rem3A_373 : i32 to vector<16xi32>
        %broadcast_in_dim3A_661 = vector.broadcast %add3A_659 : i32 to vector<16xi32>
        %gather3A_662 = tpu.vector_load_idx %arg12[%broadcast_in_dim3A_660, %broadcast_in_dim3A_661] : memref<2x128xf32, #tpu.memory_space<vmem>>[vector<16xi32>, vector<16xi32>], vector<16xf32>,
        %get3A_663 = arith.index_cast %rem3A_373 : i32 to index
        %get3A_664 = arith.index_cast %add3A_659 : i32 to index
        %get3A_665 = arith.constant 0 : index
        %get3A_666 = tpu.vector_load %arg13[%get3A_663, %get3A_664, %get3A_665] {strides = array<i32>} : memref<2x128x128xf32, #tpu.memory_space<vmem>>, vector<16xf32>,
        %mul3A_667 = arith.mulf %get3A_666, %gather3A_662 : vector<16xf32>
        %swap3A_668 = arith.index_cast %rem3A_373 : i32 to index
        %swap3A_669 = arith.index_cast %add3A_659 : i32 to index
        %swap3A_670 = arith.constant 0 : index
        %swap3A_671 = tpu.vector_load %arg13[%swap3A_668, %swap3A_669, %swap3A_670] {strides = array<i32>} : memref<2x128x128xf32, #tpu.memory_space<vmem>>, vector<16xf32>,
        tpu.vector_store %arg13[%swap3A_668, %swap3A_669, %swap3A_670], %mul3A_667 {strides = array<i32>} : memref<2x128x128xf32, #tpu.memory_space<vmem>>, vector<16xf32>,
        %get3A_672 = arith.index_cast %rem3A_373 : i32 to index
        %get3A_673 = arith.index_cast %add3A_659 : i32 to index
        %get3A_674 = arith.constant 16 : index
        %get3A_675 = tpu.vector_load %arg13[%get3A_672, %get3A_673, %get3A_674] {strides = array<i32>} : memref<2x128x128xf32, #tpu.memory_space<vmem>>, vector<16xf32>,
        %mul3A_676 = arith.mulf %get3A_675, %gather3A_662 : vector<16xf32>
        %swap3A_677 = arith.index_cast %rem3A_373 : i32 to index
        %swap3A_678 = arith.index_cast %add3A_659 : i32 to index
        %swap3A_679 = arith.constant 16 : index
        %swap3A_680 = tpu.vector_load %arg13[%swap3A_677, %swap3A_678, %swap3A_679] {strides = array<i32>} : memref<2x128x128xf32, #tpu.memory_space<vmem>>, vector<16xf32>,
        tpu.vector_store %arg13[%swap3A_677, %swap3A_678, %swap3A_679], %mul3A_676 {strides = array<i32>} : memref<2x128x128xf32, #tpu.memory_space<vmem>>, vector<16xf32>,
        %get3A_681 = arith.index_cast %rem3A_373 : i32 to index
        %get3A_682 = arith.index_cast %add3A_659 : i32 to index
        %get3A_683 = arith.constant 32 : index
        %get3A_684 = tpu.vector_load %arg13[%get3A_681, %get3A_682, %get3A_683] {strides = array<i32>} : memref<2x128x128xf32, #tpu.memory_space<vmem>>, vector<16xf32>,
        %mul3A_685 = arith.mulf %get3A_684, %gather3A_662 : vector<16xf32>
        %swap3A_686 = arith.index_cast %rem3A_373 : i32 to index
        %swap3A_687 = arith.index_cast %add3A_659 : i32 to index
        %swap3A_688 = arith.constant 32 : index
        %swap3A_689 = tpu.vector_load %arg13[%swap3A_686, %swap3A_687, %swap3A_688] {strides = array<i32>} : memref<2x128x128xf32, #tpu.memory_space<vmem>>, vector<16xf32>,
        tpu.vector_store %arg13[%swap3A_686, %swap3A_687, %swap3A_688], %mul3A_685 {strides = array<i32>} : memref<2x128x128xf32, #tpu.memory_space<vmem>>, vector<16xf32>,
        %get3A_690 = arith.index_cast %rem3A_373 : i32 to index
        %get3A_691 = arith.index_cast %add3A_659 : i32 to index
        %get3A_692 = arith.constant 48 : index
        %get3A_693 = tpu.vector_load %arg13[%get3A_690, %get3A_691, %get3A_692] {strides = array<i32>} : memref<2x128x128xf32, #tpu.memory_space<vmem>>, vector<16xf32>,
        %mul3A_694 = arith.mulf %get3A_693, %gather3A_662 : vector<16xf32>
        %swap3A_695 = arith.index_cast %rem3A_373 : i32 to index
        %swap3A_696 = arith.index_cast %add3A_659 : i32 to index
        %swap3A_697 = arith.constant 48 : index
        %swap3A_698 = tpu.vector_load %arg13[%swap3A_695, %swap3A_696, %swap3A_697] {strides = array<i32>} : memref<2x128x128xf32, #tpu.memory_space<vmem>>, vector<16xf32>,
        tpu.vector_store %arg13[%swap3A_695, %swap3A_696, %swap3A_697], %mul3A_694 {strides = array<i32>} : memref<2x128x128xf32, #tpu.memory_space<vmem>>, vector<16xf32>,
        %get3A_699 = arith.index_cast %rem3A_373 : i32 to index
        %get3A_700 = arith.index_cast %add3A_659 : i32 to index
        %get3A_701 = arith.constant 64 : index
        %get3A_702 = tpu.vector_load %arg13[%get3A_699, %get3A_700, %get3A_701] {strides = array<i32>} : memref<2x128x128xf32, #tpu.memory_space<vmem>>, vector<16xf32>,
        %mul3A_703 = arith.mulf %get3A_702, %gather3A_662 : vector<16xf32>
        %swap3A_704 = arith.index_cast %rem3A_373 : i32 to index
        %swap3A_705 = arith.index_cast %add3A_659 : i32 to index
        %swap3A_706 = arith.constant 64 : index
        %swap3A_707 = tpu.vector_load %arg13[%swap3A_704, %swap3A_705, %swap3A_706] {strides = array<i32>} : memref<2x128x128xf32, #tpu.memory_space<vmem>>, vector<16xf32>,
        tpu.vector_store %arg13[%swap3A_704, %swap3A_705, %swap3A_706], %mul3A_703 {strides = array<i32>} : memref<2x128x128xf32, #tpu.memory_space<vmem>>, vector<16xf32>,
        %get3A_708 = arith.index_cast %rem3A_373 : i32 to index
        %get3A_709 = arith.index_cast %add3A_659 : i32 to index
        %get3A_710 = arith.constant 80 : index
        %get3A_711 = tpu.vector_load %arg13[%get3A_708, %get3A_709, %get3A_710] {strides = array<i32>} : memref<2x128x128xf32, #tpu.memory_space<vmem>>, vector<16xf32>,
        %mul3A_712 = arith.mulf %get3A_711, %gather3A_662 : vector<16xf32>
        %swap3A_713 = arith.index_cast %rem3A_373 : i32 to index
        %swap3A_714 = arith.index_cast %add3A_659 : i32 to index
        %swap3A_715 = arith.constant 80 : index
        %swap3A_716 = tpu.vector_load %arg13[%swap3A_713, %swap3A_714, %swap3A_715] {strides = array<i32>} : memref<2x128x128xf32, #tpu.memory_space<vmem>>, vector<16xf32>,
        tpu.vector_store %arg13[%swap3A_713, %swap3A_714, %swap3A_715], %mul3A_712 {strides = array<i32>} : memref<2x128x128xf32, #tpu.memory_space<vmem>>, vector<16xf32>,
        %get3A_717 = arith.index_cast %rem3A_373 : i32 to index
        %get3A_718 = arith.index_cast %add3A_659 : i32 to index
        %get3A_719 = arith.constant 96 : index
        %get3A_720 = tpu.vector_load %arg13[%get3A_717, %get3A_718, %get3A_719] {strides = array<i32>} : memref<2x128x128xf32, #tpu.memory_space<vmem>>, vector<16xf32>,
        %mul3A_721 = arith.mulf %get3A_720, %gather3A_662 : vector<16xf32>
        %swap3A_722 = arith.index_cast %rem3A_373 : i32 to index
        %swap3A_723 = arith.index_cast %add3A_659 : i32 to index
        %swap3A_724 = arith.constant 96 : index
        %swap3A_725 = tpu.vector_load %arg13[%swap3A_722, %swap3A_723, %swap3A_724] {strides = array<i32>} : memref<2x128x128xf32, #tpu.memory_space<vmem>>, vector<16xf32>,
        tpu.vector_store %arg13[%swap3A_722, %swap3A_723, %swap3A_724], %mul3A_721 {strides = array<i32>} : memref<2x128x128xf32, #tpu.memory_space<vmem>>, vector<16xf32>,
        %get3A_726 = arith.index_cast %rem3A_373 : i32 to index
        %get3A_727 = arith.index_cast %add3A_659 : i32 to index
        %get3A_728 = arith.constant 112 : index
        %get3A_729 = tpu.vector_load %arg13[%get3A_726, %get3A_727, %get3A_728] {strides = array<i32>} : memref<2x128x128xf32, #tpu.memory_space<vmem>>, vector<16xf32>,
        %mul3A_730 = arith.mulf %get3A_729, %gather3A_662 : vector<16xf32>
        %swap3A_731 = arith.index_cast %rem3A_373 : i32 to index
        %swap3A_732 = arith.index_cast %add3A_659 : i32 to index
        %swap3A_733 = arith.constant 112 : index
        %swap3A_734 = tpu.vector_load %arg13[%swap3A_731, %swap3A_732, %swap3A_733] {strides = array<i32>} : memref<2x128x128xf32, #tpu.memory_space<vmem>>, vector<16xf32>,
        tpu.vector_store %arg13[%swap3A_731, %swap3A_732, %swap3A_733], %mul3A_730 {strides = array<i32>} : memref<2x128x128xf32, #tpu.memory_space<vmem>>, vector<16xf32>,
        %scan3A_735 = arith.constant 0 : i32
        scf.yield %scan3A_735 : i32
      }
      %scan3A_404 = arith.constant 32 : i32
      %dma_start3A_405 = arith.constant 0 : i32
      %dma_start3A_406 = arith.constant 0 : i32
      %dma_start3A_407 = tpu.memref_slice %arg13[%rem3A_373, %dma_start3A_405, %dma_start3A_406] : memref<2x128x128xf32, #tpu.memory_space<vmem>> -> memref<1x128x128xf32, #tpu.memory_space<vmem>>
      %dma_start3A_408 = tpu.memref_squeeze %dma_start3A_407 : memref<1x128x128xf32, #tpu.memory_space<vmem>> -> memref<128x128xf32, #tpu.memory_space<vmem>>
      %dma_start3A_409 = arith.constant 0 : i32
      %dma_start3A_410 = tpu.memref_slice %arg11[%rem3A_373, %dma_start3A_409] : memref<2x128xi32, #tpu.memory_space<vmem>> -> memref<1x128xi32, #tpu.memory_space<vmem>>
      %dma_start3A_411 = tpu.memref_squeeze %dma_start3A_410 : memref<1x128xi32, #tpu.memory_space<vmem>> -> memref<128xi32, #tpu.memory_space<vmem>>
      %dma_start3A_412 = arith.constant 0 : i32
      %dma_start3A_413 = arith.constant 0 : i32
      %dma_start3A_414 = tpu.memref_slice %arg14[%dma_start3A_412, %dma_start3A_413] : memref<10240x128xf32, #tpu.memory_space<vmem_shared>> -> memref<10240x128xf32, #tpu.memory_space<vmem_shared>>
      %dma_start3A_415 = tpu.memref_slice %arg16[%rem3A_373] : memref<2x!tpu.dma_semaphore, #tpu.memory_space<semaphore_mem>> -> memref<1x!tpu.dma_semaphore, #tpu.memory_space<semaphore_mem>>
      %dma_start3A_416 = tpu.memref_squeeze %dma_start3A_415 : memref<1x!tpu.dma_semaphore, #tpu.memory_space<semaphore_mem>> -> memref<!tpu.dma_semaphore, #tpu.memory_space<semaphore_mem>>
      tpu.enqueue_indirect_dma source(%dma_start3A_408 : memref<128x128xf32, #tpu.memory_space<vmem>>) target(%dma_start3A_414 : memref<10240x128xf32, #tpu.memory_space<vmem_shared>>) offsets(%dma_start3A_411 : memref<128xi32, #tpu.memory_space<vmem>>) semaphore(%dma_start3A_416 : memref<!tpu.dma_semaphore, #tpu.memory_space<semaphore_mem>>) {add = true}
      %while3A_417 = arith.constant 0 : i32
      scf.yield %while3A_417 : i32
    }
    %dma_wait3A = arith.constant 0 : i32
    %dma_wait3A_337 = arith.constant 0 : i32
    %dma_wait3A_338 = arith.constant 0 : i32
    %dma_wait3A_339 = arith.constant 0 : i32
    %dma_wait3A_340 = arith.constant 0 : i32
    %dma_wait3A_341 = tpu.memref_slice %arg13[%dma_wait3A, %dma_wait3A_339, %dma_wait3A_340] : memref<2x128x128xf32, #tpu.memory_space<vmem>> -> memref<1x128x128xf32, #tpu.memory_space<vmem>>
    %dma_wait3A_342 = tpu.memref_squeeze %dma_wait3A_341 : memref<1x128x128xf32, #tpu.memory_space<vmem>> -> memref<128x128xf32, #tpu.memory_space<vmem>>
    %dma_wait3A_343 = arith.constant 0 : i32
    %dma_wait3A_344 = tpu.memref_slice %arg11[%dma_wait3A_337, %dma_wait3A_343] : memref<2x128xi32, #tpu.memory_space<vmem>> -> memref<1x128xi32, #tpu.memory_space<vmem>>
    %dma_wait3A_345 = tpu.memref_squeeze %dma_wait3A_344 : memref<1x128xi32, #tpu.memory_space<vmem>> -> memref<128xi32, #tpu.memory_space<vmem>>
    %dma_wait3A_346 = arith.constant 0 : i32
    %dma_wait3A_347 = arith.constant 0 : i32
    %dma_wait3A_348 = tpu.memref_slice %arg14[%dma_wait3A_346, %dma_wait3A_347] : memref<10240x128xf32, #tpu.memory_space<vmem_shared>> -> memref<10240x128xf32, #tpu.memory_space<vmem_shared>>
    %dma_wait3A_349 = tpu.memref_slice %arg16[%dma_wait3A_338] : memref<2x!tpu.dma_semaphore, #tpu.memory_space<semaphore_mem>> -> memref<1x!tpu.dma_semaphore, #tpu.memory_space<semaphore_mem>>
    %dma_wait3A_350 = tpu.memref_squeeze %dma_wait3A_349 : memref<1x!tpu.dma_semaphore, #tpu.memory_space<semaphore_mem>> -> memref<!tpu.dma_semaphore, #tpu.memory_space<semaphore_mem>>
    tpu.wait_indirect_dma semaphore(%dma_wait3A_350 : memref<!tpu.dma_semaphore, #tpu.memory_space<semaphore_mem>>) src(%dma_wait3A_342 : memref<128x128xf32, #tpu.memory_space<vmem>>) dst(%dma_wait3A_348 : memref<10240x128xf32, #tpu.memory_space<vmem_shared>>)
    %dma_wait3A_351 = arith.constant 1 : i32
    %dma_wait3A_352 = arith.constant 1 : i32
    %dma_wait3A_353 = arith.constant 1 : i32
    %dma_wait3A_354 = arith.constant 0 : i32
    %dma_wait3A_355 = arith.constant 0 : i32
    %dma_wait3A_356 = tpu.memref_slice %arg13[%dma_wait3A_351, %dma_wait3A_354, %dma_wait3A_355] : memref<2x128x128xf32, #tpu.memory_space<vmem>> -> memref<1x128x128xf32, #tpu.memory_space<vmem>>
    %dma_wait3A_357 = tpu.memref_squeeze %dma_wait3A_356 : memref<1x128x128xf32, #tpu.memory_space<vmem>> -> memref<128x128xf32, #tpu.memory_space<vmem>>
    %dma_wait3A_358 = arith.constant 0 : i32
    %dma_wait3A_359 = tpu.memref_slice %arg11[%dma_wait3A_352, %dma_wait3A_358] : memref<2x128xi32, #tpu.memory_space<vmem>> -> memref<1x128xi32, #tpu.memory_space<vmem>>
    %dma_wait3A_360 = tpu.memref_squeeze %dma_wait3A_359 : memref<1x128xi32, #tpu.memory_space<vmem>> -> memref<128xi32, #tpu.memory_space<vmem>>
    %dma_wait3A_361 = arith.constant 0 : i32
    %dma_wait3A_362 = arith.constant 0 : i32
    %dma_wait3A_363 = tpu.memref_slice %arg14[%dma_wait3A_361, %dma_wait3A_362] : memref<10240x128xf32, #tpu.memory_space<vmem_shared>> -> memref<10240x128xf32, #tpu.memory_space<vmem_shared>>
    %dma_wait3A_364 = tpu.memref_slice %arg16[%dma_wait3A_353] : memref<2x!tpu.dma_semaphore, #tpu.memory_space<semaphore_mem>> -> memref<1x!tpu.dma_semaphore, #tpu.memory_space<semaphore_mem>>
    %dma_wait3A_365 = tpu.memref_squeeze %dma_wait3A_364 : memref<1x!tpu.dma_semaphore, #tpu.memory_space<semaphore_mem>> -> memref<!tpu.dma_semaphore, #tpu.memory_space<semaphore_mem>>
    tpu.wait_indirect_dma semaphore(%dma_wait3A_365 : memref<!tpu.dma_semaphore, #tpu.memory_space<semaphore_mem>>) src(%dma_wait3A_357 : memref<128x128xf32, #tpu.memory_space<vmem>>) dst(%dma_wait3A_363 : memref<10240x128xf32, #tpu.memory_space<vmem_shared>>)
    %barrier3A_366 = arith.constant 0 : index
    tpu.barrier barrier_id(%barrier3A_366)
    %mul3A_367 = arith.constant 640 : i32
    %mul3A_368 = arith.muli %arg1, %mul3A_367 : i32
    %mul3A_369 = arith.constant 640 : i32
    %mul3A_370 = arith.muli %arg1, %mul3A_369 : i32
    "tpu.region"() ({
      %run_scoped3A_371 = tpu.sem_alloc : memref<!tpu.dma_semaphore, #tpu.memory_space<semaphore_mem>>
      %dma_start3A_372 = arith.constant 0 : i32
      %dma_start3A_373 = tpu.memref_slice %arg6[%arg0, %mul3A_370, %dma_start3A_372] : memref<2x10240x128xf32, #tpu.memory_space<hbm>> -> memref<1x640x128xf32, #tpu.memory_space<hbm>>
      %dma_start3A_374 = tpu.memref_squeeze %dma_start3A_373 : memref<1x640x128xf32, #tpu.memory_space<hbm>> -> memref<640x128xf32, #tpu.memory_space<hbm>>
      %dma_start3A_375 = arith.constant 0 : i32
      %dma_start3A_376 = tpu.memref_slice %arg14[%mul3A_368, %dma_start3A_375] : memref<10240x128xf32, #tpu.memory_space<vmem_shared>> -> memref<640x128xf32, #tpu.memory_space<vmem_shared>>
      tpu.enqueue_dma source(%dma_start3A_376 : memref<640x128xf32, #tpu.memory_space<vmem_shared>>) target(%dma_start3A_374 : memref<640x128xf32, #tpu.memory_space<hbm>>) target_semaphore(%run_scoped3A_371 : memref<!tpu.dma_semaphore, #tpu.memory_space<semaphore_mem>>)
      %dma_wait3A_377 = arith.constant 0 : i32
      %dma_wait3A_378 = tpu.memref_slice %arg6[%arg0, %mul3A_370, %dma_wait3A_377] : memref<2x10240x128xf32, #tpu.memory_space<hbm>> -> memref<1x640x128xf32, #tpu.memory_space<hbm>>
      %dma_wait3A_379 = tpu.memref_squeeze %dma_wait3A_378 : memref<1x640x128xf32, #tpu.memory_space<hbm>> -> memref<640x128xf32, #tpu.memory_space<hbm>>
      %dma_wait3A_380 = arith.constant 0 : i32
      %dma_wait3A_381 = tpu.memref_slice %arg14[%mul3A_368, %dma_wait3A_380] : memref<10240x128xf32, #tpu.memory_space<vmem_shared>> -> memref<640x128xf32, #tpu.memory_space<vmem_shared>>
      tpu.wait_dma2 semaphore(%run_scoped3A_371 : memref<!tpu.dma_semaphore, #tpu.memory_space<semaphore_mem>>) src(%dma_wait3A_381 : memref<640x128xf32, #tpu.memory_space<vmem_shared>>) dst(%dma_wait3A_379 : memref<640x128xf32, #tpu.memory_space<hbm>>)
      tpu.yield
    }) : () -> ()
    return
  }
}

module attributes {stable_mosaic.version = 14 : i64} {
  func.func @_rsqrt_body(%arg0: memref<8x1280xf32, #tpu.memory_space<vmem>>, %arg1: memref<8x1280xf32, #tpu.memory_space<vmem>>, %arg2: memref<8x1280xf32, #tpu.memory_space<vmem>>) attributes {dimension_semantics = [], scalar_prefetch = 0 : i64, scratch_operands = 0 : i64, tpu.core_type = #tpu.core_type<tc>} {
    %get3A = arith.constant 0 : index
    %get3A_0 = arith.constant 0 : index
    %get3A_1 = vector.load %arg0[%get3A, %get3A_0] : memref<8x1280xf32, #tpu.memory_space<vmem>>, vector<8x1280xf32>
    %get3A_2 = arith.constant 0 : index
    %get3A_3 = arith.constant 0 : index
    %get3A_4 = vector.load %arg1[%get3A_2, %get3A_3] : memref<8x1280xf32, #tpu.memory_space<vmem>>, vector<8x1280xf32>
    %add3A = arith.addf %get3A_1, %get3A_4 : vector<8x1280xf32>
    %gt3A = arith.constant 0.000000e+00 : f32
    %gt3A_5 = vector.broadcast %gt3A : f32 to vector<8x1280xf32>
    %gt3A_6 = arith.cmpf ogt, %add3A, %gt3A_5 : vector<8x1280xf32>
    %rsqrt3A = math.rsqrt %add3A : vector<8x1280xf32>
    %jit3A = arith.constant 0.000000e+00 : f32
    %broadcast_in_dim3A = vector.broadcast %jit3A : f32 to vector<8x1280xf32>
    %select_n3A = arith.select %gt3A_6, %rsqrt3A, %broadcast_in_dim3A : vector<8x1280xi1>, vector<8x1280xf32>
    %swap3A = arith.constant 0 : index
    %swap3A_7 = arith.constant 0 : index
    %swap3A_8 = vector.load %arg2[%swap3A, %swap3A_7] : memref<8x1280xf32, #tpu.memory_space<vmem>>, vector<8x1280xf32>
    tpu.vector_store %arg2[%swap3A, %swap3A_7], %select_n3A {strides = array<i32>} : memref<8x1280xf32, #tpu.memory_space<vmem>>, vector<8x1280xf32>,
    return
  }
}

module attributes {stable_mosaic.version = 14 : i64} {
  func.func @_mm_body(%arg0: i32, %arg1: memref<1024x128xf32, #tpu.memory_space<vmem>>, %arg2: memref<1024x128xf32, #tpu.memory_space<vmem>>, %arg3: memref<128x128xf32, #tpu.memory_space<vmem>>, %arg4: memref<1x128xf32, #tpu.memory_space<vmem>>, %arg5: memref<1024x128xf32, #tpu.memory_space<vmem>>) attributes {dimension_semantics = [#tpu.dimension_semantics<arbitrary>], iteration_bounds = array<i64: 10>, scalar_prefetch = 0 : i64, scratch_operands = 0 : i64, tpu.core_type = #tpu.core_type<tc>, window_params = [{transform_indices = @transform_0, window_bounds = array<i64: 1024, 128>}, {transform_indices = @transform_1, window_bounds = array<i64: 1024, 128>}, {pipeline_mode = #tpu.pipeline_mode<synchronous>, transform_indices = @transform_2, window_bounds = array<i64: 128, 128>}, {pipeline_mode = #tpu.pipeline_mode<synchronous>, transform_indices = @transform_3, window_bounds = array<i64: 1, 128>}, {transform_indices = @transform_4, window_bounds = array<i64: 1024, 128>}]} {
    %get3A = arith.constant 0 : index
    %get3A_0 = arith.constant 0 : index
    %get3A_1 = vector.load %arg1[%get3A, %get3A_0] : memref<1024x128xf32, #tpu.memory_space<vmem>>, vector<1024x128xf32>
    %get3A_2 = arith.constant 0 : index
    %get3A_3 = arith.constant 0 : index
    %get3A_4 = vector.load %arg2[%get3A_2, %get3A_3] : memref<1024x128xf32, #tpu.memory_space<vmem>>, vector<1024x128xf32>
    %add3A = arith.addf %get3A_1, %get3A_4 : vector<1024x128xf32>
    %get3A_5 = arith.constant 0 : index
    %get3A_6 = arith.constant 0 : index
    %get3A_7 = vector.load %arg3[%get3A_5, %get3A_6] : memref<128x128xf32, #tpu.memory_space<vmem>>, vector<128x128xf32>
    %dot_general3A = arith.constant dense<0.000000e+00> : vector<1024x128xf32>
    %dot_general3A_8 = tpu.matmul %add3A, %get3A_7, %dot_general3A {dimension_numbers = #tpu.dot_dimension_numbers<[1], [0], [0], [1], [0, 0, 1, 1], [], []>, transpose_lhs_hint = false} : vector<1024x128xf32>, vector<128x128xf32>, vector<1024x128xf32> -> vector<1024x128xf32>
    %get3A_9 = arith.constant 0 : index
    %get3A_10 = arith.constant 0 : index
    %get3A_11 = vector.load %arg4[%get3A_9, %get3A_10] : memref<1x128xf32, #tpu.memory_space<vmem>>, vector<1x128xf32>
    %add3A_12 = vector.broadcast %get3A_11 : vector<1x128xf32> to vector<1024x128xf32>
    %add3A_13 = arith.addf %dot_general3A_8, %add3A_12 : vector<1024x128xf32>
    %swap3A = arith.constant 0 : index
    %swap3A_14 = arith.constant 0 : index
    %swap3A_15 = vector.load %arg5[%swap3A, %swap3A_14] : memref<1024x128xf32, #tpu.memory_space<vmem>>, vector<1024x128xf32>
    tpu.vector_store %arg5[%swap3A, %swap3A_14], %add3A_13 {strides = array<i32>} : memref<1024x128xf32, #tpu.memory_space<vmem>>, vector<1024x128xf32>,
    return
  }
  func.func @transform_0(%arg0: i32) -> (i32, i32) {
    %c0_i32 = arith.constant 0 : i32
    %c0_i32_0 = arith.constant 0 : i32
    return %arg0, %c0_i32 : i32, i32
  }
  func.func @transform_1(%arg0: i32) -> (i32, i32) {
    %c0_i32 = arith.constant 0 : i32
    %c0_i32_0 = arith.constant 0 : i32
    return %arg0, %c0_i32 : i32, i32
  }
  func.func @transform_2(%arg0: i32) -> (i32, i32) {
    %c0_i32 = arith.constant 0 : i32
    %c0_i32_0 = arith.constant 0 : i32
    %c0_i32_1 = arith.constant 0 : i32
    return %c0_i32, %c0_i32_0 : i32, i32
  }
  func.func @transform_3(%arg0: i32) -> (i32, i32) {
    %c0_i32 = arith.constant 0 : i32
    %c0_i32_0 = arith.constant 0 : i32
    %c0_i32_1 = arith.constant 0 : i32
    return %c0_i32, %c0_i32_0 : i32, i32
  }
  func.func @transform_4(%arg0: i32) -> (i32, i32) {
    %c0_i32 = arith.constant 0 : i32
    %c0_i32_0 = arith.constant 0 : i32
    return %arg0, %c0_i32 : i32, i32
  }
}

</mosaic_0001>

<sc_bundles>
// kernel: kernel.6.cloned.1.call-start
scs
__scs_entry_jumppad:
0x0: {  	(pc) =	sbr.rel $0x88, $3  }
0x1: {  	(tag) =	ssettag $0x0;
	lr =	simm.s32 $0x1  }
0x2: {  	[smem:$0x3F9C] =	sst lr;
	_ =	strace $0xD0000000  }
0x3: {  	_ = 	snop  }
0x4: {  	_ = 	snop  }
0x5: {  	_ = 	snop  }
0x6: {  	_ = 	snop  }
0x7: {  	_ = 	snop  }
__scs_overlays_trampoline_lowered:
0x8: {  	[smem:$0x3FAB] =	sst s0  }
0x9: {  	[smem:$0x3FAC] =	sst s1  }
0xa: {  	[smem:$0x3FAD] =	sst s2  }
0xb: {  	[smem:$0x3FAE] =	sst s3  }
0xc: {  	[smem:$0x3FAF] =	sst s4  }
0xd: {  	[smem:$0x3FB0] =	sst s5  }
0xe: {  	[smem:$0x3FB1] =	sst s6  }
0xf: {  	[smem:$0x3FB2] =	sst s7  }
0x10: {  	[smem:$0x3FB3] =	sst s8  }
0x11: {  	[smem:$0x3FB4] =	sst s9;
	s0 =	simm.s32 @!p0 $0x0  }
0x12: {  	s1 =	sld [smem:$0x3F9A];
	s0 =	simm.s32 @p0 $0x1  }
0x13: {  	[smem:$0x3FB5] =	sst s0;
	s0 =	simm.s32 @!p1 $0x0  }
0x14: {  	s2 =	sld [smem:$0x3F99];
	s0 =	simm.s32 @p1 $0x1  }
0x15: {  	[smem:$0x3FB6] =	sst s0;
	s0 =	simm.s32 @!p2 $0x0  }
0x16: {  	s3 =	sld [smem:$0x3FDB];
	s0 =	simm.s32 @p2 $0x1  }
0x17: {  	s4 =	simm.s32 $0x1BF5;
	[smem:$0x3FB8] =	sst s0  }
0x18: {  	s0 =	sld [smem:$0x3F9B];
	_ =	swait.ge [sflag:s4], $0x0  }
0x19: {  	s7 =	sld [smem:$0x3F9C]  }
0x1a: {  	s8 =	sadd.s32 $0xFFFFE003, lr  }
0x1b: {  	s9 =	sadd.s32 $0xFFFFFEF7, lr;
	s5 =	simm.s32 $0xFFFFFFFF;
	p2 =	slt.u32 s8, $0xFFFFF086  }
0x1c: {  	p1 =	slt.u32 s9, $0xF7A;
	s5 =	simm.s32 @!p2 $0x0  }
0x1d: {  	s5 =	simm.s32 @p1 $0x1;
	p0 =	seq.s32 s7, s2  }
0x1e: {  	s7 =	smul.u32 @!p0 $0xF7A, s2;
	p2 =	seq.s32 @!p0 s5, $0x0  }
0x1f: {  	s9 =	smul.u32 $0xF7A, s1;
	s8 =	simm.s32 @!p0 $0x1BF5;
	p2 =	por !p2, p0  }
0x20: {  	[sflag:s8] =	ssyncset.s32 @!p0 $0xFFFFF086;
	s6 =	sadd.s32 @!p0 s3, s7;
	s7 =	simm.s32 @!p0 $0x108  }
0x21: {  	s3 =	sadd.s32 s3, s9;
	s6 =	sadd.s32 @!p0 $0x88, s6;
	s7 =	simm.s32 @p2 $0x1082  }
0x22: {  	[simem:s7], [sflag:s8] =	dma.local @!p0 [hbm:s6], $0xF7A  }
0x23: {  	s9 =	sor.u32 $0xD0000000, s2;
	s6 =	simm.s32 $0x108;
	_ =	swait.ge @!p0 [sflag:s8], $0x0  }
0x24: {  	s3 =	sadd.s32 $0x88, s3;
	s6 =	simm.s32 @!p1 $0x1082;
	[sflag:s4] =	ssyncset.s32 $0xFFFFF086  }
0x25: {  	[simem:s6], [sflag:s4] =	dma.local [hbm:s3], $0xF7A  }
0x26: {  	[smem:$0x3F9C] =	sst s1;
	(tag) =	ssettag s2;
	_ =	strace s9  }
0x27: {  	s1 =	sld [smem:$0x3FAC]  }
0x28: {  	s2 =	sld [smem:$0x3FAD]  }
0x29: {  	s4 =	sld [smem:$0x3FAF]  }
0x2a: {  	p0 =	seq.s32 s5, $0x0;
	s5 =	sld [smem:$0x3FB0]  }
0x2b: {  	s6 =	sld [smem:$0x3FB1]  }
0x2c: {  	s7 =	sld [smem:$0x3FB2]  }
0x2d: {  	s3 =	simm.s32 $0x108;
	s8 =	sld [smem:$0x3FB3]  }
0x2e: {  	s3 =	simm.s32 @!p0 $0x1082;
	s9 =	sld [smem:$0x3FB4]  }
0x2f: {  	lr =	sadd.s32 s0, s3;
	s0 =	sld [smem:$0x3FAB]  }
0x30: {  	s3 =	sld [smem:$0x3FAE]  }
0x31: {  	[smem:$0x3FB7] =	sst s10  }
0x32: {  	s10 =	sld [smem:$0x3FB5];
	_ =	sdelay $0x3  }
0x33: {  	p0 =	seq.s32 s10, $0x1;
	s10 =	sld [smem:$0x3FB7];
	_ =	sdelay $0x3  }
0x34: {  	[smem:$0x3FB7] =	sst s10  }
0x35: {  	s10 =	sld [smem:$0x3FB6];
	_ =	sdelay $0x3  }
0x36: {  	p1 =	seq.s32 s10, $0x1;
	s10 =	sld [smem:$0x3FB7];
	_ =	sdelay $0x3  }
0x37: {  	[smem:$0x3FB7] =	sst s10  }
0x38: {  	s10 =	sld [smem:$0x3FB8]  }
0x39: {  	_ = 	snop;
	(pc) =	sbr.ind lr, $3  }
0x3a: {  	_ = 	snop  }
0x3b: {  	_ = 	snop  }
0x3c: {  	p2 =	seq.s32 s10, $0x1;
	s10 =	sld [smem:$0x3FB7]  }
0x3d: {  	_ =	shalt  }
0x3e: {  	_ =	shalt  }
0x3f: {  	_ =	shalt  }
0x40: {  	_ =	shalt  }
0x41: {  	_ =	shalt  }
0x42: {  	_ =	shalt  }
0x43: {  	_ =	shalt  }
0x44: {  	_ =	shalt  }
0x45: {  	_ =	shalt  }
0x46: {  	_ =	shalt  }
0x47: {  	_ =	shalt  }
0x48: {  	_ =	shalt  }
0x49: {  	_ =	shalt  }
0x4a: {  	_ =	shalt  }
0x4b: {  	_ =	shalt  }
0x4c: {  	_ =	shalt  }
0x4d: {  	_ =	shalt  }
0x4e: {  	_ =	shalt  }
0x4f: {  	_ =	shalt  }
0x50: {  	_ =	shalt  }
0x51: {  	_ =	shalt  }
0x52: {  	_ =	shalt  }
0x53: {  	_ =	shalt  }
0x54: {  	_ =	shalt  }
0x55: {  	_ =	shalt  }
0x56: {  	_ =	shalt  }
0x57: {  	_ =	shalt  }
0x58: {  	_ =	shalt  }
0x59: {  	_ =	shalt  }
0x5a: {  	_ =	shalt  }
0x5b: {  	_ =	shalt  }
0x5c: {  	_ =	shalt  }
0x5d: {  	_ =	shalt  }
0x5e: {  	_ =	shalt  }
0x5f: {  	_ =	shalt  }
0x60: {  	_ =	shalt  }
0x61: {  	_ =	shalt  }
0x62: {  	_ =	shalt  }
0x63: {  	_ =	shalt  }
0x64: {  	_ =	shalt  }
0x65: {  	_ =	shalt  }
0x66: {  	_ =	shalt  }
0x67: {  	_ =	shalt  }
0x68: {  	_ =	shalt  }
0x69: {  	_ =	shalt  }
0x6a: {  	_ =	shalt  }
0x6b: {  	_ =	shalt  }
0x6c: {  	_ =	shalt  }
0x6d: {  	_ =	shalt  }
0x6e: {  	_ =	shalt  }
0x6f: {  	_ =	shalt  }
0x70: {  	_ =	shalt  }
0x71: {  	_ =	shalt  }
0x72: {  	_ =	shalt  }
0x73: {  	_ =	shalt  }
0x74: {  	_ =	shalt  }
0x75: {  	_ =	shalt  }
0x76: {  	_ =	shalt  }
0x77: {  	_ =	shalt  }
0x78: {  	_ =	shalt  }
0x79: {  	_ =	shalt  }
0x7a: {  	_ =	shalt  }
0x7b: {  	_ =	shalt  }
0x7c: {  	_ =	shalt  }
0x7d: {  	_ =	shalt  }
0x7e: {  	_ =	shalt  }
0x7f: {  	_ =	shalt  }
0x80: {  	_ =	shalt  }
0x81: {  	_ =	shalt  }
0x82: {  	_ =	shalt  }
0x83: {  	_ =	shalt  }
0x84: {  	_ =	shalt  }
0x85: {  	_ =	shalt  }
0x86: {  	_ =	shalt  }
0x87: {  	_ =	shalt  }
.Lfunc_end0:
.L_simem_size_0:
called_computation_lowered:
.L_overlay_start_0:
0x88: {  	s2 =	sld [smem:$0x3FD9]  }
0x89: {  	s3 =	sld [smem:$0x3FFE];
	_ =	sdelay $0x1  }
0x8a: {  	s1 =	srdreg.scid  }
0x8b: {  	s0 =	sand.u32 $0x1, s1  }
0x8c: {  	s17 =	sshll.u32 s0, $0xA;
	s2 =	sadd.s32 s3, s2  }
0x8d: {  	s2 =	sadd.s32 s2, s17  }
0x8e: {  	[smem:$0x3FC3] =	sst s2  }
0x8f: {  	_ = 	snop  }
0x90: {  	s2 =	sld [smem:$0x3FD0];
	(tm) =	ssettm $0x1  }
0x91: {  	s18 =	sld [smem:$0x3FFB];
	_ =	sdelay $0x3  }
0x92: {  	_ =	strace s18  }
0x93: {  	s3 =	sld [smem:$0x3FFC];
	_ =	sdelay $0x3  }
0x94: {  	_ =	strace s3  }
0x95: {  	s3 =	sld [smem:$0x3FFD];
	_ =	sdelay $0x3  }
0x96: {  	_ =	strace s3  }
0x97: {  	_ =	strace $0x8FFFFFFF  }
0x98: {  	s19 =	sld [smem:$0x3FDB];
	_ =	sdelay $0x1  }
0x99: {  	s4 =	simm.s32 $_scs_section_size  }
0x9a: {  	s5 =	simm.s32 $_size__tile_overlayer_lowered;
	s6 =	simm.s32 $_tile_overlayer_lowered  }
0x9b: {  	s22 =	simm.s32 $0x1BFF;
	s21 =	sshll.u32 s6, $0x1;
	s3 =	sadd.s32 s4, s19  }
0x9c: {  	s7 =	simm.s32 $0x0;
	s20 =	sshll.u32 s5, $0x1;
	s5 =	sadd.s32 s21, s3  }
0x9d: {  	[timem:s7], [sflag:s22] =	dma.local [hbm:s5], s20  }
0x9e: {  	_ =	swait.ge [sflag:s22], s20  }
0x9f: {  	s4 =	ssub.s32 $0x0, s20;
	[sflag:s22] =	ssyncset.done $0x0  }
0xa0: {  	[sflag:s22] =	ssyncadd.s32 s4;
	_ =	sdelay $0x1  }
0xa1: {  	s23 =	simm.s32 $0x1B8B  }
0xa2: {  	_ =	swait.ge [sflag:s23], $0x1  }
0xa3: {  	[sflag:s23] =	ssyncset.done $0x0  }
0xa4: {  	s25 =	simm.s32 $0x1B8E;
	s24 =	sld [smem:$0x3FFE];
	[sflag:s23] =	ssyncadd.s32 $0xFFFFFFFF  }
0xa5: {  	s26 =	simm.s32 $execute0_lowered;
	[smem:$0x3FD2] =	sst s25  }
0xa6: {  	s5 =	sshll.u32 s26, $0x1;
	_ =	strace $0x80000046;
	[dreg:$0x1] =	wrdreg $0xFFFFFFFF  }
0xa7: {  	s28 =	simm.s32 $_size_execute0_lowered;
	s3 =	sadd.s32 s3, s5;
	[dreg:$0x0] =	wrdreg $0x0  }
0xa8: {  	s5 =	sshll.u32 s28, $0x1;
	[dreg:$0x2] =	wrdreg s3  }
0xa9: {  	[dreg:$0x3] =	wrdreg s5  }
0xaa: {  	[dreg:$0x4] =	wrdreg $0xC0  }
0xab: {  	_ =	task [dreg:s7], $0x5FFFF  }
0xac: {  	[dreg:$0x1] =	wrdreg $0xFFFFFFFF  }
0xad: {  	[dreg:$0x0] =	wrdreg $0x60  }
0xae: {  	[dreg:$0x2] =	wrdreg s2  }
0xaf: {  	[dreg:$0x3] =	wrdreg s24  }
0xb0: {  	[dreg:$0x4] =	wrdreg $0x2B000  }
0xb1: {  	[dreg:$0x5] =	wrdreg $0x9  }
0xb2: {  	_ =	task.clear_ibuf [dreg:s7], $0x6FFFF;
	_ =	strace $0x90000046  }
0xb3: {  	s29 =	simm.s32 $0x9;
	_ =	strace $0x80000048  }
0xb4: {  	_ =	swait.ge [sflag:s29], $0x1  }
0xb5: {  	[sflag:s29] =	ssyncadd.s32 $0xFFFFFFFF  }
0xb6: {  	_ =	strace $0x90000048  }
0xb7: {  	_ =	sfence  }
0xb8: {  	s30 =	sld [smem:$0x0];
	_ =	sdelay $0x2  }
0xb9: {  	s31 =	sshll.u32 s1, $0xD;
	s1 =	sshrl.u32 s1, $0x2  }
0xba: {  	s3 =	sand.u32 $0x4000, s31;
	s1 =	sadd.s32 s1, s30  }
0xbb: {  	s0 =	sor.u32 s3, s0;
	s1 =	sshll.u32 s1, $0x11  }
0xbc: {  	s0 =	sor.u32 s1, s0  }
0xbd: {  	s0 =	sadd.s32 $0x8F2B, s0  }
0xbe: {  	[sflag:s0] =	ssyncadd.remote.s32 $0x1  }
0xbf: {  	_ =	sfence.sel $0xFFFF  }
0xc0: {  	[dreg:$0x0] =	wrdreg $0xFFFFFFFF;
	(pc) =	sbr.abs _section_cstart, $3  }
0xc1: {  	[dreg:$0x1] =	wrdreg $0xFFFFFFFF  }
0xc2: {  	_ =	task.clear_ibuf [dreg:s7], $0x2FFFF;
	_ =	strace $0x9FFFFFFF  }
0xc3: {  	(tm) =	ssettm $0x7FFFFFFF  }
tec
execute0_lowered:
.L_overlay_start_1:
0x0: {  	(tag) =	ssettag $0x1  }
0x1: {  	s5 =	rddreg [dreg:$0x0]  }
0x2: {  	s7 =	rddreg [dreg:$0x1]  }
0x3: {  	s2 =	rddreg [dreg:$0x2]  }
0x4: {  	s0 =	rddreg [dreg:$0x3]  }
0x5: {  	s3 =	simm.s32 $0x0;
	s4 =	srdreg.scid;
	s1 =	stileid.u32  }
0x6: {  	s11 =	simm.s32 $0x2800;
	s14 =	simm.s32 $0x0;
	[smem:$0x7FF] =	sst s3  }
0x7: {  	s4 =	sand.u32 $0x1, s4;
	s6 =	sshll.u32 s1, $0x1;
	s9 =	smul.u32 $0x280, s1  }
0x8: {  	s12 =	sshll.u32 s1, $0x6;
	s8 =	ssub.s32 $0x2, s4;
	s6 =	sor.u32 s4, s6  }
0x9: {  	_ =	strace $0x80000047;
	p0 =	seq.s32 s4, $0x1;
	s12 =	sor.u32 $0x1C01, s12  }
0xa: {  	s10 =	sshrl.u32 s8, $0x1;
	s6 =	smul.u32 $0x500, s6;
	s4 =	sadd.s32 s9, s2  }
0xb: {  	s9 =	sshrl.u32 s9, $0x3;
	s8 =	ssub.s32 s8, s10;
	s10 =	simm.s32 $0xBC00  }
0xc: {  	s13 =	sshrl.u32 s4, $0x3;
	s5 =	sadd.s32 s5, s6;
	s10 =	simm.s32 @!p0 $0xB600  }
0xd: {  	s6 =	smax.u32 s8, $0x1;
	s8 =	simm.s32 $0x2880;
	s7 =	sadd.s32 s10, s7  }
0xe: {  	v0 =	vimm.f32 $0.0e+00;
	v1 =	vimm.f32 $1.000000000e+00;
	s10 =	simm.s32 $0x80;
	s7 =	sadd.s32 s7, s9;
	s9 =	simm.s32 $0x1  }
.LBB2_1:
0xf: {  	[tilespmem:$0x2880] =	vst v0  }
0x10: {  	[tilespmem:$0x2890] =	vst v0  }
0x11: {  	[tilespmem:$0x28A0] =	vst v0  }
0x12: {  	[tilespmem:$0x28B0] =	vst v0  }
0x13: {  	[tilespmem:$0x28C0] =	vst v0  }
0x14: {  	[tilespmem:$0x28D0] =	vst v0  }
0x15: {  	[tilespmem:$0x28E0] =	vst v0  }
0x16: {  	[tilespmem:$0x28F0] =	vst v0  }
0x17: {  	[tilespmem:$0x2900] =	vst v0  }
0x18: {  	[tilespmem:$0x2910] =	vst v0  }
0x19: {  	[tilespmem:$0x2920] =	vst v0  }
0x1a: {  	[tilespmem:$0x2930] =	vst v0  }
0x1b: {  	[tilespmem:$0x2940] =	vst v0  }
0x1c: {  	[tilespmem:$0x2950] =	vst v0  }
0x1d: {  	[tilespmem:$0x2960] =	vst v0  }
0x1e: {  	[tilespmem:$0x2970] =	vst v0  }
0x1f: {  	[tilespmem:$0x2980] =	vst v0  }
0x20: {  	[tilespmem:$0x2990] =	vst v0  }
0x21: {  	[tilespmem:$0x29A0] =	vst v0  }
0x22: {  	[tilespmem:$0x29B0] =	vst v0  }
0x23: {  	[tilespmem:$0x29C0] =	vst v0  }
0x24: {  	[tilespmem:$0x29D0] =	vst v0  }
0x25: {  	[tilespmem:$0x29E0] =	vst v0  }
0x26: {  	[tilespmem:$0x29F0] =	vst v0  }
0x27: {  	[tilespmem:$0x2A00] =	vst v0  }
0x28: {  	[tilespmem:$0x2A10] =	vst v0  }
0x29: {  	[tilespmem:$0x2A20] =	vst v0  }
0x2a: {  	[tilespmem:$0x2A30] =	vst v0  }
0x2b: {  	[tilespmem:$0x2A40] =	vst v0  }
0x2c: {  	[tilespmem:$0x2A50] =	vst v0  }
0x2d: {  	[tilespmem:$0x2A60] =	vst v0  }
0x2e: {  	[tilespmem:$0x2A70] =	vst v0  }
0x2f: {  	[tilespmem:$0x2A80] =	vst v0  }
0x30: {  	[tilespmem:$0x2A90] =	vst v0  }
0x31: {  	[tilespmem:$0x2AA0] =	vst v0  }
0x32: {  	[tilespmem:$0x2AB0] =	vst v0  }
0x33: {  	[tilespmem:$0x2AC0] =	vst v0  }
0x34: {  	[tilespmem:$0x2AD0] =	vst v0  }
0x35: {  	[tilespmem:$0x2AE0] =	vst v0  }
0x36: {  	[tilespmem:$0x2AF0] =	vst v0  }
0x37: {  	[tilespmem:$0x2800] =	vst v1  }
0x38: {  	[tilespmem:$0x2810] =	vst v1  }
0x39: {  	[tilespmem:$0x2820] =	vst v1  }
0x3a: {  	[tilespmem:$0x2830] =	vst v1  }
0x3b: {  	[tilespmem:$0x2840] =	vst v1  }
0x3c: {  	[tilespmem:$0x2850] =	vst v1  }
0x3d: {  	[tilespmem:$0x2860] =	vst v1  }
0x3e: {  	[tilespmem:$0x2870] =	vst v1  }
0x3f: {  	[spmem:s4] =	stream.linear.scatter [tilespmem:s8], [sflag:$0x1], $0x280, $0x38;
	[tilespmem:$0x2D80] =	vst v63  }
0x40: {  	_ =	swait.ge [sflag:s9], $0x280  }
0x41: {  	[sflag:s9] =	ssyncset.done $0x0  }
0x42: {  	[sflag:s9] =	ssyncadd.s32 $0xFFFFFD80  }
0x43: {  	[bflag:$0x0] =	sbarrier.arrive $0xFFFF  }
0x44: {  	[tilespmem:s3], [sflag:$0x1] =	stream.linear.gather [hbm4b:s5+s3], $0x2800, $0x38;
	[tilespmem:$0x2D80] =	vst v63  }
0x45: {  	_ =	swait.ge [sflag:s9], $0x2800  }
0x46: {  	[sflag:s9] =	ssyncset.done $0x0  }
0x47: {  	s15 =	simm.s32 $0x0;
	[sflag:s9] =	ssyncadd.s32 $0xFFFFD800  }
0x48: {  	[spmem:s2] =	stream.indirect.scatter.add.f32 [tilespmem:s11], [sflag:$0x1], $0x1, s15, s10, $0xb8;
	[tilespmem:$0x2D80] =	vst v63  }
0x49: {  	_ =	swait.ge [sflag:s9], $0x80  }
0x4a: {  	s15 =	simm.s32 $0x200;
	[sflag:s9] =	ssyncset.done $0x0  }
.LBB2_2:
0x4b: {  	s16 =	sshra.s32 s15, $0x2;
	[sflag:s9] =	ssyncadd.s32 $0xFFFFFF80;
	p0 =	sne.s32 s15, $0x9E00  }
0x4c: {  	[spmem:s2] =	stream.indirect.scatter.add.f32 [tilespmem:s11], [sflag:$0x1], $0x1, s16, s10, $0xb8;
	[tilespmem:$0x2D80] =	vst v63  }
.Ltmp0:
0x4d: {  	_ = 	snop;
	(pc) =	sbr.rel @p0 .LBB2_2-.Ltmp0, $4  }
0x4e: {  	_ = 	snop  }
0x4f: {  	s15 =	sadd.s32 $0x200, s15  }
0x50: {  	_ =	swait.ge [sflag:s9], $0x80  }
0x51: {  	[sflag:s9] =	ssyncset.done $0x0  }
0x52: {  	s14 =	sadd.s32 $0x1, s14  }
0x53: {  	[sflag:s9] =	ssyncadd.s32 $0xFFFFFF80;
	p0 =	sne.s32 s14, s6  }
.Ltmp1:
0x54: {  	[bflag:$0x0] =	sbarrier.arrive $0xFFFF;
	(pc) =	sbr.rel @p0 .LBB2_1-.Ltmp1, $4  }
0x55: {  	[hbm:s7], [sflag:s12] =	dma.local [spmem:s13], $0x50  }
0x56: {  	_ =	swait.ge [sflag:s9], $0x50  }
0x57: {  	[sflag:s9] =	ssyncset.done $0x0  }
0x58: {  	[sflag:s9] =	ssyncadd.s32 $0xFFFFFFB0  }
0x59: {  	_ =	sfence.sel $0x180000  }
0x5a: {  	[bflag:$0x0] =	sbarrier.arrive $0xFFFF  }
0x5b: {  	p0 =	sne.s32 s1, $0x0;
	_ =	strace $0x90000047  }
0x5c: {  	s0 =	sadd.s32 @!p0 $0x100000, s0;
	[bflag:$0x2] =	sbarrier.arrive $0xFFFF  }
0x5d: {  	[sflag:s0] =	ssyncadd.tile.s32 @!p0 $0x1;
	_ =	shalt  }
.Lfunc_end2:
_tile_overlayer_lowered:
.L_overlay_start_2:
0x5e: {  	(tag) =	ssettag $0x2  }
0x5f: {  	s0 =	rddreg [dreg:$0x0];
	s2 =	stileid.u32  }
0x60: {  	s1 =	rddreg [dreg:$0x1];
	p0 =	sne.s32 s2, $0x0  }
0x61: {  	s3 =	rddreg [dreg:$0x2];
	[bflag:$0x3] =	sbarrier.arrive $0xFFFF;
	s2 =	simm.s32 @!p0 $0x1C01  }
0x62: {  	[timem:s3], [sflag:s2] =	dma.local @!p0 [hbm:s0], s1  }
0x63: {  	s0 =	simm.s32 @!p0 $0x1  }
0x64: {  	_ =	swait.ge @!p0 [sflag:s0], s1  }
0x65: {  	s1 =	ssub.s32 @!p0 $0x0, s1;
	[sflag:s0] =	ssyncset.done @!p0 $0x0  }
0x66: {  	[sflag:s0] =	ssyncadd.s32 @!p0 s1  }
0x67: {  	[bflag:$0x3] =	sbarrier.arrive $0xFFFF  }
0x68: {  	_ =	shalt  }

// kernel: kernel.9.cloned.1.call-start
scs
__scs_entry_jumppad:
0x0: {  	(pc) =	sbr.rel $0x88, $3  }
0x1: {  	(tag) =	ssettag $0x0;
	lr =	simm.s32 $0x1  }
0x2: {  	[smem:$0x3F9C] =	sst lr;
	_ =	strace $0xD0000000  }
0x3: {  	_ = 	snop  }
0x4: {  	_ = 	snop  }
0x5: {  	_ = 	snop  }
0x6: {  	_ = 	snop  }
0x7: {  	_ = 	snop  }
__scs_overlays_trampoline_lowered:
0x8: {  	[smem:$0x3FAB] =	sst s0  }
0x9: {  	[smem:$0x3FAC] =	sst s1  }
0xa: {  	[smem:$0x3FAD] =	sst s2  }
0xb: {  	[smem:$0x3FAE] =	sst s3  }
0xc: {  	[smem:$0x3FAF] =	sst s4  }
0xd: {  	[smem:$0x3FB0] =	sst s5  }
0xe: {  	[smem:$0x3FB1] =	sst s6  }
0xf: {  	[smem:$0x3FB2] =	sst s7  }
0x10: {  	[smem:$0x3FB3] =	sst s8  }
0x11: {  	[smem:$0x3FB4] =	sst s9;
	s0 =	simm.s32 @!p0 $0x0  }
0x12: {  	s1 =	sld [smem:$0x3F9A];
	s0 =	simm.s32 @p0 $0x1  }
0x13: {  	[smem:$0x3FB5] =	sst s0;
	s0 =	simm.s32 @!p1 $0x0  }
0x14: {  	s2 =	sld [smem:$0x3F99];
	s0 =	simm.s32 @p1 $0x1  }
0x15: {  	[smem:$0x3FB6] =	sst s0;
	s0 =	simm.s32 @!p2 $0x0  }
0x16: {  	s3 =	sld [smem:$0x3FDB];
	s0 =	simm.s32 @p2 $0x1  }
0x17: {  	s4 =	simm.s32 $0x1BF5;
	[smem:$0x3FB8] =	sst s0  }
0x18: {  	s0 =	sld [smem:$0x3F9B];
	_ =	swait.ge [sflag:s4], $0x0  }
0x19: {  	s7 =	sld [smem:$0x3F9C]  }
0x1a: {  	s8 =	sadd.s32 $0xFFFFE003, lr  }
0x1b: {  	s9 =	sadd.s32 $0xFFFFFEF7, lr;
	s5 =	simm.s32 $0xFFFFFFFF;
	p2 =	slt.u32 s8, $0xFFFFF086  }
0x1c: {  	p1 =	slt.u32 s9, $0xF7A;
	s5 =	simm.s32 @!p2 $0x0  }
0x1d: {  	s5 =	simm.s32 @p1 $0x1;
	p0 =	seq.s32 s7, s2  }
0x1e: {  	s7 =	smul.u32 @!p0 $0xF7A, s2;
	p2 =	seq.s32 @!p0 s5, $0x0  }
0x1f: {  	s9 =	smul.u32 $0xF7A, s1;
	s8 =	simm.s32 @!p0 $0x1BF5;
	p2 =	por !p2, p0  }
0x20: {  	[sflag:s8] =	ssyncset.s32 @!p0 $0xFFFFF086;
	s6 =	sadd.s32 @!p0 s3, s7;
	s7 =	simm.s32 @!p0 $0x108  }
0x21: {  	s3 =	sadd.s32 s3, s9;
	s6 =	sadd.s32 @!p0 $0x88, s6;
	s7 =	simm.s32 @p2 $0x1082  }
0x22: {  	[simem:s7], [sflag:s8] =	dma.local @!p0 [hbm:s6], $0xF7A  }
0x23: {  	s9 =	sor.u32 $0xD0000000, s2;
	s6 =	simm.s32 $0x108;
	_ =	swait.ge @!p0 [sflag:s8], $0x0  }
0x24: {  	s3 =	sadd.s32 $0x88, s3;
	s6 =	simm.s32 @!p1 $0x1082;
	[sflag:s4] =	ssyncset.s32 $0xFFFFF086  }
0x25: {  	[simem:s6], [sflag:s4] =	dma.local [hbm:s3], $0xF7A  }
0x26: {  	[smem:$0x3F9C] =	sst s1;
	(tag) =	ssettag s2;
	_ =	strace s9  }
0x27: {  	s1 =	sld [smem:$0x3FAC]  }
0x28: {  	s2 =	sld [smem:$0x3FAD]  }
0x29: {  	s4 =	sld [smem:$0x3FAF]  }
0x2a: {  	p0 =	seq.s32 s5, $0x0;
	s5 =	sld [smem:$0x3FB0]  }
0x2b: {  	s6 =	sld [smem:$0x3FB1]  }
0x2c: {  	s7 =	sld [smem:$0x3FB2]  }
0x2d: {  	s3 =	simm.s32 $0x108;
	s8 =	sld [smem:$0x3FB3]  }
0x2e: {  	s3 =	simm.s32 @!p0 $0x1082;
	s9 =	sld [smem:$0x3FB4]  }
0x2f: {  	lr =	sadd.s32 s0, s3;
	s0 =	sld [smem:$0x3FAB]  }
0x30: {  	s3 =	sld [smem:$0x3FAE]  }
0x31: {  	[smem:$0x3FB7] =	sst s10  }
0x32: {  	s10 =	sld [smem:$0x3FB5];
	_ =	sdelay $0x3  }
0x33: {  	p0 =	seq.s32 s10, $0x1;
	s10 =	sld [smem:$0x3FB7];
	_ =	sdelay $0x3  }
0x34: {  	[smem:$0x3FB7] =	sst s10  }
0x35: {  	s10 =	sld [smem:$0x3FB6];
	_ =	sdelay $0x3  }
0x36: {  	p1 =	seq.s32 s10, $0x1;
	s10 =	sld [smem:$0x3FB7];
	_ =	sdelay $0x3  }
0x37: {  	[smem:$0x3FB7] =	sst s10  }
0x38: {  	s10 =	sld [smem:$0x3FB8]  }
0x39: {  	_ = 	snop;
	(pc) =	sbr.ind lr, $3  }
0x3a: {  	_ = 	snop  }
0x3b: {  	_ = 	snop  }
0x3c: {  	p2 =	seq.s32 s10, $0x1;
	s10 =	sld [smem:$0x3FB7]  }
0x3d: {  	_ =	shalt  }
0x3e: {  	_ =	shalt  }
0x3f: {  	_ =	shalt  }
0x40: {  	_ =	shalt  }
0x41: {  	_ =	shalt  }
0x42: {  	_ =	shalt  }
0x43: {  	_ =	shalt  }
0x44: {  	_ =	shalt  }
0x45: {  	_ =	shalt  }
0x46: {  	_ =	shalt  }
0x47: {  	_ =	shalt  }
0x48: {  	_ =	shalt  }
0x49: {  	_ =	shalt  }
0x4a: {  	_ =	shalt  }
0x4b: {  	_ =	shalt  }
0x4c: {  	_ =	shalt  }
0x4d: {  	_ =	shalt  }
0x4e: {  	_ =	shalt  }
0x4f: {  	_ =	shalt  }
0x50: {  	_ =	shalt  }
0x51: {  	_ =	shalt  }
0x52: {  	_ =	shalt  }
0x53: {  	_ =	shalt  }
0x54: {  	_ =	shalt  }
0x55: {  	_ =	shalt  }
0x56: {  	_ =	shalt  }
0x57: {  	_ =	shalt  }
0x58: {  	_ =	shalt  }
0x59: {  	_ =	shalt  }
0x5a: {  	_ =	shalt  }
0x5b: {  	_ =	shalt  }
0x5c: {  	_ =	shalt  }
0x5d: {  	_ =	shalt  }
0x5e: {  	_ =	shalt  }
0x5f: {  	_ =	shalt  }
0x60: {  	_ =	shalt  }
0x61: {  	_ =	shalt  }
0x62: {  	_ =	shalt  }
0x63: {  	_ =	shalt  }
0x64: {  	_ =	shalt  }
0x65: {  	_ =	shalt  }
0x66: {  	_ =	shalt  }
0x67: {  	_ =	shalt  }
0x68: {  	_ =	shalt  }
0x69: {  	_ =	shalt  }
0x6a: {  	_ =	shalt  }
0x6b: {  	_ =	shalt  }
0x6c: {  	_ =	shalt  }
0x6d: {  	_ =	shalt  }
0x6e: {  	_ =	shalt  }
0x6f: {  	_ =	shalt  }
0x70: {  	_ =	shalt  }
0x71: {  	_ =	shalt  }
0x72: {  	_ =	shalt  }
0x73: {  	_ =	shalt  }
0x74: {  	_ =	shalt  }
0x75: {  	_ =	shalt  }
0x76: {  	_ =	shalt  }
0x77: {  	_ =	shalt  }
0x78: {  	_ =	shalt  }
0x79: {  	_ =	shalt  }
0x7a: {  	_ =	shalt  }
0x7b: {  	_ =	shalt  }
0x7c: {  	_ =	shalt  }
0x7d: {  	_ =	shalt  }
0x7e: {  	_ =	shalt  }
0x7f: {  	_ =	shalt  }
0x80: {  	_ =	shalt  }
0x81: {  	_ =	shalt  }
0x82: {  	_ =	shalt  }
0x83: {  	_ =	shalt  }
0x84: {  	_ =	shalt  }
0x85: {  	_ =	shalt  }
0x86: {  	_ =	shalt  }
0x87: {  	_ =	shalt  }
.Lfunc_end0:
.L_simem_size_0:
called_computation.1_lowered:
.L_overlay_start_0:
0x88: {  	s2 =	sld [smem:$0x3FD9]  }
0x89: {  	s3 =	sld [smem:$0x3FFE];
	_ =	sdelay $0x1  }
0x8a: {  	s1 =	srdreg.scid  }
0x8b: {  	s0 =	sand.u32 $0x1, s1  }
0x8c: {  	s17 =	sshll.u32 s0, $0xA;
	s2 =	sadd.s32 s3, s2  }
0x8d: {  	s2 =	sadd.s32 s2, s17  }
0x8e: {  	[smem:$0x3FC3] =	sst s2  }
0x8f: {  	_ = 	snop  }
0x90: {  	s2 =	sld [smem:$0x3FD0];
	(tm) =	ssettm $0x1  }
0x91: {  	s18 =	sld [smem:$0x3FFB];
	_ =	sdelay $0x3  }
0x92: {  	_ =	strace s18  }
0x93: {  	s3 =	sld [smem:$0x3FFC];
	_ =	sdelay $0x3  }
0x94: {  	_ =	strace s3  }
0x95: {  	s3 =	sld [smem:$0x3FFD];
	_ =	sdelay $0x3  }
0x96: {  	_ =	strace s3  }
0x97: {  	_ =	strace $0x8FFFFFFF  }
0x98: {  	s19 =	sld [smem:$0x3FDB];
	_ =	sdelay $0x1  }
0x99: {  	s4 =	simm.s32 $_scs_section_size  }
0x9a: {  	s5 =	simm.s32 $_size__tile_overlayer_lowered;
	s6 =	simm.s32 $_tile_overlayer_lowered  }
0x9b: {  	s22 =	simm.s32 $0x1BFF;
	s21 =	sshll.u32 s6, $0x1;
	s3 =	sadd.s32 s4, s19  }
0x9c: {  	s7 =	simm.s32 $0x0;
	s20 =	sshll.u32 s5, $0x1;
	s5 =	sadd.s32 s21, s3  }
0x9d: {  	[timem:s7], [sflag:s22] =	dma.local [hbm:s5], s20  }
0x9e: {  	_ =	swait.ge [sflag:s22], s20  }
0x9f: {  	s4 =	ssub.s32 $0x0, s20;
	[sflag:s22] =	ssyncset.done $0x0  }
0xa0: {  	[sflag:s22] =	ssyncadd.s32 s4;
	_ =	sdelay $0x1  }
0xa1: {  	s23 =	simm.s32 $0x1B8B  }
0xa2: {  	_ =	swait.ge [sflag:s23], $0x1  }
0xa3: {  	[sflag:s23] =	ssyncset.done $0x0  }
0xa4: {  	s25 =	simm.s32 $0x1B8E;
	s24 =	sld [smem:$0x3FFE];
	[sflag:s23] =	ssyncadd.s32 $0xFFFFFFFF  }
0xa5: {  	s26 =	simm.s32 $execute0_lowered;
	[smem:$0x3FD2] =	sst s25  }
0xa6: {  	s5 =	sshll.u32 s26, $0x1;
	_ =	strace $0x80000049;
	[dreg:$0x1] =	wrdreg $0xFFFFFFFF  }
0xa7: {  	s28 =	simm.s32 $_size_execute0_lowered;
	s3 =	sadd.s32 s3, s5;
	[dreg:$0x0] =	wrdreg $0x0  }
0xa8: {  	s5 =	sshll.u32 s28, $0x1;
	[dreg:$0x2] =	wrdreg s3  }
0xa9: {  	[dreg:$0x3] =	wrdreg s5  }
0xaa: {  	[dreg:$0x4] =	wrdreg $0xC0  }
0xab: {  	_ =	task [dreg:s7], $0x5FFFF  }
0xac: {  	[dreg:$0x1] =	wrdreg $0xFFFFFFFF  }
0xad: {  	[dreg:$0x0] =	wrdreg $0x60  }
0xae: {  	[dreg:$0x2] =	wrdreg s24  }
0xaf: {  	[dreg:$0x3] =	wrdreg s2  }
0xb0: {  	[dreg:$0x4] =	wrdreg $0xAD000  }
0xb1: {  	[dreg:$0x5] =	wrdreg $0x9  }
0xb2: {  	_ =	task.clear_ibuf [dreg:s7], $0x6FFFF;
	_ =	strace $0x90000049  }
0xb3: {  	s29 =	simm.s32 $0x9;
	_ =	strace $0x8000004B  }
0xb4: {  	_ =	swait.ge [sflag:s29], $0x1  }
0xb5: {  	[sflag:s29] =	ssyncadd.s32 $0xFFFFFFFF  }
0xb6: {  	_ =	strace $0x9000004B  }
0xb7: {  	_ =	sfence  }
0xb8: {  	s30 =	sld [smem:$0x0];
	_ =	sdelay $0x2  }
0xb9: {  	s31 =	sshll.u32 s1, $0xD;
	s1 =	sshrl.u32 s1, $0x2  }
0xba: {  	s3 =	sand.u32 $0x4000, s31;
	s1 =	sadd.s32 s1, s30  }
0xbb: {  	s0 =	sor.u32 s3, s0;
	s1 =	sshll.u32 s1, $0x11  }
0xbc: {  	s0 =	sor.u32 s1, s0  }
0xbd: {  	s0 =	sadd.s32 $0x8F2B, s0  }
0xbe: {  	[sflag:s0] =	ssyncadd.remote.s32 $0x1  }
0xbf: {  	_ =	sfence.sel $0xFFFF  }
0xc0: {  	[dreg:$0x0] =	wrdreg $0xFFFFFFFF;
	(pc) =	sbr.abs _section_cstart, $3  }
0xc1: {  	[dreg:$0x1] =	wrdreg $0xFFFFFFFF  }
0xc2: {  	_ =	task.clear_ibuf [dreg:s7], $0x2FFFF;
	_ =	strace $0x9FFFFFFF  }
0xc3: {  	(tm) =	ssettm $0x7FFFFFFF  }
tec
execute0_lowered:
.L_overlay_start_1:
0x0: {  	(tag) =	ssettag $0x1  }
0x1: {  	s0 =	rddreg [dreg:$0x0]  }
0x2: {  	s2 =	rddreg [dreg:$0x2];
	s1 =	srdreg.scid;
	s4 =	simm.s32 $0x0  }
0x3: {  	s11 =	stileid.u32;
	s28 =	simm.s32 $0x3;
	s29 =	simm.s32 $0x4  }
0x4: {  	s30 =	simm.s32 $0x0;
	s1 =	sand.u32 $0x1, s1;
	s8 =	smul.u32 $0x14000, s11  }
0x5: {  	[smem:$0x7FF] =	sst s4;
	s5 =	sadd.s32 $0x1600, s0;
	s9 =	smul.u32 $0x30, s11  }
0x6: {  	s6 =	sadd.s32 $0x34200, s0;
	s7 =	sadd.s32 $0xC200, s0;
	s10 =	smul.u32 $0x50000, s11  }
0x7: {  	s3 =	smul.u32 $0x140000, s1;
	_ =	strace $0x8000004A;
	s20 =	ssub.s32 $0x2, s1  }
0x8: {  	p0 =	seq.s32 s1, $0x0;
	s1 =	smul.u32 $0x70, s11;
	s21 =	sshrl.u32 s20, $0x1  }
0x9: {  	s11 =	sadd.s32 $0x700, s9;
	s22 =	sshrl.u32 s10, $0x2;
	s3 =	sadd.s32 s8, s3  }
0xa: {  	s8 =	simm.s32 $0x70;
	s11 =	smov.u32 @p0 s1;
	s9 =	sadd.s32 s22, s2  }
0xb: {  	s22 =	simm.s32 $0x200;
	s3 =	sshrl.u32 s3, $0x3;
	s23 =	sadd.s32 $0x4000, s9  }
0xc: {  	s8 =	simm.s32 @!p0 $0x30;
	s24 =	sadd.s32 $0x8000, s9;
	[dreg:$0x4] =	wrdreg s23  }
0xd: {  	s25 =	sshll.u32 s11, $0x4;
	s26 =	sadd.s32 $0xC000, s9;
	[dreg:$0x5] =	wrdreg s24  }
0xe: {  	s31 =	sadd.s32 $0x10000, s9;
	s17 =	sor.u32 $0x1, s11;
	[dreg:$0x6] =	wrdreg s26  }
0xf: {  	s0 =	sadd.s32 s3, s0;
	s3 =	ssub.s32 s20, s21;
	[dreg:$0x7] =	wrdreg s31  }
0x10: {  	s14 =	sadd.s32 s5, s25;
	s15 =	sadd.s32 s6, s25;
	s16 =	sadd.s32 $0xFFFFFFFF, s8  }
0x11: {  	s20 =	simm.s32 $0x2D00;
	s21 =	simm.s32 $0x5;
	s24 =	simm.s32 $0x80  }
0x12: {  	v0 =	vimm.f32 $0.0e+00;
	s26 =	simm.s32 $0x2C00;
	s18 =	sadd.s32 $0x3E200, s0;
	s19 =	smax.u32 s3, $0x1  }
.LBB2_1:
0x13: {  	s0 =	sand.u32 $0xFE00, s4  }
0x14: {  	s1 =	sand.u32 $0x70, s4;
	s3 =	sshrl.u32 s0, $0x2  }
0x15: {  	s0 =	simm.s32 $0x40;
	s3 =	sor.u32 s1, s3;
	s1 =	simm.s32 $0x0  }
.LBB2_2:
0x16: {  	p0 =	sne.s32 s0, $0xFFC0  }
0x17: {  	[tilespmem:s3+$0x2D00] =	vst v0;
	s1 =	sadd.s32 $0x10, s1;
	s3 =	smov.u32 s0;
	s0 =	sadd.s32 $0x40, s0  }
.Ltmp0:
0x18: {  	(pc) =	sbr.rel @p0 .LBB2_2-.Ltmp0, $4  }
0x19: {  	_ = 	snop  }
0x1a: {  	s3 =	sand.u32 $0xFE00, s3  }
0x1b: {  	s10 =	sand.u32 $0x70, s1;
	s3 =	sshrl.u32 s3, $0x2  }
0x1c: {  	s3 =	sor.u32 s10, s3  }
0x1d: {  	[tilespmem:s3+$0x2D00] =	vst v0  }
0x1e: {  	[spmem:s9] =	stream.linear.scatter [tilespmem:s20], [sflag:$0x5], $0x4000, $0x38;
	[tilespmem:$0x1ED00] =	vst v63  }
0x1f: {  	_ =	swait.ge [sflag:s21], $0x4000  }
0x20: {  	[sflag:s21] =	ssyncset.done $0x0  }
0x21: {  	s0 =	rddreg [dreg:$0x4];
	[sflag:s21] =	ssyncadd.s32 $0xFFFFC000  }
0x22: {  	[spmem:s0] =	stream.linear.scatter [tilespmem:s20], [sflag:$0x5], $0x4000, $0x38;
	[tilespmem:$0x1ED00] =	vst v63  }
0x23: {  	_ =	swait.ge [sflag:s21], $0x4000  }
0x24: {  	[sflag:s21] =	ssyncset.done $0x0  }
0x25: {  	s10 =	rddreg [dreg:$0x5];
	[sflag:s21] =	ssyncadd.s32 $0xFFFFC000  }
0x26: {  	[spmem:s10] =	stream.linear.scatter [tilespmem:s20], [sflag:$0x5], $0x4000, $0x38;
	[tilespmem:$0x1ED00] =	vst v63  }
0x27: {  	_ =	swait.ge [sflag:s21], $0x4000  }
0x28: {  	[sflag:s21] =	ssyncset.done $0x0  }
0x29: {  	s11 =	rddreg [dreg:$0x6];
	[sflag:s21] =	ssyncadd.s32 $0xFFFFC000  }
0x2a: {  	[spmem:s11] =	stream.linear.scatter [tilespmem:s20], [sflag:$0x5], $0x4000, $0x38;
	[tilespmem:$0x1ED00] =	vst v63  }
0x2b: {  	_ =	swait.ge [sflag:s21], $0x4000  }
0x2c: {  	[sflag:s21] =	ssyncset.done $0x0  }
0x2d: {  	s12 =	rddreg [dreg:$0x7];
	[sflag:s21] =	ssyncadd.s32 $0xFFFFC000  }
0x2e: {  	[spmem:s12] =	stream.linear.scatter [tilespmem:s20], [sflag:$0x5], $0x4000, $0x38;
	[tilespmem:$0x1ED00] =	vst v63  }
0x2f: {  	_ =	swait.ge [sflag:s21], $0x4000  }
0x30: {  	[sflag:s21] =	ssyncset.done $0x0  }
0x31: {  	[sflag:s21] =	ssyncadd.s32 $0xFFFFC000  }
0x32: {  	[bflag:$0x0] =	sbarrier.arrive $0xFFFF  }
0x33: {  	s31 =	simm.s32 $0x0;
	s13 =	rddreg [dreg:$0x1]  }
0x34: {  	[tilespmem:s22], [sflag:$0x5] =	stream.linear.gather [hbm4b:s13+s31], $0x2800, $0x38;
	[tilespmem:$0x1ED00] =	vst v63  }
0x35: {  	_ =	swait.ge [sflag:s21], $0x2800  }
0x36: {  	[sflag:s21] =	ssyncset.done $0x0  }
0x37: {  	[sflag:s21] =	ssyncadd.s32 $0xFFFFD800  }
0x38: {  	[tilespmem:s31], [sflag:$0x5] =	stream.linear.gather [hbm4b:s14+s31], $0x80, $0x38;
	[tilespmem:$0x1ED00] =	vst v63  }
0x39: {  	_ =	swait.ge [sflag:s21], $0x80  }
0x3a: {  	[sflag:s21] =	ssyncset.done $0x0  }
0x3b: {  	s23 =	simm.s32 $0x100;
	[sflag:s21] =	ssyncadd.s32 $0xFFFFFF80  }
0x3c: {  	[tilespmem:s23], [sflag:$0x5] =	stream.linear.gather [hbm4b:s15+s31], $0x80, $0x38;
	[tilespmem:$0x1ED00] =	vst v63  }
0x3d: {  	_ =	swait.ge [sflag:s21], $0x80  }
0x3e: {  	[sflag:s21] =	ssyncset.done $0x0  }
0x3f: {  	[sflag:s21] =	ssyncadd.s32 $0xFFFFFF80  }
0x40: {  	v1 =	vld [tilespmem:$0x0];
	_ =	sdelay $0x4  }
0x41: {  	v2 =	vand.u32 $0x3FFF, v1;
	_ =	sdelay $0x1  }
0x42: {  	v1 =	vshrl.u32 v1, $0xE  }
0x43: {  	[tilespmem:$0x2A00] =	vst v2  }
0x44: {  	v3 =	vld [tilespmem:$0x100];
	[tilespmem:$0x2B00] =	vst v1  }
0x45: {  	v2 =	vld.idx.msk [tilespmem:v2+s22+$0x0], $0xffff  }
0x46: {  	v4 =	vld [tilespmem:$0x10]  }
0x47: {  	v1 =	vld.idx.msk [tilespmem:v1+s22+$0x0], $0xffff;
	_ =	sdelay $0x2  }
0x48: {  	v2 =	vmul.f32 v3, v2;
	_ =	sdelay $0x1  }
0x49: {  	v1 =	vmul.f32 v2, v1;
	v2 =	vand.u32 $0x3FFF, v4;
	_ =	sdelay $0x1  }
0x4a: {  	[tilespmem:$0x2C00] =	vst v1;
	v1 =	vshrl.u32 v4, $0xE  }
0x4b: {  	[tilespmem:$0x2A10] =	vst v2  }
0x4c: {  	v3 =	vld [tilespmem:$0x110];
	[tilespmem:$0x2B10] =	vst v1  }
0x4d: {  	v2 =	vld.idx.msk [tilespmem:v2+s22+$0x0], $0xffff  }
0x4e: {  	v58 =	vld [tilespmem:$0x20]  }
0x4f: {  	v1 =	vld.idx.msk [tilespmem:v1+s22+$0x0], $0xffff;
	_ =	sdelay $0x2  }
0x50: {  	v2 =	vmul.f32 v3, v2;
	_ =	sdelay $0x1  }
0x51: {  	v1 =	vmul.f32 v2, v1;
	v2 =	vand.u32 $0x3FFF, v58;
	_ =	sdelay $0x1  }
0x52: {  	[tilespmem:$0x2C10] =	vst v1;
	v1 =	vshrl.u32 v58, $0xE  }
0x53: {  	[tilespmem:$0x2A20] =	vst v2  }
0x54: {  	v3 =	vld [tilespmem:$0x120];
	[tilespmem:$0x2B20] =	vst v1  }
0x55: {  	v2 =	vld.idx.msk [tilespmem:v2+s22+$0x0], $0xffff  }
0x56: {  	v59 =	vld [tilespmem:$0x30]  }
0x57: {  	v1 =	vld.idx.msk [tilespmem:v1+s22+$0x0], $0xffff;
	_ =	sdelay $0x2  }
0x58: {  	v2 =	vmul.f32 v3, v2;
	_ =	sdelay $0x1  }
0x59: {  	v1 =	vmul.f32 v2, v1;
	v2 =	vand.u32 $0x3FFF, v59;
	_ =	sdelay $0x1  }
0x5a: {  	[tilespmem:$0x2C20] =	vst v1;
	v1 =	vshrl.u32 v59, $0xE  }
0x5b: {  	[tilespmem:$0x2A30] =	vst v2  }
0x5c: {  	v3 =	vld [tilespmem:$0x130];
	[tilespmem:$0x2B30] =	vst v1  }
0x5d: {  	v2 =	vld.idx.msk [tilespmem:v2+s22+$0x0], $0xffff  }
0x5e: {  	v60 =	vld [tilespmem:$0x40]  }
0x5f: {  	v1 =	vld.idx.msk [tilespmem:v1+s22+$0x0], $0xffff;
	_ =	sdelay $0x2  }
0x60: {  	v2 =	vmul.f32 v3, v2;
	_ =	sdelay $0x1  }
0x61: {  	v1 =	vmul.f32 v2, v1;
	v2 =	vand.u32 $0x3FFF, v60;
	_ =	sdelay $0x1  }
0x62: {  	[tilespmem:$0x2C30] =	vst v1;
	v1 =	vshrl.u32 v60, $0xE  }
0x63: {  	[tilespmem:$0x2A40] =	vst v2  }
0x64: {  	v3 =	vld [tilespmem:$0x140];
	[tilespmem:$0x2B40] =	vst v1  }
0x65: {  	v2 =	vld.idx.msk [tilespmem:v2+s22+$0x0], $0xffff  }
0x66: {  	v61 =	vld [tilespmem:$0x50]  }
0x67: {  	v1 =	vld.idx.msk [tilespmem:v1+s22+$0x0], $0xffff;
	_ =	sdelay $0x2  }
0x68: {  	v2 =	vmul.f32 v3, v2;
	_ =	sdelay $0x1  }
0x69: {  	v1 =	vmul.f32 v2, v1;
	v2 =	vand.u32 $0x3FFF, v61;
	_ =	sdelay $0x1  }
0x6a: {  	[tilespmem:$0x2C40] =	vst v1;
	v1 =	vshrl.u32 v61, $0xE  }
0x6b: {  	[tilespmem:$0x2A50] =	vst v2  }
0x6c: {  	v3 =	vld [tilespmem:$0x150];
	[tilespmem:$0x2B50] =	vst v1  }
0x6d: {  	v2 =	vld.idx.msk [tilespmem:v2+s22+$0x0], $0xffff  }
0x6e: {  	v62 =	vld [tilespmem:$0x60]  }
0x6f: {  	v1 =	vld.idx.msk [tilespmem:v1+s22+$0x0], $0xffff;
	_ =	sdelay $0x2  }
0x70: {  	v2 =	vmul.f32 v3, v2;
	_ =	sdelay $0x1  }
0x71: {  	v1 =	vmul.f32 v2, v1;
	v2 =	vand.u32 $0x3FFF, v62;
	_ =	sdelay $0x1  }
0x72: {  	[tilespmem:$0x2C50] =	vst v1;
	v1 =	vshrl.u32 v62, $0xE  }
0x73: {  	[tilespmem:$0x2A60] =	vst v2  }
0x74: {  	v3 =	vld [tilespmem:$0x160];
	[tilespmem:$0x2B60] =	vst v1  }
0x75: {  	v2 =	vld.idx.msk [tilespmem:v2+s22+$0x0], $0xffff  }
0x76: {  	v63 =	vld [tilespmem:$0x70]  }
0x77: {  	v1 =	vld.idx.msk [tilespmem:v1+s22+$0x0], $0xffff;
	_ =	sdelay $0x2  }
0x78: {  	v2 =	vmul.f32 v3, v2;
	_ =	sdelay $0x1  }
0x79: {  	v1 =	vmul.f32 v2, v1;
	v2 =	vand.u32 $0x3FFF, v63;
	_ =	sdelay $0x1  }
0x7a: {  	[tilespmem:$0x2C60] =	vst v1;
	v1 =	vshrl.u32 v63, $0xE  }
0x7b: {  	[tilespmem:$0x2A70] =	vst v2  }
0x7c: {  	v3 =	vld [tilespmem:$0x170];
	[tilespmem:$0x2B70] =	vst v1  }
0x7d: {  	v2 =	vld.idx.msk [tilespmem:v2+s22+$0x0], $0xffff;
	_ =	sdelay $0x1  }
0x7e: {  	v1 =	vld.idx.msk [tilespmem:v1+s22+$0x0], $0xffff;
	_ =	sdelay $0x2  }
0x7f: {  	v2 =	vmul.f32 v3, v2;
	_ =	sdelay $0x1  }
0x80: {  	v1 =	vmul.f32 v2, v1;
	_ =	sdelay $0x1  }
0x81: {  	s25 =	simm.s32 $0x2A00;
	p0 =	por $0x0, $0x0;
	[tilespmem:$0x2C70] =	vst v1  }
0x82: {  	[tilespmem:s20], [sflag:$0x1] =	stream.indirect.gather [hbm4b:s7+s24], $0x80, s25, s24, $0xb8;
	[tilespmem:$0x1ED00] =	vst v63  }
.LBB2_4:
0x83: {  	p1 =	seq.s32 s31, $0x0  }
0x84: {  	p2 =	sge.u32 @!p1 s31, s16  }
0x85: {  	s0 =	sand.u32 $0x1, s31;
	p1 =	por p2, p1;
	p2 =	sge.u32 s31, s16  }
.Ltmp1:
0x86: {  	s1 =	sxor.u32 $0x1, s0;
	(pc) =	sbr.rel @p2 .LBB2_6-.Ltmp1, $4  }
0x87: {  	s3 =	sadd.s32 @!p1 $0x3, s1  }
0x88: {  	_ =	swait.ge @!p1 [sflag:s3], $0x4000  }
0x89: {  	[sflag:s3] =	ssyncset.done @!p1 $0x0  }
0x8a: {  	[sflag:s3] =	ssyncadd.s32 @!p1 $0xFFFFC000  }
0x8b: {  	s3 =	sadd.s32 s31, s17  }
0x8c: {  	s10 =	sshll.u32 s3, $0x4  }
0x8d: {  	s23 =	sshll.u32 s1, $0x7;
	s11 =	sadd.s32 s5, s10  }
0x8e: {  	[tilespmem:s23], [sflag:$0x5] =	stream.linear.gather [hbm4b:s11+s4], $0x80, $0x38;
	[tilespmem:$0x1ED00] =	vst v63  }
0x8f: {  	_ =	swait.ge [sflag:s21], $0x80  }
0x90: {  	[sflag:s21] =	ssyncset.done $0x0  }
0x91: {  	s25 =	sor.u32 $0x100, s23;
	s10 =	sadd.s32 s6, s10;
	[sflag:s21] =	ssyncadd.s32 $0xFFFFFF80  }
0x92: {  	[tilespmem:s25], [sflag:$0x5] =	stream.linear.gather [hbm4b:s10+s4], $0x80, $0x38;
	[tilespmem:$0x1ED00] =	vst v63  }
0x93: {  	_ =	swait.ge [sflag:s21], $0x80  }
0x94: {  	[sflag:s21] =	ssyncset.done $0x0  }
0x95: {  	[sflag:s21] =	ssyncadd.s32 $0xFFFFFF80  }
0x96: {  	v1 =	vld [tilespmem:s23+$0x0];
	_ =	sdelay $0x4  }
0x97: {  	v2 =	vand.u32 $0x3FFF, v1;
	_ =	sdelay $0x1  }
0x98: {  	v1 =	vshrl.u32 v1, $0xE  }
0x99: {  	[tilespmem:s23+$0x2A00] =	vst v2  }
0x9a: {  	v3 =	vld [tilespmem:s23+$0x100];
	[tilespmem:s23+$0x2B00] =	vst v1  }
0x9b: {  	v2 =	vld.idx.msk [tilespmem:v2+s22+$0x0], $0xffff  }
0x9c: {  	v4 =	vld [tilespmem:s23+$0x10]  }
0x9d: {  	v1 =	vld.idx.msk [tilespmem:v1+s22+$0x0], $0xffff;
	_ =	sdelay $0x2  }
0x9e: {  	v2 =	vmul.f32 v3, v2;
	_ =	sdelay $0x1  }
0x9f: {  	v1 =	vmul.f32 v2, v1;
	v2 =	vand.u32 $0x3FFF, v4;
	_ =	sdelay $0x1  }
0xa0: {  	[tilespmem:s23+$0x2C00] =	vst v1;
	v1 =	vshrl.u32 v4, $0xE  }
0xa1: {  	[tilespmem:s23+$0x2A10] =	vst v2  }
0xa2: {  	v3 =	vld [tilespmem:s23+$0x110];
	[tilespmem:s23+$0x2B10] =	vst v1  }
0xa3: {  	v2 =	vld.idx.msk [tilespmem:v2+s22+$0x0], $0xffff  }
0xa4: {  	v58 =	vld [tilespmem:s23+$0x20]  }
0xa5: {  	v1 =	vld.idx.msk [tilespmem:v1+s22+$0x0], $0xffff;
	_ =	sdelay $0x2  }
0xa6: {  	v2 =	vmul.f32 v3, v2;
	_ =	sdelay $0x1  }
0xa7: {  	v1 =	vmul.f32 v2, v1;
	v2 =	vand.u32 $0x3FFF, v58;
	_ =	sdelay $0x1  }
0xa8: {  	[tilespmem:s23+$0x2C10] =	vst v1;
	v1 =	vshrl.u32 v58, $0xE  }
0xa9: {  	[tilespmem:s23+$0x2A20] =	vst v2  }
0xaa: {  	v3 =	vld [tilespmem:s23+$0x120];
	[tilespmem:s23+$0x2B20] =	vst v1  }
0xab: {  	v2 =	vld.idx.msk [tilespmem:v2+s22+$0x0], $0xffff  }
0xac: {  	v59 =	vld [tilespmem:s23+$0x30]  }
0xad: {  	v1 =	vld.idx.msk [tilespmem:v1+s22+$0x0], $0xffff;
	_ =	sdelay $0x2  }
0xae: {  	v2 =	vmul.f32 v3, v2;
	_ =	sdelay $0x1  }
0xaf: {  	v1 =	vmul.f32 v2, v1;
	v2 =	vand.u32 $0x3FFF, v59;
	_ =	sdelay $0x1  }
0xb0: {  	[tilespmem:s23+$0x2C20] =	vst v1;
	v1 =	vshrl.u32 v59, $0xE  }
0xb1: {  	[tilespmem:s23+$0x2A30] =	vst v2  }
0xb2: {  	v3 =	vld [tilespmem:s23+$0x130];
	[tilespmem:s23+$0x2B30] =	vst v1  }
0xb3: {  	v2 =	vld.idx.msk [tilespmem:v2+s22+$0x0], $0xffff  }
0xb4: {  	v60 =	vld [tilespmem:s23+$0x40]  }
0xb5: {  	v1 =	vld.idx.msk [tilespmem:v1+s22+$0x0], $0xffff;
	_ =	sdelay $0x2  }
0xb6: {  	v2 =	vmul.f32 v3, v2;
	_ =	sdelay $0x1  }
0xb7: {  	v1 =	vmul.f32 v2, v1;
	v2 =	vand.u32 $0x3FFF, v60;
	_ =	sdelay $0x1  }
0xb8: {  	[tilespmem:s23+$0x2C30] =	vst v1;
	v1 =	vshrl.u32 v60, $0xE  }
0xb9: {  	[tilespmem:s23+$0x2A40] =	vst v2  }
0xba: {  	v3 =	vld [tilespmem:s23+$0x140];
	[tilespmem:s23+$0x2B40] =	vst v1  }
0xbb: {  	v2 =	vld.idx.msk [tilespmem:v2+s22+$0x0], $0xffff  }
0xbc: {  	v61 =	vld [tilespmem:s23+$0x50]  }
0xbd: {  	v1 =	vld.idx.msk [tilespmem:v1+s22+$0x0], $0xffff;
	_ =	sdelay $0x2  }
0xbe: {  	v2 =	vmul.f32 v3, v2;
	_ =	sdelay $0x1  }
0xbf: {  	v1 =	vmul.f32 v2, v1;
	v2 =	vand.u32 $0x3FFF, v61;
	_ =	sdelay $0x1  }
0xc0: {  	[tilespmem:s23+$0x2C40] =	vst v1;
	v1 =	vshrl.u32 v61, $0xE  }
0xc1: {  	[tilespmem:s23+$0x2A50] =	vst v2  }
0xc2: {  	v3 =	vld [tilespmem:s23+$0x150];
	[tilespmem:s23+$0x2B50] =	vst v1  }
0xc3: {  	v2 =	vld.idx.msk [tilespmem:v2+s22+$0x0], $0xffff  }
0xc4: {  	v62 =	vld [tilespmem:s23+$0x60]  }
0xc5: {  	v1 =	vld.idx.msk [tilespmem:v1+s22+$0x0], $0xffff;
	_ =	sdelay $0x2  }
0xc6: {  	v2 =	vmul.f32 v3, v2;
	_ =	sdelay $0x1  }
0xc7: {  	v1 =	vmul.f32 v2, v1;
	v2 =	vand.u32 $0x3FFF, v62;
	_ =	sdelay $0x1  }
0xc8: {  	[tilespmem:s23+$0x2C50] =	vst v1;
	v1 =	vshrl.u32 v62, $0xE  }
0xc9: {  	[tilespmem:s23+$0x2A60] =	vst v2  }
0xca: {  	v3 =	vld [tilespmem:s23+$0x160];
	[tilespmem:s23+$0x2B60] =	vst v1  }
0xcb: {  	v2 =	vld.idx.msk [tilespmem:v2+s22+$0x0], $0xffff  }
0xcc: {  	v63 =	vld [tilespmem:s23+$0x70]  }
0xcd: {  	v1 =	vld.idx.msk [tilespmem:v1+s22+$0x0], $0xffff;
	_ =	sdelay $0x2  }
0xce: {  	v2 =	vmul.f32 v3, v2;
	_ =	sdelay $0x1  }
0xcf: {  	v1 =	vmul.f32 v2, v1;
	v2 =	vand.u32 $0x3FFF, v63;
	_ =	sdelay $0x1  }
0xd0: {  	[tilespmem:s23+$0x2C60] =	vst v1;
	v1 =	vshrl.u32 v63, $0xE  }
0xd1: {  	[tilespmem:s23+$0x2A70] =	vst v2  }
0xd2: {  	v3 =	vld [tilespmem:s23+$0x170];
	[tilespmem:s23+$0x2B70] =	vst v1  }
0xd3: {  	v2 =	vld.idx.msk [tilespmem:v2+s22+$0x0], $0xffff;
	_ =	sdelay $0x1  }
0xd4: {  	v1 =	vld.idx.msk [tilespmem:v1+s22+$0x0], $0xffff;
	_ =	sdelay $0x2  }
0xd5: {  	v2 =	vmul.f32 v3, v2;
	_ =	sdelay $0x1  }
0xd6: {  	v1 =	vmul.f32 v2, v1  }
0xd7: {  	s12 =	sshll.u32 s1, $0xE  }
0xd8: {  	s13 =	sor.u32 $0x2A00, s23;
	s25 =	sadd.s32 $0x1, s1;
	[tilespmem:s23+$0x2C70] =	vst v1;
	s23 =	sor.u32 $0x2D00, s12  }
0xd9: {  	[tilespmem:s23], [sflag:s25] =	stream.indirect.gather [hbm4b:s7+s24], $0x80, s13, s24, $0xb8;
	[tilespmem:$0x1ED00] =	vst v63  }
.LBB2_6:
0xda: {  	s25 =	simm.s32 $0x0  }
0xdb: {  	s1 =	sshll.u32 s0, $0x7;
	v2 =	vmov s25  }
0xdc: {  	v1 =	vmov s1;
	v2 =	vand.u32 $0x7C, v2  }
0xdd: {  	v2 =	vor.u32 v1, v2  }
0xde: {  	v2 =	vbroadcast v2, $0x0  }
0xdf: {  	s3 =	simm.s32 $0x1;
	s10 =	sadd.s32 $0x1, s0  }
0xe0: {  	s3 =	simm.s32 @!p0 $0x0;
	_ =	swait.ge [sflag:s10], $0x4000  }
0xe1: {  	s3 =	sshll.u32 s3, $0xE;
	[sflag:s10] =	ssyncset.done $0x0  }
0xe2: {  	s11 =	sor.u32 $0x2E00, s3;
	[sflag:s10] =	ssyncadd.s32 $0xFFFFC000  }
0xe3: {  	v4 =	vld [tilespmem:s11+$0xFFFFFF70]  }
0xe4: {  	v2 =	vld.idx.msk [tilespmem:v2+s26+$0x0], $0xffff  }
0xe5: {  	v5 =	vld [tilespmem:s11+$0xFFFFFF00]  }
0xe6: {  	v6 =	vld [tilespmem:s11+$0xFFFFFF20]  }
0xe7: {  	v7 =	vld [tilespmem:s11+$0xFFFFFF30]  }
0xe8: {  	v3 =	vld [tilespmem:s11+$0xFFFFFF50]  }
0xe9: {  	s12 =	simm.s32 $0x1;
	v9 =	vld [tilespmem:s11+$0xFFFFFF10];
	v4 =	vmul.f32 v4, v2  }
0xea: {  	v11 =	vmov s12;
	v8 =	vld [tilespmem:s11+$0xFFFFFF60];
	v5 =	vmul.f32 v5, v2  }
0xeb: {  	v10 =	vld [tilespmem:s11+$0xFFFFFF40];
	v6 =	vmul.f32 v6, v2;
	[tilespmem:s11+$0xFFFFFF70] =	vst v4;
	v4 =	vand.u32 $0x7D, v11  }
0xec: {  	v7 =	vmul.f32 v7, v2;
	[tilespmem:s11+$0xFFFFFF00] =	vst v5;
	v4 =	vor.u32 v1, v4  }
0xed: {  	v3 =	vmul.f32 v3, v2;
	[tilespmem:s11+$0xFFFFFF20] =	vst v6;
	v4 =	vbroadcast v4, $0x0  }
0xee: {  	v5 =	vmul.f32 v9, v2;
	[tilespmem:s11+$0xFFFFFF30] =	vst v7  }
0xef: {  	v6 =	vmul.f32 v8, v2;
	[tilespmem:s11+$0xFFFFFF50] =	vst v3  }
0xf0: {  	v2 =	vmul.f32 v10, v2;
	[tilespmem:s11+$0xFFFFFF10] =	vst v5  }
0xf1: {  	[tilespmem:s11+$0xFFFFFF60] =	vst v6  }
0xf2: {  	[tilespmem:s11+$0xFFFFFF40] =	vst v2;
	v2 =	vld [tilespmem:s11+$0xFFFFFF80]  }
0xf3: {  	v4 =	vld.idx.msk [tilespmem:v4+s26+$0x0], $0xffff  }
0xf4: {  	v3 =	vld [tilespmem:s11+$0xFFFFFFA0]  }
0xf5: {  	v5 =	vld [tilespmem:s11+$0xFFFFFFF0]  }
0xf6: {  	v6 =	vld [tilespmem:s11+$0xFFFFFFC0]  }
0xf7: {  	v7 =	vld [tilespmem:s11+$0xFFFFFF90]  }
0xf8: {  	s13 =	simm.s32 $0x2;
	v8 =	vld [tilespmem:s11+$0xFFFFFFD0];
	v2 =	vmul.f32 v2, v4  }
0xf9: {  	v9 =	vld [tilespmem:s11+$0xFFFFFFB0];
	v10 =	vmov s13;
	v3 =	vmul.f32 v3, v4  }
0xfa: {  	v11 =	vld [tilespmem:s11+$0xFFFFFFE0];
	v5 =	vmul.f32 v5, v4;
	[tilespmem:s11+$0xFFFFFF80] =	vst v2;
	v2 =	vand.u32 $0x7E, v10  }
0xfb: {  	v6 =	vmul.f32 v6, v4;
	[tilespmem:s11+$0xFFFFFFA0] =	vst v3;
	v2 =	vor.u32 v1, v2  }
0xfc: {  	v3 =	vmul.f32 v7, v4;
	[tilespmem:s11+$0xFFFFFFF0] =	vst v5;
	v5 =	vbroadcast v2, $0x0  }
0xfd: {  	v7 =	vmul.f32 v8, v4;
	[tilespmem:s11+$0xFFFFFFC0] =	vst v6;
	v8 =	vld [tilespmem:s11+$0x30]  }
0xfe: {  	v6 =	vmul.f32 v9, v4;
	v2 =	vld [tilespmem:s11+$0x60];
	[tilespmem:s11+$0xFFFFFF90] =	vst v3  }
0xff: {  	v4 =	vmul.f32 v11, v4;
	v3 =	vld [tilespmem:s11+$0x70];
	[tilespmem:s11+$0xFFFFFFD0] =	vst v7  }
0x100: {  	[tilespmem:s11+$0xFFFFFFB0] =	vst v6;
	v6 =	vld [tilespmem:s11+$0x20]  }
0x101: {  	[tilespmem:s11+$0xFFFFFFE0] =	vst v4;
	v7 =	vld [tilespmem:s11+$0x0]  }
0x102: {  	s23 =	sshll.u32 s0, $0xE;
	v4 =	vld.idx.msk [tilespmem:v5+s26+$0x0], $0xffff  }
0x103: {  	s3 =	sor.u32 $0x2D00, s23;
	s10 =	simm.s32 $0x4;
	s23 =	smov.u32 s11;
	v5 =	vld [tilespmem:s11+$0x10]  }
.LBB2_7:
0x104: {  	p1 =	sne.s32 s10, $0x7C  }
0x105: {  	v9 =	vld [tilespmem:s11+$0x50];
	s23 =	sadd.s32 $0x200, s23;
	s12 =	smov.u32 s10;
	s10 =	sadd.s32 $0x4, s10  }
0x106: {  	v10 =	vld [tilespmem:s11+$0x40];
	_ =	sdelay $0x1  }
0x107: {  	s13 =	sadd.s32 $0x3, s25;
	s25 =	smov.u32 s12;
	v8 =	vmul.f32 v8, v4;
	v7 =	vmul.f32 v7, v4  }
0x108: {  	v11 =	vmov s13;
	v6 =	vmul.f32 v6, v4;
	v5 =	vmul.f32 v5, v4  }
0x109: {  	v2 =	vmul.f32 v2, v4;
	v3 =	vmul.f32 v3, v4;
	[tilespmem:s11+$0x30] =	vst v8;
	v8 =	vand.u32 $0x7F, v11  }
0x10a: {  	[tilespmem:s11+$0x20] =	vst v6;
	v6 =	vmul.f32 v10, v4;
	v4 =	vmul.f32 v9, v4;
	v8 =	vor.u32 v1, v8  }
0x10b: {  	[tilespmem:s11+$0x70] =	vst v3;
	v8 =	vbroadcast v8, $0x0;
	v9 =	vld [tilespmem:s11+$0x80]  }
0x10c: {  	[tilespmem:s11+$0x60] =	vst v2;
	v10 =	vld [tilespmem:s11+$0xF0]  }
0x10d: {  	v2 =	vld [tilespmem:s23+$0x60];
	[tilespmem:s11+$0x50] =	vst v4  }
0x10e: {  	v3 =	vld [tilespmem:s23+$0x70];
	[tilespmem:s11+$0x40] =	vst v6  }
0x10f: {  	[tilespmem:s11+$0x0] =	vst v7;
	v4 =	vld [tilespmem:s11+$0xD0]  }
0x110: {  	[tilespmem:s11+$0x10] =	vst v5;
	v5 =	vld [tilespmem:s11+$0xB0]  }
0x111: {  	v6 =	vld.idx.msk [tilespmem:v8+s26+$0x0], $0xffff  }
0x112: {  	v7 =	vld [tilespmem:s11+$0x90]  }
0x113: {  	v8 =	vld [tilespmem:s11+$0xA0]  }
0x114: {  	v11 =	vld [tilespmem:s11+$0xC0]  }
0x115: {  	v12 =	vld [tilespmem:s11+$0xE0];
	_ =	sdelay $0x1  }
0x116: {  	v9 =	vmul.f32 v9, v6;
	v7 =	vmul.f32 v7, v6  }
0x117: {  	v13 =	vmov s25;
	v5 =	vmul.f32 v5, v6;
	v8 =	vmul.f32 v8, v6  }
0x118: {  	v13 =	vand.u32 $0x7C, v13;
	v4 =	vmul.f32 v4, v6;
	[tilespmem:s11+$0x80] =	vst v9;
	v9 =	vmul.f32 v11, v6  }
0x119: {  	v11 =	vor.u32 v1, v13;
	[tilespmem:s11+$0xB0] =	vst v5;
	v5 =	vmul.f32 v12, v6;
	v6 =	vmul.f32 v10, v6  }
0x11a: {  	v10 =	vbroadcast v11, $0x0;
	[tilespmem:s11+$0xA0] =	vst v8  }
0x11b: {  	[tilespmem:s11+$0xD0] =	vst v4  }
0x11c: {  	v4 =	vld [tilespmem:s23+$0xFFFFFF50];
	[tilespmem:s11+$0xF0] =	vst v6  }
0x11d: {  	v6 =	vld [tilespmem:s23+$0xFFFFFF30];
	[tilespmem:s11+$0x90] =	vst v7  }
0x11e: {  	v7 =	vld [tilespmem:s23+$0xFFFFFF60];
	[tilespmem:s11+$0xC0] =	vst v9  }
0x11f: {  	v8 =	vld [tilespmem:s23+$0xFFFFFF70];
	[tilespmem:s11+$0xE0] =	vst v5;
	s11 =	smov.u32 s23  }
0x120: {  	v5 =	vld.idx.msk [tilespmem:v10+s26+$0x0], $0xffff  }
0x121: {  	v9 =	vld [tilespmem:s23+$0xFFFFFF00]  }
0x122: {  	v10 =	vld [tilespmem:s23+$0xFFFFFF20]  }
0x123: {  	v11 =	vld [tilespmem:s23+$0xFFFFFF10]  }
0x124: {  	v12 =	vld [tilespmem:s23+$0xFFFFFF40];
	_ =	sdelay $0x1  }
0x125: {  	s12 =	sadd.s32 $0x1, s25;
	v8 =	vmul.f32 v8, v5;
	v9 =	vmul.f32 v9, v5  }
0x126: {  	v13 =	vmov s12;
	v7 =	vmul.f32 v7, v5;
	v10 =	vmul.f32 v10, v5  }
0x127: {  	v6 =	vmul.f32 v6, v5;
	v11 =	vmul.f32 v11, v5;
	[tilespmem:s23+$0xFFFFFF70] =	vst v8;
	v8 =	vand.u32 $0x7D, v13  }
0x128: {  	v4 =	vmul.f32 v4, v5;
	[tilespmem:s23+$0xFFFFFF00] =	vst v9;
	v9 =	vmul.f32 v12, v5;
	v5 =	vor.u32 v1, v8  }
0x129: {  	[tilespmem:s23+$0xFFFFFF20] =	vst v10;
	v5 =	vbroadcast v5, $0x0  }
0x12a: {  	[tilespmem:s23+$0xFFFFFF30] =	vst v6  }
0x12b: {  	[tilespmem:s23+$0xFFFFFF50] =	vst v4;
	v4 =	vld [tilespmem:s23+$0xFFFFFFD0]  }
0x12c: {  	[tilespmem:s23+$0xFFFFFF10] =	vst v11;
	v6 =	vld [tilespmem:s23+$0xFFFFFFE0]  }
0x12d: {  	[tilespmem:s23+$0xFFFFFF60] =	vst v7;
	v7 =	vld [tilespmem:s23+$0xFFFFFFB0]  }
0x12e: {  	[tilespmem:s23+$0xFFFFFF40] =	vst v9;
	v8 =	vld [tilespmem:s23+$0xFFFFFFF0]  }
0x12f: {  	v5 =	vld.idx.msk [tilespmem:v5+s26+$0x0], $0xffff  }
0x130: {  	v9 =	vld [tilespmem:s23+$0xFFFFFF80]  }
0x131: {  	v10 =	vld [tilespmem:s23+$0xFFFFFFA0]  }
0x132: {  	v11 =	vld [tilespmem:s23+$0xFFFFFFC0]  }
0x133: {  	v12 =	vld [tilespmem:s23+$0xFFFFFF90];
	_ =	sdelay $0x1  }
0x134: {  	s12 =	sadd.s32 $0x2, s25;
	v8 =	vmul.f32 v8, v5;
	v9 =	vmul.f32 v9, v5  }
0x135: {  	v13 =	vmov s12;
	v7 =	vmul.f32 v7, v5;
	v10 =	vmul.f32 v10, v5  }
0x136: {  	v6 =	vmul.f32 v6, v5;
	[tilespmem:s23+$0xFFFFFF80] =	vst v9;
	v9 =	vmul.f32 v11, v5;
	v11 =	vand.u32 $0x7E, v13  }
0x137: {  	v4 =	vmul.f32 v4, v5;
	v12 =	vmul.f32 v12, v5;
	[tilespmem:s23+$0xFFFFFFA0] =	vst v10;
	v5 =	vor.u32 v1, v11  }
0x138: {  	[tilespmem:s23+$0xFFFFFFF0] =	vst v8;
	v5 =	vbroadcast v5, $0x0  }
0x139: {  	[tilespmem:s23+$0xFFFFFFC0] =	vst v9  }
0x13a: {  	[tilespmem:s23+$0xFFFFFF90] =	vst v12  }
0x13b: {  	[tilespmem:s23+$0xFFFFFFD0] =	vst v4  }
.Ltmp2:
0x13c: {  	[tilespmem:s23+$0xFFFFFFB0] =	vst v7;
	v8 =	vld [tilespmem:s23+$0x30];
	(pc) =	sbr.rel @p1 .LBB2_7-.Ltmp2, $4  }
0x13d: {  	[tilespmem:s23+$0xFFFFFFE0] =	vst v6;
	v6 =	vld [tilespmem:s23+$0x20]  }
0x13e: {  	v4 =	vld.idx.msk [tilespmem:v5+s26+$0x0], $0xffff  }
0x13f: {  	v7 =	vld [tilespmem:s23+$0x0]  }
0x140: {  	v5 =	vld [tilespmem:s23+$0x10]  }
0x141: {  	_ =	sdelay $0x1  }
0x142: {  	v9 =	vld [tilespmem:s11+$0x50];
	s10 =	sadd.s32 $0x3, s25;
	v8 =	vmul.f32 v8, v4  }
0x143: {  	v10 =	vld [tilespmem:s11+$0x40];
	v11 =	vmov s10;
	v3 =	vmul.f32 v3, v4  }
0x144: {  	v55 =	vand.u32 $0x7F, v11;
	v2 =	vmul.f32 v2, v4;
	[tilespmem:s11+$0x30] =	vst v8  }
0x145: {  	v6 =	vmul.f32 v6, v4;
	v1 =	vor.u32 v1, v55;
	[tilespmem:s11+$0x70] =	vst v3  }
0x146: {  	v1 =	vbroadcast v1, $0x0;
	[tilespmem:s11+$0x60] =	vst v2;
	v2 =	vmul.f32 v7, v4  }
0x147: {  	[tilespmem:s11+$0x20] =	vst v6;
	v3 =	vmul.f32 v9, v4  }
0x148: {  	v57 =	vmul.f32 v10, v4;
	[tilespmem:s11+$0x0] =	vst v2  }
0x149: {  	[tilespmem:s11+$0x50] =	vst v3;
	v3 =	vmul.f32 v5, v4  }
0x14a: {  	[tilespmem:s11+$0x40] =	vst v57  }
0x14b: {  	v56 =	vld [tilespmem:s11+$0x80];
	[tilespmem:s11+$0x10] =	vst v3  }
0x14c: {  	v1 =	vld.idx.msk [tilespmem:v1+s26+$0x0], $0xffff  }
0x14d: {  	v2 =	vld [tilespmem:s11+$0xB0]  }
0x14e: {  	v3 =	vld [tilespmem:s11+$0xA0]  }
0x14f: {  	v58 =	vld [tilespmem:s11+$0xD0]  }
0x150: {  	v61 =	vld [tilespmem:s11+$0xC0]  }
0x151: {  	v59 =	vld [tilespmem:s11+$0xF0];
	v6 =	vmul.f32 v56, v1  }
0x152: {  	v60 =	vld [tilespmem:s11+$0x90];
	v2 =	vmul.f32 v2, v1  }
0x153: {  	v62 =	vld [tilespmem:s11+$0xE0];
	v3 =	vmul.f32 v3, v1;
	[tilespmem:s11+$0x80] =	vst v6  }
0x154: {  	v4 =	vmul.f32 v58, v1;
	[tilespmem:s11+$0xB0] =	vst v2  }
0x155: {  	s31 =	sadd.s32 $0x1, s31;
	v63 =	vmul.f32 v61, v1;
	[tilespmem:s11+$0xA0] =	vst v3  }
0x156: {  	p1 =	sne.s32 s31, s8;
	v2 =	vmul.f32 v59, v1;
	[tilespmem:s11+$0xD0] =	vst v4  }
.Ltmp3:
0x157: {  	v3 =	vmul.f32 v60, v1;
	[tilespmem:s11+$0xC0] =	vst v63;
	(pc) =	sbr.rel @p1 .LBB2_4-.Ltmp3, $4  }
0x158: {  	v1 =	vmul.f32 v62, v1;
	[tilespmem:s11+$0xF0] =	vst v2  }
0x159: {  	[tilespmem:s11+$0x90] =	vst v3  }
0x15a: {  	s1 =	sor.u32 $0x2B00, s1;
	s0 =	sadd.s32 $0x3, s0;
	p0 =	por !p0, !p0;
	[tilespmem:s11+$0xE0] =	vst v1  }
0x15b: {  	[spmem:s2] =	stream.indirect.scatter.add.f32 [tilespmem:s3], [sflag:s0], $0x80, s1, s24, $0xb8;
	[tilespmem:$0x1ED00] =	vst v63  }
0x15c: {  	_ =	swait.ge [sflag:s28], $0x4000  }
0x15d: {  	[sflag:s28] =	ssyncset.done $0x0  }
0x15e: {  	[sflag:s28] =	ssyncadd.s32 $0xFFFFC000  }
0x15f: {  	s0 =	stileid.u32;
	_ =	swait.ge [sflag:s29], $0x4000  }
0x160: {  	s1 =	sshrl.u32 s9, $0x3;
	s30 =	sadd.s32 $0x1, s30;
	[sflag:s29] =	ssyncset.done $0x0  }
0x161: {  	s0 =	sshll.u32 s0, $0x6;
	p0 =	sne.s32 s30, s19;
	[sflag:s29] =	ssyncadd.s32 $0xFFFFC000  }
.Ltmp4:
0x162: {  	s0 =	sor.u32 $0x1C05, s0;
	[bflag:$0x0] =	sbarrier.arrive $0xFFFF;
	(pc) =	sbr.rel @p0 .LBB2_1-.Ltmp4, $4  }
0x163: {  	[hbm:s18], [sflag:s0] =	dma.local [spmem:s1], $0x2800  }
0x164: {  	_ =	swait.ge [sflag:s21], $0x2800  }
0x165: {  	[sflag:s21] =	ssyncset.done $0x0  }
0x166: {  	[sflag:s21] =	ssyncadd.s32 $0xFFFFD800  }
0x167: {  	_ =	sfence.sel $0x180000  }
0x168: {  	[bflag:$0x0] =	sbarrier.arrive $0xFFFF  }
0x169: {  	_ =	strace $0x9000004A  }
0x16a: {  	s0 =	stileid.u32;
	[bflag:$0x2] =	sbarrier.arrive $0xFFFF  }
0x16b: {  	p0 =	sne.s32 s0, $0x0;
	s0 =	rddreg [dreg:$0x3]  }
0x16c: {  	s0 =	sadd.s32 @!p0 $0x100000, s0  }
0x16d: {  	[sflag:s0] =	ssyncadd.tile.s32 @!p0 $0x1;
	_ =	shalt  }
.Lfunc_end2:
_tile_overlayer_lowered:
.L_overlay_start_2:
0x16e: {  	(tag) =	ssettag $0x2  }
0x16f: {  	s0 =	rddreg [dreg:$0x0];
	s2 =	stileid.u32  }
0x170: {  	s1 =	rddreg [dreg:$0x1];
	p0 =	sne.s32 s2, $0x0  }
0x171: {  	s3 =	rddreg [dreg:$0x2];
	[bflag:$0x3] =	sbarrier.arrive $0xFFFF;
	s2 =	simm.s32 @!p0 $0x1C05  }
0x172: {  	[timem:s3], [sflag:s2] =	dma.local @!p0 [hbm:s0], s1  }
0x173: {  	s0 =	simm.s32 @!p0 $0x5  }
0x174: {  	_ =	swait.ge @!p0 [sflag:s0], s1  }
0x175: {  	s1 =	ssub.s32 @!p0 $0x0, s1;
	[sflag:s0] =	ssyncset.done @!p0 $0x0  }
0x176: {  	[sflag:s0] =	ssyncadd.s32 @!p0 s1  }
0x177: {  	[bflag:$0x3] =	sbarrier.arrive $0xFFFF  }
0x178: {  	_ =	shalt  }

</sc_bundles>
